<compile_context>
chip_gen: v7x
topology: tpu7x:2x2x1
jax: 0.10.2.dev20260603
libtpu: 0.0.44.dev20260713+nightly
codegen_flags: <defaults>
</compile_context>

<pallas_src>
import functools

import jax
import jax.numpy as jnp
from jax import lax
from jax.experimental import pallas as pl
from jax.experimental.pallas import tpu as pltpu
from jax.experimental.pallas import tpu_sc as plsc

N_EMBED = 8192
D = 256
BETA = 1.0
EPS = 1e-12

TN = 512
TK = 8192
N_TOKENS = 32768


def _normalize_embed_body(e_ref, en_out_ref, e_norm_ref):
    x = e_ref[...]
    n2 = jnp.sum(x * x, axis=1, keepdims=True)
    n = jnp.sqrt(n2)
    xn = x / jnp.maximum(n, EPS)
    e_norm_ref[...] = xn
    en_out_ref[...] = jnp.sum(xn * xn, axis=1, keepdims=True).reshape(1, N_EMBED)


def _argmin_body(z_ref, e_norm_ref, en_ref, idx_ref, d2_ref):
    z = z_ref[...]
    zsq = jnp.sum(z * z, axis=1, keepdims=True)
    zn = z / jnp.maximum(jnp.sqrt(zsq), EPS)
    zn2 = jnp.sum(zn * zn, axis=1, keepdims=True)
    zm = -2.0 * zn

    val = jnp.full((TN, 128), jnp.inf, jnp.float32)
    cid = jnp.zeros((TN, 128), jnp.float32)
    for kc in range(N_EMBED // TK):
        e_chunk = e_norm_ref[pl.ds(kc * TK, TK), :]
        s2 = lax.dot_general(
            zm, e_chunk,
            dimension_numbers=(((1,), (1,)), ((), ())),
            preferred_element_type=jnp.float32,
        )
        for c in range(TK // 128):
            k0 = kc * TK + c * 128
            en_col = en_ref[:, pl.ds(k0, 128)]
            d2c = (zn2 + en_col) + lax.slice(s2, (0, c * 128), (TN, c * 128 + 128))
            dc = jnp.sqrt(jnp.maximum(d2c, 0.0))
            lt = dc < val
            val = jnp.where(lt, dc, val)
            cid = jnp.where(lt, jnp.float32(k0 // 128), cid)

    m = jnp.min(val, axis=1, keepdims=True)
    lane = lax.broadcasted_iota(jnp.int32, (TN, 128), 1).astype(jnp.float32)
    k_cand = cid * 128.0 + lane
    li = jnp.min(jnp.where(val == m, k_cand, 3e7), axis=1, keepdims=True)

    idx_ref[...] = li.astype(jnp.int32).reshape(1, 1, TN)
    d2_ref[...] = (m * m).reshape(1, 1, TN)


_SC_INFO = plsc.get_sparse_core_info()
_NC = _SC_INFO.num_cores
_NS = _SC_INFO.num_subcores
_NW = _NC * _NS
_ROWS_PER_W = N_TOKENS // _NW
_CH = 128
_NCH = _ROWS_PER_W // _CH


def _sc_gather_body(table_hbm, idx_hbm, out_hbm,
                    idx_v0, idx_v1, rows_v0, rows_v1, sem0, sem1):
    wid = lax.axis_index("s") * _NC + lax.axis_index("c")
    base = wid * _ROWS_PER_W
    idx_bufs = (idx_v0, idx_v1)
    row_bufs = (rows_v0, rows_v1)
    sems = (sem0, sem1)

    pltpu.sync_copy(idx_hbm.at[pl.ds(base, _CH)], idx_v0)
    cps = [pltpu.async_copy(table_hbm.at[idx_v0], rows_v0, sem0)]
    for c in range(_NCH):
        b = (c + 1) % 2
        if c + 1 < _NCH:
            pltpu.sync_copy(idx_hbm.at[pl.ds(base + (c + 1) * _CH, _CH)],
                            idx_bufs[b])
            cps.append(pltpu.async_copy(table_hbm.at[idx_bufs[b]],
                                        row_bufs[b], sems[b]))
        cps.pop(0).wait()
        pltpu.sync_copy(row_bufs[c % 2], out_hbm.at[pl.ds(base + c * _CH, _CH)])


_sc_gather = functools.partial(
    pl.kernel,
    out_type=jax.ShapeDtypeStruct((N_TOKENS, D), jnp.float32),
    mesh=plsc.VectorSubcoreMesh(core_axis_name="c", subcore_axis_name="s"),
    scratch_types=[
        pltpu.VMEM((_CH,), jnp.int32),
        pltpu.VMEM((_CH,), jnp.int32),
        pltpu.VMEM((_CH, D), jnp.float32),
        pltpu.VMEM((_CH, D), jnp.float32),
        pltpu.SemaphoreType.DMA,
        pltpu.SemaphoreType.DMA,
    ],
)(_sc_gather_body)


@jax.jit
def kernel(z, embed_weight):
    Bs, Ts, Ds = z.shape
    z_flat = z.reshape(-1, Ds)
    n_tiles = N_TOKENS // TN

    en, e_norm = pl.pallas_call(
        _normalize_embed_body,
        out_shape=(
            jax.ShapeDtypeStruct((1, N_EMBED), jnp.float32),
            jax.ShapeDtypeStruct((N_EMBED, D), jnp.float32),
        ),
    )(embed_weight)

    idx, d2min = pl.pallas_call(
        _argmin_body,
        grid=(n_tiles,),
        in_specs=[
            pl.BlockSpec((TN, D), lambda i: (i, 0)),
            pl.BlockSpec((N_EMBED, D), lambda i: (0, 0)),
            pl.BlockSpec((1, N_EMBED), lambda i: (0, 0)),
        ],
        out_specs=(
            pl.BlockSpec((1, 1, TN), lambda i: (i, 0, 0)),
            pl.BlockSpec((1, 1, TN), lambda i: (i, 0, 0)),
        ),
        out_shape=(
            jax.ShapeDtypeStruct((n_tiles, 1, TN), jnp.int32),
            jax.ShapeDtypeStruct((n_tiles, 1, TN), jnp.float32),
        ),
        compiler_params=pltpu.CompilerParams(
            dimension_semantics=("parallel",),
        ),
    )(z_flat, e_norm, en)

    indices = idx.reshape(N_TOKENS)
    quantized = _sc_gather(e_norm, indices)
    loss = jnp.sum(d2min) * ((1.0 + BETA) / (N_TOKENS * D))
    return (quantized.reshape(Bs, Ts, Ds), loss, indices.reshape(Bs, Ts))

# --- scband reference (transcript-rebuilt; emitter-appended) ---
"""Pipeline reference for scband-norm-emavector-quantizer-85435489452288 (READ-ONLY COPY).

The authoritative reference and input builder live on the scoring server;
editing this copy changes nothing except your own understanding.
"""

import jax, jax.numpy as jnp
import numpy as np

N_EMBED = 8192
D = 256
B = 32
T = 1024
BETA = 1.0


def _l2normalize(x, eps=1e-12):
    n = jnp.linalg.norm(x, axis=-1, keepdims=True)
    return x / jnp.maximum(n, eps)


def setup_inputs(seed: int = 0) -> dict:
    key = jax.random.key(seed)
    k1, k2 = jax.random.split(key)
    z = jax.random.normal(k1, (B, T, D), dtype=jnp.float32)
    embed_weight = jax.random.uniform(
        k2, (N_EMBED, D), dtype=jnp.float32, minval=-1.0 / N_EMBED, maxval=1.0 / N_EMBED
    )
    return {"z": z, "embed_weight": embed_weight}


def reference(z, embed_weight):
    Bs, Ts, Ds = z.shape
    z_flat = z.reshape(-1, Ds)
    z_flat = _l2normalize(z_flat)
    embed_normalized = _l2normalize(embed_weight)
    # cdist (euclidean) via expansion: ||a-b||^2 = ||a||^2 + ||b||^2 - 2 a.b
    zn = jnp.sum(z_flat * z_flat, axis=1, keepdims=True)  # [N,1]
    en = jnp.sum(embed_normalized * embed_normalized, axis=1)[None, :]  # [1,K]
    d2 = zn + en - 2.0 * (z_flat @ embed_normalized.T)
    distances = jnp.sqrt(jnp.maximum(d2, 0.0))
    indices = jnp.argmin(distances, axis=1)
    quantized = jnp.take(embed_normalized, indices, axis=0)
    e_latent_loss = jnp.mean((jax.lax.stop_gradient(quantized) - z_flat) ** 2)
    q_latent_loss = jnp.mean((quantized - jax.lax.stop_gradient(z_flat)) ** 2)
    loss = q_latent_loss + BETA * e_latent_loss
    quantized = z_flat + jax.lax.stop_gradient(quantized - z_flat)
    quantized = quantized.reshape(Bs, Ts, Ds)
    indices = indices.reshape(Bs, Ts)
    return (quantized, loss, indices)

if __name__ == "__main__":
    import jax
    _d = setup_inputs()
    print(jax.jit(kernel)(*tuple(_d.values())))

</pallas_src>

<mosaic_0001>
#map = affine_map<(d0, d1) -> (0, 0)>
#map1 = affine_map<(d0, d1) -> (0)>
module attributes {stable_mosaic.version = 14 : i64} {
  func.func @_sc_gather_body(%arg0: i32, %arg1: i32, %arg2: memref<8192x256xf32, #tpu.memory_space<hbm>>, %arg3: memref<32768xi32, #tpu.memory_space<hbm>>, %arg4: memref<32768x256xf32, #tpu.memory_space<hbm>>, %arg5: memref<128xi32, #tpu.memory_space<vmem>>, %arg6: memref<128xi32, #tpu.memory_space<vmem>>, %arg7: memref<128x256xf32, #tpu.memory_space<vmem>>, %arg8: memref<128x256xf32, #tpu.memory_space<vmem>>, %arg9: memref<!tpu.dma_semaphore, #tpu.memory_space<semaphore_mem>>, %arg10: memref<!tpu.dma_semaphore, #tpu.memory_space<semaphore_mem>>) attributes {dimension_semantics = [#tpu.dimension_semantics<core_parallel>, #tpu.dimension_semantics<subcore_parallel>], iteration_bounds = array<i64: 2, 16>, scalar_prefetch = 0 : i64, scratch_operands = 6 : i64, tpu.core_type = #tpu.core_type<sc_vector_subcore>, window_params = [{transform_indices = #map}, {transform_indices = #map1}, {transform_indices = #map}]} {
    %mul3A = arith.constant 2 : i32
    %mul3A_0 = arith.muli %arg1, %mul3A : i32
    %add3A = arith.addi %mul3A_0, %arg0 : i32
    %mul3A_1 = arith.constant 1024 : i32
    %mul3A_2 = arith.muli %add3A, %mul3A_1 : i32
    "tpu.region"() ({
      %run_scoped3A = tpu.sem_alloc : memref<!tpu.dma_semaphore, #tpu.memory_space<semaphore_mem>>
      %dma_start3A_79 = tpu.memref_slice %arg3[%mul3A_2] : memref<32768xi32, #tpu.memory_space<hbm>> -> memref<128xi32, #tpu.memory_space<hbm>>
      %dma_start3A_80 = tpu.memref_slice %arg3[%mul3A_2] : memref<32768xi32, #tpu.memory_space<hbm>> -> memref<128xi32, #tpu.memory_space<hbm>>
      tpu.enqueue_dma source(%dma_start3A_80 : memref<128xi32, #tpu.memory_space<hbm>>) target(%arg5 : memref<128xi32, #tpu.memory_space<vmem>>) target_semaphore(%run_scoped3A : memref<!tpu.dma_semaphore, #tpu.memory_space<semaphore_mem>>)
      %dma_wait3A_81 = tpu.memref_slice %arg3[%mul3A_2] : memref<32768xi32, #tpu.memory_space<hbm>> -> memref<128xi32, #tpu.memory_space<hbm>>
      %dma_wait3A_82 = tpu.memref_slice %arg3[%mul3A_2] : memref<32768xi32, #tpu.memory_space<hbm>> -> memref<128xi32, #tpu.memory_space<hbm>>
      tpu.wait_dma2 semaphore(%run_scoped3A : memref<!tpu.dma_semaphore, #tpu.memory_space<semaphore_mem>>) src(%dma_wait3A_82 : memref<128xi32, #tpu.memory_space<hbm>>) dst(%arg5 : memref<128xi32, #tpu.memory_space<vmem>>)
      tpu.yield
    }) : () -> ()
    %dma_start3A = arith.constant 0 : i32
    %dma_start3A_3 = arith.constant 0 : i32
    %dma_start3A_4 = tpu.memref_slice %arg2[%dma_start3A, %dma_start3A_3] : memref<8192x256xf32, #tpu.memory_space<hbm>> -> memref<8192x256xf32, #tpu.memory_space<hbm>>
    tpu.enqueue_indirect_dma source(%dma_start3A_4 : memref<8192x256xf32, #tpu.memory_space<hbm>>) target(%arg7 : memref<128x256xf32, #tpu.memory_space<vmem>>) offsets(%arg5 : memref<128xi32, #tpu.memory_space<vmem>>) semaphore(%arg9 : memref<!tpu.dma_semaphore, #tpu.memory_space<semaphore_mem>>)
    %add3A_5 = arith.constant 128 : i32
    %add3A_6 = arith.addi %mul3A_2, %add3A_5 : i32
    "tpu.region"() ({
      %run_scoped3A = tpu.sem_alloc : memref<!tpu.dma_semaphore, #tpu.memory_space<semaphore_mem>>
      %dma_start3A_79 = tpu.memref_slice %arg3[%add3A_6] : memref<32768xi32, #tpu.memory_space<hbm>> -> memref<128xi32, #tpu.memory_space<hbm>>
      %dma_start3A_80 = tpu.memref_slice %arg3[%add3A_6] : memref<32768xi32, #tpu.memory_space<hbm>> -> memref<128xi32, #tpu.memory_space<hbm>>
      tpu.enqueue_dma source(%dma_start3A_80 : memref<128xi32, #tpu.memory_space<hbm>>) target(%arg6 : memref<128xi32, #tpu.memory_space<vmem>>) target_semaphore(%run_scoped3A : memref<!tpu.dma_semaphore, #tpu.memory_space<semaphore_mem>>)
      %dma_wait3A_81 = tpu.memref_slice %arg3[%add3A_6] : memref<32768xi32, #tpu.memory_space<hbm>> -> memref<128xi32, #tpu.memory_space<hbm>>
      %dma_wait3A_82 = tpu.memref_slice %arg3[%add3A_6] : memref<32768xi32, #tpu.memory_space<hbm>> -> memref<128xi32, #tpu.memory_space<hbm>>
      tpu.wait_dma2 semaphore(%run_scoped3A : memref<!tpu.dma_semaphore, #tpu.memory_space<semaphore_mem>>) src(%dma_wait3A_82 : memref<128xi32, #tpu.memory_space<hbm>>) dst(%arg6 : memref<128xi32, #tpu.memory_space<vmem>>)
      tpu.yield
    }) : () -> ()
    %dma_start3A_7 = arith.constant 0 : i32
    %dma_start3A_8 = arith.constant 0 : i32
    %dma_start3A_9 = tpu.memref_slice %arg2[%dma_start3A_7, %dma_start3A_8] : memref<8192x256xf32, #tpu.memory_space<hbm>> -> memref<8192x256xf32, #tpu.memory_space<hbm>>
    tpu.enqueue_indirect_dma source(%dma_start3A_9 : memref<8192x256xf32, #tpu.memory_space<hbm>>) target(%arg8 : memref<128x256xf32, #tpu.memory_space<vmem>>) offsets(%arg6 : memref<128xi32, #tpu.memory_space<vmem>>) semaphore(%arg10 : memref<!tpu.dma_semaphore, #tpu.memory_space<semaphore_mem>>)
    %dma_wait3A = arith.constant 0 : i32
    %dma_wait3A_10 = arith.constant 0 : i32
    %dma_wait3A_11 = tpu.memref_slice %arg2[%dma_wait3A, %dma_wait3A_10] : memref<8192x256xf32, #tpu.memory_space<hbm>> -> memref<8192x256xf32, #tpu.memory_space<hbm>>
    tpu.wait_indirect_dma semaphore(%arg9 : memref<!tpu.dma_semaphore, #tpu.memory_space<semaphore_mem>>) src(%dma_wait3A_11 : memref<8192x256xf32, #tpu.memory_space<hbm>>) dst(%arg7 : memref<128x256xf32, #tpu.memory_space<vmem>>)
    %add3A_12 = arith.constant 0 : i32
    %add3A_13 = arith.addi %mul3A_2, %add3A_12 : i32
    "tpu.region"() ({
      %run_scoped3A = tpu.sem_alloc : memref<!tpu.dma_semaphore, #tpu.memory_space<semaphore_mem>>
      %dma_start3A_79 = arith.constant 0 : i32
      %dma_start3A_80 = tpu.memref_slice %arg4[%add3A_13, %dma_start3A_79] : memref<32768x256xf32, #tpu.memory_space<hbm>> -> memref<128x256xf32, #tpu.memory_space<hbm>>
      %dma_start3A_81 = arith.constant 0 : i32
      %dma_start3A_82 = tpu.memref_slice %arg4[%add3A_13, %dma_start3A_81] : memref<32768x256xf32, #tpu.memory_space<hbm>> -> memref<128x256xf32, #tpu.memory_space<hbm>>
      tpu.enqueue_dma source(%arg7 : memref<128x256xf32, #tpu.memory_space<vmem>>) target(%dma_start3A_82 : memref<128x256xf32, #tpu.memory_space<hbm>>) target_semaphore(%run_scoped3A : memref<!tpu.dma_semaphore, #tpu.memory_space<semaphore_mem>>)
      %dma_wait3A_83 = arith.constant 0 : i32
      %dma_wait3A_84 = tpu.memref_slice %arg4[%add3A_13, %dma_wait3A_83] : memref<32768x256xf32, #tpu.memory_space<hbm>> -> memref<128x256xf32, #tpu.memory_space<hbm>>
      %dma_wait3A_85 = arith.constant 0 : i32
      %dma_wait3A_86 = tpu.memref_slice %arg4[%add3A_13, %dma_wait3A_85] : memref<32768x256xf32, #tpu.memory_space<hbm>> -> memref<128x256xf32, #tpu.memory_space<hbm>>
      tpu.wait_dma2 semaphore(%run_scoped3A : memref<!tpu.dma_semaphore, #tpu.memory_space<semaphore_mem>>) src(%arg7 : memref<128x256xf32, #tpu.memory_space<vmem>>) dst(%dma_wait3A_86 : memref<128x256xf32, #tpu.memory_space<hbm>>)
      tpu.yield
    }) : () -> ()
    %add3A_14 = arith.constant 256 : i32
    %add3A_15 = arith.addi %mul3A_2, %add3A_14 : i32
    "tpu.region"() ({
      %run_scoped3A = tpu.sem_alloc : memref<!tpu.dma_semaphore, #tpu.memory_space<semaphore_mem>>
      %dma_start3A_79 = tpu.memref_slice %arg3[%add3A_15] : memref<32768xi32, #tpu.memory_space<hbm>> -> memref<128xi32, #tpu.memory_space<hbm>>
      %dma_start3A_80 = tpu.memref_slice %arg3[%add3A_15] : memref<32768xi32, #tpu.memory_space<hbm>> -> memref<128xi32, #tpu.memory_space<hbm>>
      tpu.enqueue_dma source(%dma_start3A_80 : memref<128xi32, #tpu.memory_space<hbm>>) target(%arg5 : memref<128xi32, #tpu.memory_space<vmem>>) target_semaphore(%run_scoped3A : memref<!tpu.dma_semaphore, #tpu.memory_space<semaphore_mem>>)
      %dma_wait3A_81 = tpu.memref_slice %arg3[%add3A_15] : memref<32768xi32, #tpu.memory_space<hbm>> -> memref<128xi32, #tpu.memory_space<hbm>>
      %dma_wait3A_82 = tpu.memref_slice %arg3[%add3A_15] : memref<32768xi32, #tpu.memory_space<hbm>> -> memref<128xi32, #tpu.memory_space<hbm>>
      tpu.wait_dma2 semaphore(%run_scoped3A : memref<!tpu.dma_semaphore, #tpu.memory_space<semaphore_mem>>) src(%dma_wait3A_82 : memref<128xi32, #tpu.memory_space<hbm>>) dst(%arg5 : memref<128xi32, #tpu.memory_space<vmem>>)
      tpu.yield
    }) : () -> ()
    %dma_start3A_16 = arith.constant 0 : i32
    %dma_start3A_17 = arith.constant 0 : i32
    %dma_start3A_18 = tpu.memref_slice %arg2[%dma_start3A_16, %dma_start3A_17] : memref<8192x256xf32, #tpu.memory_space<hbm>> -> memref<8192x256xf32, #tpu.memory_space<hbm>>
    tpu.enqueue_indirect_dma source(%dma_start3A_18 : memref<8192x256xf32, #tpu.memory_space<hbm>>) target(%arg7 : memref<128x256xf32, #tpu.memory_space<vmem>>) offsets(%arg5 : memref<128xi32, #tpu.memory_space<vmem>>) semaphore(%arg9 : memref<!tpu.dma_semaphore, #tpu.memory_space<semaphore_mem>>)
    %dma_wait3A_19 = arith.constant 0 : i32
    %dma_wait3A_20 = arith.constant 0 : i32
    %dma_wait3A_21 = tpu.memref_slice %arg2[%dma_wait3A_19, %dma_wait3A_20] : memref<8192x256xf32, #tpu.memory_space<hbm>> -> memref<8192x256xf32, #tpu.memory_space<hbm>>
    tpu.wait_indirect_dma semaphore(%arg10 : memref<!tpu.dma_semaphore, #tpu.memory_space<semaphore_mem>>) src(%dma_wait3A_21 : memref<8192x256xf32, #tpu.memory_space<hbm>>) dst(%arg8 : memref<128x256xf32, #tpu.memory_space<vmem>>)
    %add3A_22 = arith.constant 128 : i32
    %add3A_23 = arith.addi %mul3A_2, %add3A_22 : i32
    "tpu.region"() ({
      %run_scoped3A = tpu.sem_alloc : memref<!tpu.dma_semaphore, #tpu.memory_space<semaphore_mem>>
      %dma_start3A_79 = arith.constant 0 : i32
      %dma_start3A_80 = tpu.memref_slice %arg4[%add3A_23, %dma_start3A_79] : memref<32768x256xf32, #tpu.memory_space<hbm>> -> memref<128x256xf32, #tpu.memory_space<hbm>>
      %dma_start3A_81 = arith.constant 0 : i32
      %dma_start3A_82 = tpu.memref_slice %arg4[%add3A_23, %dma_start3A_81] : memref<32768x256xf32, #tpu.memory_space<hbm>> -> memref<128x256xf32, #tpu.memory_space<hbm>>
      tpu.enqueue_dma source(%arg8 : memref<128x256xf32, #tpu.memory_space<vmem>>) target(%dma_start3A_82 : memref<128x256xf32, #tpu.memory_space<hbm>>) target_semaphore(%run_scoped3A : memref<!tpu.dma_semaphore, #tpu.memory_space<semaphore_mem>>)
      %dma_wait3A_83 = arith.constant 0 : i32
      %dma_wait3A_84 = tpu.memref_slice %arg4[%add3A_23, %dma_wait3A_83] : memref<32768x256xf32, #tpu.memory_space<hbm>> -> memref<128x256xf32, #tpu.memory_space<hbm>>
      %dma_wait3A_85 = arith.constant 0 : i32
      %dma_wait3A_86 = tpu.memref_slice %arg4[%add3A_23, %dma_wait3A_85] : memref<32768x256xf32, #tpu.memory_space<hbm>> -> memref<128x256xf32, #tpu.memory_space<hbm>>
      tpu.wait_dma2 semaphore(%run_scoped3A : memref<!tpu.dma_semaphore, #tpu.memory_space<semaphore_mem>>) src(%arg8 : memref<128x256xf32, #tpu.memory_space<vmem>>) dst(%dma_wait3A_86 : memref<128x256xf32, #tpu.memory_space<hbm>>)
      tpu.yield
    }) : () -> ()
    %add3A_24 = arith.constant 384 : i32
    %add3A_25 = arith.addi %mul3A_2, %add3A_24 : i32
    "tpu.region"() ({
      %run_scoped3A = tpu.sem_alloc : memref<!tpu.dma_semaphore, #tpu.memory_space<semaphore_mem>>
      %dma_start3A_79 = tpu.memref_slice %arg3[%add3A_25] : memref<32768xi32, #tpu.memory_space<hbm>> -> memref<128xi32, #tpu.memory_space<hbm>>
      %dma_start3A_80 = tpu.memref_slice %arg3[%add3A_25] : memref<32768xi32, #tpu.memory_space<hbm>> -> memref<128xi32, #tpu.memory_space<hbm>>
      tpu.enqueue_dma source(%dma_start3A_80 : memref<128xi32, #tpu.memory_space<hbm>>) target(%arg6 : memref<128xi32, #tpu.memory_space<vmem>>) target_semaphore(%run_scoped3A : memref<!tpu.dma_semaphore, #tpu.memory_space<semaphore_mem>>)
      %dma_wait3A_81 = tpu.memref_slice %arg3[%add3A_25] : memref<32768xi32, #tpu.memory_space<hbm>> -> memref<128xi32, #tpu.memory_space<hbm>>
      %dma_wait3A_82 = tpu.memref_slice %arg3[%add3A_25] : memref<32768xi32, #tpu.memory_space<hbm>> -> memref<128xi32, #tpu.memory_space<hbm>>
      tpu.wait_dma2 semaphore(%run_scoped3A : memref<!tpu.dma_semaphore, #tpu.memory_space<semaphore_mem>>) src(%dma_wait3A_82 : memref<128xi32, #tpu.memory_space<hbm>>) dst(%arg6 : memref<128xi32, #tpu.memory_space<vmem>>)
      tpu.yield
    }) : () -> ()
    %dma_start3A_26 = arith.constant 0 : i32
    %dma_start3A_27 = arith.constant 0 : i32
    %dma_start3A_28 = tpu.memref_slice %arg2[%dma_start3A_26, %dma_start3A_27] : memref<8192x256xf32, #tpu.memory_space<hbm>> -> memref<8192x256xf32, #tpu.memory_space<hbm>>
    tpu.enqueue_indirect_dma source(%dma_start3A_28 : memref<8192x256xf32, #tpu.memory_space<hbm>>) target(%arg8 : memref<128x256xf32, #tpu.memory_space<vmem>>) offsets(%arg6 : memref<128xi32, #tpu.memory_space<vmem>>) semaphore(%arg10 : memref<!tpu.dma_semaphore, #tpu.memory_space<semaphore_mem>>)
    %dma_wait3A_29 = arith.constant 0 : i32
    %dma_wait3A_30 = arith.constant 0 : i32
    %dma_wait3A_31 = tpu.memref_slice %arg2[%dma_wait3A_29, %dma_wait3A_30] : memref<8192x256xf32, #tpu.memory_space<hbm>> -> memref<8192x256xf32, #tpu.memory_space<hbm>>
    tpu.wait_indirect_dma semaphore(%arg9 : memref<!tpu.dma_semaphore, #tpu.memory_space<semaphore_mem>>) src(%dma_wait3A_31 : memref<8192x256xf32, #tpu.memory_space<hbm>>) dst(%arg7 : memref<128x256xf32, #tpu.memory_space<vmem>>)
    %add3A_32 = arith.constant 256 : i32
    %add3A_33 = arith.addi %mul3A_2, %add3A_32 : i32
    "tpu.region"() ({
      %run_scoped3A = tpu.sem_alloc : memref<!tpu.dma_semaphore, #tpu.memory_space<semaphore_mem>>
      %dma_start3A_79 = arith.constant 0 : i32
      %dma_start3A_80 = tpu.memref_slice %arg4[%add3A_33, %dma_start3A_79] : memref<32768x256xf32, #tpu.memory_space<hbm>> -> memref<128x256xf32, #tpu.memory_space<hbm>>
      %dma_start3A_81 = arith.constant 0 : i32
      %dma_start3A_82 = tpu.memref_slice %arg4[%add3A_33, %dma_start3A_81] : memref<32768x256xf32, #tpu.memory_space<hbm>> -> memref<128x256xf32, #tpu.memory_space<hbm>>
      tpu.enqueue_dma source(%arg7 : memref<128x256xf32, #tpu.memory_space<vmem>>) target(%dma_start3A_82 : memref<128x256xf32, #tpu.memory_space<hbm>>) target_semaphore(%run_scoped3A : memref<!tpu.dma_semaphore, #tpu.memory_space<semaphore_mem>>)
      %dma_wait3A_83 = arith.constant 0 : i32
      %dma_wait3A_84 = tpu.memref_slice %arg4[%add3A_33, %dma_wait3A_83] : memref<32768x256xf32, #tpu.memory_space<hbm>> -> memref<128x256xf32, #tpu.memory_space<hbm>>
      %dma_wait3A_85 = arith.constant 0 : i32
      %dma_wait3A_86 = tpu.memref_slice %arg4[%add3A_33, %dma_wait3A_85] : memref<32768x256xf32, #tpu.memory_space<hbm>> -> memref<128x256xf32, #tpu.memory_space<hbm>>
      tpu.wait_dma2 semaphore(%run_scoped3A : memref<!tpu.dma_semaphore, #tpu.memory_space<semaphore_mem>>) src(%arg7 : memref<128x256xf32, #tpu.memory_space<vmem>>) dst(%dma_wait3A_86 : memref<128x256xf32, #tpu.memory_space<hbm>>)
      tpu.yield
    }) : () -> ()
    %add3A_34 = arith.constant 512 : i32
    %add3A_35 = arith.addi %mul3A_2, %add3A_34 : i32
    "tpu.region"() ({
      %run_scoped3A = tpu.sem_alloc : memref<!tpu.dma_semaphore, #tpu.memory_space<semaphore_mem>>
      %dma_start3A_79 = tpu.memref_slice %arg3[%add3A_35] : memref<32768xi32, #tpu.memory_space<hbm>> -> memref<128xi32, #tpu.memory_space<hbm>>
      %dma_start3A_80 = tpu.memref_slice %arg3[%add3A_35] : memref<32768xi32, #tpu.memory_space<hbm>> -> memref<128xi32, #tpu.memory_space<hbm>>
      tpu.enqueue_dma source(%dma_start3A_80 : memref<128xi32, #tpu.memory_space<hbm>>) target(%arg5 : memref<128xi32, #tpu.memory_space<vmem>>) target_semaphore(%run_scoped3A : memref<!tpu.dma_semaphore, #tpu.memory_space<semaphore_mem>>)
      %dma_wait3A_81 = tpu.memref_slice %arg3[%add3A_35] : memref<32768xi32, #tpu.memory_space<hbm>> -> memref<128xi32, #tpu.memory_space<hbm>>
      %dma_wait3A_82 = tpu.memref_slice %arg3[%add3A_35] : memref<32768xi32, #tpu.memory_space<hbm>> -> memref<128xi32, #tpu.memory_space<hbm>>
      tpu.wait_dma2 semaphore(%run_scoped3A : memref<!tpu.dma_semaphore, #tpu.memory_space<semaphore_mem>>) src(%dma_wait3A_82 : memref<128xi32, #tpu.memory_space<hbm>>) dst(%arg5 : memref<128xi32, #tpu.memory_space<vmem>>)
      tpu.yield
    }) : () -> ()
    %dma_start3A_36 = arith.constant 0 : i32
    %dma_start3A_37 = arith.constant 0 : i32
    %dma_start3A_38 = tpu.memref_slice %arg2[%dma_start3A_36, %dma_start3A_37] : memref<8192x256xf32, #tpu.memory_space<hbm>> -> memref<8192x256xf32, #tpu.memory_space<hbm>>
    tpu.enqueue_indirect_dma source(%dma_start3A_38 : memref<8192x256xf32, #tpu.memory_space<hbm>>) target(%arg7 : memref<128x256xf32, #tpu.memory_space<vmem>>) offsets(%arg5 : memref<128xi32, #tpu.memory_space<vmem>>) semaphore(%arg9 : memref<!tpu.dma_semaphore, #tpu.memory_space<semaphore_mem>>)
    %dma_wait3A_39 = arith.constant 0 : i32
    %dma_wait3A_40 = arith.constant 0 : i32
    %dma_wait3A_41 = tpu.memref_slice %arg2[%dma_wait3A_39, %dma_wait3A_40] : memref<8192x256xf32, #tpu.memory_space<hbm>> -> memref<8192x256xf32, #tpu.memory_space<hbm>>
    tpu.wait_indirect_dma semaphore(%arg10 : memref<!tpu.dma_semaphore, #tpu.memory_space<semaphore_mem>>) src(%dma_wait3A_41 : memref<8192x256xf32, #tpu.memory_space<hbm>>) dst(%arg8 : memref<128x256xf32, #tpu.memory_space<vmem>>)
    %add3A_42 = arith.constant 384 : i32
    %add3A_43 = arith.addi %mul3A_2, %add3A_42 : i32
    "tpu.region"() ({
      %run_scoped3A = tpu.sem_alloc : memref<!tpu.dma_semaphore, #tpu.memory_space<semaphore_mem>>
      %dma_start3A_79 = arith.constant 0 : i32
      %dma_start3A_80 = tpu.memref_slice %arg4[%add3A_43, %dma_start3A_79] : memref<32768x256xf32, #tpu.memory_space<hbm>> -> memref<128x256xf32, #tpu.memory_space<hbm>>
      %dma_start3A_81 = arith.constant 0 : i32
      %dma_start3A_82 = tpu.memref_slice %arg4[%add3A_43, %dma_start3A_81] : memref<32768x256xf32, #tpu.memory_space<hbm>> -> memref<128x256xf32, #tpu.memory_space<hbm>>
      tpu.enqueue_dma source(%arg8 : memref<128x256xf32, #tpu.memory_space<vmem>>) target(%dma_start3A_82 : memref<128x256xf32, #tpu.memory_space<hbm>>) target_semaphore(%run_scoped3A : memref<!tpu.dma_semaphore, #tpu.memory_space<semaphore_mem>>)
      %dma_wait3A_83 = arith.constant 0 : i32
      %dma_wait3A_84 = tpu.memref_slice %arg4[%add3A_43, %dma_wait3A_83] : memref<32768x256xf32, #tpu.memory_space<hbm>> -> memref<128x256xf32, #tpu.memory_space<hbm>>
      %dma_wait3A_85 = arith.constant 0 : i32
      %dma_wait3A_86 = tpu.memref_slice %arg4[%add3A_43, %dma_wait3A_85] : memref<32768x256xf32, #tpu.memory_space<hbm>> -> memref<128x256xf32, #tpu.memory_space<hbm>>
      tpu.wait_dma2 semaphore(%run_scoped3A : memref<!tpu.dma_semaphore, #tpu.memory_space<semaphore_mem>>) src(%arg8 : memref<128x256xf32, #tpu.memory_space<vmem>>) dst(%dma_wait3A_86 : memref<128x256xf32, #tpu.memory_space<hbm>>)
      tpu.yield
    }) : () -> ()
    %add3A_44 = arith.constant 640 : i32
    %add3A_45 = arith.addi %mul3A_2, %add3A_44 : i32
    "tpu.region"() ({
      %run_scoped3A = tpu.sem_alloc : memref<!tpu.dma_semaphore, #tpu.memory_space<semaphore_mem>>
      %dma_start3A_79 = tpu.memref_slice %arg3[%add3A_45] : memref<32768xi32, #tpu.memory_space<hbm>> -> memref<128xi32, #tpu.memory_space<hbm>>
      %dma_start3A_80 = tpu.memref_slice %arg3[%add3A_45] : memref<32768xi32, #tpu.memory_space<hbm>> -> memref<128xi32, #tpu.memory_space<hbm>>
      tpu.enqueue_dma source(%dma_start3A_80 : memref<128xi32, #tpu.memory_space<hbm>>) target(%arg6 : memref<128xi32, #tpu.memory_space<vmem>>) target_semaphore(%run_scoped3A : memref<!tpu.dma_semaphore, #tpu.memory_space<semaphore_mem>>)
      %dma_wait3A_81 = tpu.memref_slice %arg3[%add3A_45] : memref<32768xi32, #tpu.memory_space<hbm>> -> memref<128xi32, #tpu.memory_space<hbm>>
      %dma_wait3A_82 = tpu.memref_slice %arg3[%add3A_45] : memref<32768xi32, #tpu.memory_space<hbm>> -> memref<128xi32, #tpu.memory_space<hbm>>
      tpu.wait_dma2 semaphore(%run_scoped3A : memref<!tpu.dma_semaphore, #tpu.memory_space<semaphore_mem>>) src(%dma_wait3A_82 : memref<128xi32, #tpu.memory_space<hbm>>) dst(%arg6 : memref<128xi32, #tpu.memory_space<vmem>>)
      tpu.yield
    }) : () -> ()
    %dma_start3A_46 = arith.constant 0 : i32
    %dma_start3A_47 = arith.constant 0 : i32
    %dma_start3A_48 = tpu.memref_slice %arg2[%dma_start3A_46, %dma_start3A_47] : memref<8192x256xf32, #tpu.memory_space<hbm>> -> memref<8192x256xf32, #tpu.memory_space<hbm>>
    tpu.enqueue_indirect_dma source(%dma_start3A_48 : memref<8192x256xf32, #tpu.memory_space<hbm>>) target(%arg8 : memref<128x256xf32, #tpu.memory_space<vmem>>) offsets(%arg6 : memref<128xi32, #tpu.memory_space<vmem>>) semaphore(%arg10 : memref<!tpu.dma_semaphore, #tpu.memory_space<semaphore_mem>>)
    %dma_wait3A_49 = arith.constant 0 : i32
    %dma_wait3A_50 = arith.constant 0 : i32
    %dma_wait3A_51 = tpu.memref_slice %arg2[%dma_wait3A_49, %dma_wait3A_50] : memref<8192x256xf32, #tpu.memory_space<hbm>> -> memref<8192x256xf32, #tpu.memory_space<hbm>>
    tpu.wait_indirect_dma semaphore(%arg9 : memref<!tpu.dma_semaphore, #tpu.memory_space<semaphore_mem>>) src(%dma_wait3A_51 : memref<8192x256xf32, #tpu.memory_space<hbm>>) dst(%arg7 : memref<128x256xf32, #tpu.memory_space<vmem>>)
    %add3A_52 = arith.constant 512 : i32
    %add3A_53 = arith.addi %mul3A_2, %add3A_52 : i32
    "tpu.region"() ({
      %run_scoped3A = tpu.sem_alloc : memref<!tpu.dma_semaphore, #tpu.memory_space<semaphore_mem>>
      %dma_start3A_79 = arith.constant 0 : i32
      %dma_start3A_80 = tpu.memref_slice %arg4[%add3A_53, %dma_start3A_79] : memref<32768x256xf32, #tpu.memory_space<hbm>> -> memref<128x256xf32, #tpu.memory_space<hbm>>
      %dma_start3A_81 = arith.constant 0 : i32
      %dma_start3A_82 = tpu.memref_slice %arg4[%add3A_53, %dma_start3A_81] : memref<32768x256xf32, #tpu.memory_space<hbm>> -> memref<128x256xf32, #tpu.memory_space<hbm>>
      tpu.enqueue_dma source(%arg7 : memref<128x256xf32, #tpu.memory_space<vmem>>) target(%dma_start3A_82 : memref<128x256xf32, #tpu.memory_space<hbm>>) target_semaphore(%run_scoped3A : memref<!tpu.dma_semaphore, #tpu.memory_space<semaphore_mem>>)
      %dma_wait3A_83 = arith.constant 0 : i32
      %dma_wait3A_84 = tpu.memref_slice %arg4[%add3A_53, %dma_wait3A_83] : memref<32768x256xf32, #tpu.memory_space<hbm>> -> memref<128x256xf32, #tpu.memory_space<hbm>>
      %dma_wait3A_85 = arith.constant 0 : i32
      %dma_wait3A_86 = tpu.memref_slice %arg4[%add3A_53, %dma_wait3A_85] : memref<32768x256xf32, #tpu.memory_space<hbm>> -> memref<128x256xf32, #tpu.memory_space<hbm>>
      tpu.wait_dma2 semaphore(%run_scoped3A : memref<!tpu.dma_semaphore, #tpu.memory_space<semaphore_mem>>) src(%arg7 : memref<128x256xf32, #tpu.memory_space<vmem>>) dst(%dma_wait3A_86 : memref<128x256xf32, #tpu.memory_space<hbm>>)
      tpu.yield
    }) : () -> ()
    %add3A_54 = arith.constant 768 : i32
    %add3A_55 = arith.addi %mul3A_2, %add3A_54 : i32
    "tpu.region"() ({
      %run_scoped3A = tpu.sem_alloc : memref<!tpu.dma_semaphore, #tpu.memory_space<semaphore_mem>>
      %dma_start3A_79 = tpu.memref_slice %arg3[%add3A_55] : memref<32768xi32, #tpu.memory_space<hbm>> -> memref<128xi32, #tpu.memory_space<hbm>>
      %dma_start3A_80 = tpu.memref_slice %arg3[%add3A_55] : memref<32768xi32, #tpu.memory_space<hbm>> -> memref<128xi32, #tpu.memory_space<hbm>>
      tpu.enqueue_dma source(%dma_start3A_80 : memref<128xi32, #tpu.memory_space<hbm>>) target(%arg5 : memref<128xi32, #tpu.memory_space<vmem>>) target_semaphore(%run_scoped3A : memref<!tpu.dma_semaphore, #tpu.memory_space<semaphore_mem>>)
      %dma_wait3A_81 = tpu.memref_slice %arg3[%add3A_55] : memref<32768xi32, #tpu.memory_space<hbm>> -> memref<128xi32, #tpu.memory_space<hbm>>
      %dma_wait3A_82 = tpu.memref_slice %arg3[%add3A_55] : memref<32768xi32, #tpu.memory_space<hbm>> -> memref<128xi32, #tpu.memory_space<hbm>>
      tpu.wait_dma2 semaphore(%run_scoped3A : memref<!tpu.dma_semaphore, #tpu.memory_space<semaphore_mem>>) src(%dma_wait3A_82 : memref<128xi32, #tpu.memory_space<hbm>>) dst(%arg5 : memref<128xi32, #tpu.memory_space<vmem>>)
      tpu.yield
    }) : () -> ()
    %dma_start3A_56 = arith.constant 0 : i32
    %dma_start3A_57 = arith.constant 0 : i32
    %dma_start3A_58 = tpu.memref_slice %arg2[%dma_start3A_56, %dma_start3A_57] : memref<8192x256xf32, #tpu.memory_space<hbm>> -> memref<8192x256xf32, #tpu.memory_space<hbm>>
    tpu.enqueue_indirect_dma source(%dma_start3A_58 : memref<8192x256xf32, #tpu.memory_space<hbm>>) target(%arg7 : memref<128x256xf32, #tpu.memory_space<vmem>>) offsets(%arg5 : memref<128xi32, #tpu.memory_space<vmem>>) semaphore(%arg9 : memref<!tpu.dma_semaphore, #tpu.memory_space<semaphore_mem>>)
    %dma_wait3A_59 = arith.constant 0 : i32
    %dma_wait3A_60 = arith.constant 0 : i32
    %dma_wait3A_61 = tpu.memref_slice %arg2[%dma_wait3A_59, %dma_wait3A_60] : memref<8192x256xf32, #tpu.memory_space<hbm>> -> memref<8192x256xf32, #tpu.memory_space<hbm>>
    tpu.wait_indirect_dma semaphore(%arg10 : memref<!tpu.dma_semaphore, #tpu.memory_space<semaphore_mem>>) src(%dma_wait3A_61 : memref<8192x256xf32, #tpu.memory_space<hbm>>) dst(%arg8 : memref<128x256xf32, #tpu.memory_space<vmem>>)
    %add3A_62 = arith.constant 640 : i32
    %add3A_63 = arith.addi %mul3A_2, %add3A_62 : i32
    "tpu.region"() ({
      %run_scoped3A = tpu.sem_alloc : memref<!tpu.dma_semaphore, #tpu.memory_space<semaphore_mem>>
      %dma_start3A_79 = arith.constant 0 : i32
      %dma_start3A_80 = tpu.memref_slice %arg4[%add3A_63, %dma_start3A_79] : memref<32768x256xf32, #tpu.memory_space<hbm>> -> memref<128x256xf32, #tpu.memory_space<hbm>>
      %dma_start3A_81 = arith.constant 0 : i32
      %dma_start3A_82 = tpu.memref_slice %arg4[%add3A_63, %dma_start3A_81] : memref<32768x256xf32, #tpu.memory_space<hbm>> -> memref<128x256xf32, #tpu.memory_space<hbm>>
      tpu.enqueue_dma source(%arg8 : memref<128x256xf32, #tpu.memory_space<vmem>>) target(%dma_start3A_82 : memref<128x256xf32, #tpu.memory_space<hbm>>) target_semaphore(%run_scoped3A : memref<!tpu.dma_semaphore, #tpu.memory_space<semaphore_mem>>)
      %dma_wait3A_83 = arith.constant 0 : i32
      %dma_wait3A_84 = tpu.memref_slice %arg4[%add3A_63, %dma_wait3A_83] : memref<32768x256xf32, #tpu.memory_space<hbm>> -> memref<128x256xf32, #tpu.memory_space<hbm>>
      %dma_wait3A_85 = arith.constant 0 : i32
      %dma_wait3A_86 = tpu.memref_slice %arg4[%add3A_63, %dma_wait3A_85] : memref<32768x256xf32, #tpu.memory_space<hbm>> -> memref<128x256xf32, #tpu.memory_space<hbm>>
      tpu.wait_dma2 semaphore(%run_scoped3A : memref<!tpu.dma_semaphore, #tpu.memory_space<semaphore_mem>>) src(%arg8 : memref<128x256xf32, #tpu.memory_space<vmem>>) dst(%dma_wait3A_86 : memref<128x256xf32, #tpu.memory_space<hbm>>)
      tpu.yield
    }) : () -> ()
    %add3A_64 = arith.constant 896 : i32
    %add3A_65 = arith.addi %mul3A_2, %add3A_64 : i32
    "tpu.region"() ({
      %run_scoped3A = tpu.sem_alloc : memref<!tpu.dma_semaphore, #tpu.memory_space<semaphore_mem>>
      %dma_start3A_79 = tpu.memref_slice %arg3[%add3A_65] : memref<32768xi32, #tpu.memory_space<hbm>> -> memref<128xi32, #tpu.memory_space<hbm>>
      %dma_start3A_80 = tpu.memref_slice %arg3[%add3A_65] : memref<32768xi32, #tpu.memory_space<hbm>> -> memref<128xi32, #tpu.memory_space<hbm>>
      tpu.enqueue_dma source(%dma_start3A_80 : memref<128xi32, #tpu.memory_space<hbm>>) target(%arg6 : memref<128xi32, #tpu.memory_space<vmem>>) target_semaphore(%run_scoped3A : memref<!tpu.dma_semaphore, #tpu.memory_space<semaphore_mem>>)
      %dma_wait3A_81 = tpu.memref_slice %arg3[%add3A_65] : memref<32768xi32, #tpu.memory_space<hbm>> -> memref<128xi32, #tpu.memory_space<hbm>>
      %dma_wait3A_82 = tpu.memref_slice %arg3[%add3A_65] : memref<32768xi32, #tpu.memory_space<hbm>> -> memref<128xi32, #tpu.memory_space<hbm>>
      tpu.wait_dma2 semaphore(%run_scoped3A : memref<!tpu.dma_semaphore, #tpu.memory_space<semaphore_mem>>) src(%dma_wait3A_82 : memref<128xi32, #tpu.memory_space<hbm>>) dst(%arg6 : memref<128xi32, #tpu.memory_space<vmem>>)
      tpu.yield
    }) : () -> ()
    %dma_start3A_66 = arith.constant 0 : i32
    %dma_start3A_67 = arith.constant 0 : i32
    %dma_start3A_68 = tpu.memref_slice %arg2[%dma_start3A_66, %dma_start3A_67] : memref<8192x256xf32, #tpu.memory_space<hbm>> -> memref<8192x256xf32, #tpu.memory_space<hbm>>
    tpu.enqueue_indirect_dma source(%dma_start3A_68 : memref<8192x256xf32, #tpu.memory_space<hbm>>) target(%arg8 : memref<128x256xf32, #tpu.memory_space<vmem>>) offsets(%arg6 : memref<128xi32, #tpu.memory_space<vmem>>) semaphore(%arg10 : memref<!tpu.dma_semaphore, #tpu.memory_space<semaphore_mem>>)
    %dma_wait3A_69 = arith.constant 0 : i32
    %dma_wait3A_70 = arith.constant 0 : i32
    %dma_wait3A_71 = tpu.memref_slice %arg2[%dma_wait3A_69, %dma_wait3A_70] : memref<8192x256xf32, #tpu.memory_space<hbm>> -> memref<8192x256xf32, #tpu.memory_space<hbm>>
    tpu.wait_indirect_dma semaphore(%arg9 : memref<!tpu.dma_semaphore, #tpu.memory_space<semaphore_mem>>) src(%dma_wait3A_71 : memref<8192x256xf32, #tpu.memory_space<hbm>>) dst(%arg7 : memref<128x256xf32, #tpu.memory_space<vmem>>)
    %add3A_72 = arith.constant 768 : i32
    %add3A_73 = arith.addi %mul3A_2, %add3A_72 : i32
    "tpu.region"() ({
      %run_scoped3A = tpu.sem_alloc : memref<!tpu.dma_semaphore, #tpu.memory_space<semaphore_mem>>
      %dma_start3A_79 = arith.constant 0 : i32
      %dma_start3A_80 = tpu.memref_slice %arg4[%add3A_73, %dma_start3A_79] : memref<32768x256xf32, #tpu.memory_space<hbm>> -> memref<128x256xf32, #tpu.memory_space<hbm>>
      %dma_start3A_81 = arith.constant 0 : i32
      %dma_start3A_82 = tpu.memref_slice %arg4[%add3A_73, %dma_start3A_81] : memref<32768x256xf32, #tpu.memory_space<hbm>> -> memref<128x256xf32, #tpu.memory_space<hbm>>
      tpu.enqueue_dma source(%arg7 : memref<128x256xf32, #tpu.memory_space<vmem>>) target(%dma_start3A_82 : memref<128x256xf32, #tpu.memory_space<hbm>>) target_semaphore(%run_scoped3A : memref<!tpu.dma_semaphore, #tpu.memory_space<semaphore_mem>>)
      %dma_wait3A_83 = arith.constant 0 : i32
      %dma_wait3A_84 = tpu.memref_slice %arg4[%add3A_73, %dma_wait3A_83] : memref<32768x256xf32, #tpu.memory_space<hbm>> -> memref<128x256xf32, #tpu.memory_space<hbm>>
      %dma_wait3A_85 = arith.constant 0 : i32
      %dma_wait3A_86 = tpu.memref_slice %arg4[%add3A_73, %dma_wait3A_85] : memref<32768x256xf32, #tpu.memory_space<hbm>> -> memref<128x256xf32, #tpu.memory_space<hbm>>
      tpu.wait_dma2 semaphore(%run_scoped3A : memref<!tpu.dma_semaphore, #tpu.memory_space<semaphore_mem>>) src(%arg7 : memref<128x256xf32, #tpu.memory_space<vmem>>) dst(%dma_wait3A_86 : memref<128x256xf32, #tpu.memory_space<hbm>>)
      tpu.yield
    }) : () -> ()
    %dma_wait3A_74 = arith.constant 0 : i32
    %dma_wait3A_75 = arith.constant 0 : i32
    %dma_wait3A_76 = tpu.memref_slice %arg2[%dma_wait3A_74, %dma_wait3A_75] : memref<8192x256xf32, #tpu.memory_space<hbm>> -> memref<8192x256xf32, #tpu.memory_space<hbm>>
    tpu.wait_indirect_dma semaphore(%arg10 : memref<!tpu.dma_semaphore, #tpu.memory_space<semaphore_mem>>) src(%dma_wait3A_76 : memref<8192x256xf32, #tpu.memory_space<hbm>>) dst(%arg8 : memref<128x256xf32, #tpu.memory_space<vmem>>)
    %add3A_77 = arith.constant 896 : i32
    %add3A_78 = arith.addi %mul3A_2, %add3A_77 : i32
    "tpu.region"() ({
      %run_scoped3A = tpu.sem_alloc : memref<!tpu.dma_semaphore, #tpu.memory_space<semaphore_mem>>
      %dma_start3A_79 = arith.constant 0 : i32
      %dma_start3A_80 = tpu.memref_slice %arg4[%add3A_78, %dma_start3A_79] : memref<32768x256xf32, #tpu.memory_space<hbm>> -> memref<128x256xf32, #tpu.memory_space<hbm>>
      %dma_start3A_81 = arith.constant 0 : i32
      %dma_start3A_82 = tpu.memref_slice %arg4[%add3A_78, %dma_start3A_81] : memref<32768x256xf32, #tpu.memory_space<hbm>> -> memref<128x256xf32, #tpu.memory_space<hbm>>
      tpu.enqueue_dma source(%arg8 : memref<128x256xf32, #tpu.memory_space<vmem>>) target(%dma_start3A_82 : memref<128x256xf32, #tpu.memory_space<hbm>>) target_semaphore(%run_scoped3A : memref<!tpu.dma_semaphore, #tpu.memory_space<semaphore_mem>>)
      %dma_wait3A_83 = arith.constant 0 : i32
      %dma_wait3A_84 = tpu.memref_slice %arg4[%add3A_78, %dma_wait3A_83] : memref<32768x256xf32, #tpu.memory_space<hbm>> -> memref<128x256xf32, #tpu.memory_space<hbm>>
      %dma_wait3A_85 = arith.constant 0 : i32
      %dma_wait3A_86 = tpu.memref_slice %arg4[%add3A_78, %dma_wait3A_85] : memref<32768x256xf32, #tpu.memory_space<hbm>> -> memref<128x256xf32, #tpu.memory_space<hbm>>
      tpu.wait_dma2 semaphore(%run_scoped3A : memref<!tpu.dma_semaphore, #tpu.memory_space<semaphore_mem>>) src(%arg8 : memref<128x256xf32, #tpu.memory_space<vmem>>) dst(%dma_wait3A_86 : memref<128x256xf32, #tpu.memory_space<hbm>>)
      tpu.yield
    }) : () -> ()
    return
  }
}

module attributes {stable_mosaic.version = 14 : i64} {
  func.func @_normalize_embed_body(%arg0: memref<8192x256xf32, #tpu.memory_space<vmem>>, %arg1: memref<1x8192xf32, #tpu.memory_space<vmem>>, %arg2: memref<8192x256xf32, #tpu.memory_space<vmem>>) attributes {dimension_semantics = [], scalar_prefetch = 0 : i64, scratch_operands = 0 : i64, tpu.core_type = #tpu.core_type<tc>} {
    %get3A = arith.constant 0 : index
    %get3A_0 = arith.constant 0 : index
    %get3A_1 = vector.load %arg0[%get3A, %get3A_0] : memref<8192x256xf32, #tpu.memory_space<vmem>>, vector<8192x256xf32>
    %mul3A = arith.mulf %get3A_1, %get3A_1 : vector<8192x256xf32>
    %reduce_sum3A = arith.constant dense<0.000000e+00> : vector<8192xf32>
    %reduce_sum3A_2 = vector.multi_reduction <add>, %mul3A, %reduce_sum3A [1] : vector<8192x256xf32> to vector<8192xf32>
    %broadcast_in_dim3A = vector.shape_cast %reduce_sum3A_2 : vector<8192xf32> to vector<8192x1xf32>
    %sqrt3A = math.sqrt %broadcast_in_dim3A : vector<8192x1xf32>
    %max3A = arith.constant 9.99999996E-13 : f32
    %max3A_3 = vector.broadcast %max3A : f32 to vector<8192x1xf32>
    %max3A_4 = arith.maximumf %sqrt3A, %max3A_3 : vector<8192x1xf32>
    %div3A = vector.broadcast %max3A_4 : vector<8192x1xf32> to vector<8192x256xf32>
    %div3A_5 = arith.divf %get3A_1, %div3A : vector<8192x256xf32>
    %swap3A = arith.constant 0 : index
    %swap3A_6 = arith.constant 0 : index
    %swap3A_7 = vector.load %arg2[%swap3A, %swap3A_6] : memref<8192x256xf32, #tpu.memory_space<vmem>>, vector<8192x256xf32>
    tpu.vector_store %arg2[%swap3A, %swap3A_6], %div3A_5 {strides = array<i32>} : memref<8192x256xf32, #tpu.memory_space<vmem>>, vector<8192x256xf32>,
    %mul3A_8 = arith.mulf %div3A_5, %div3A_5 : vector<8192x256xf32>
    %reduce_sum3A_9 = arith.constant dense<0.000000e+00> : vector<8192xf32>
    %reduce_sum3A_10 = vector.multi_reduction <add>, %mul3A_8, %reduce_sum3A_9 [1] : vector<8192x256xf32> to vector<8192xf32>
    %broadcast_in_dim3A_11 = vector.shape_cast %reduce_sum3A_10 : vector<8192xf32> to vector<8192x1xf32>
    %reshape3A = vector.shape_cast %broadcast_in_dim3A_11 : vector<8192x1xf32> to vector<1x8192xf32>
    %swap3A_12 = arith.constant 0 : index
    %swap3A_13 = arith.constant 0 : index
    %swap3A_14 = vector.load %arg1[%swap3A_12, %swap3A_13] : memref<1x8192xf32, #tpu.memory_space<vmem>>, vector<1x8192xf32>
    tpu.vector_store %arg1[%swap3A_12, %swap3A_13], %reshape3A {strides = array<i32>} : memref<1x8192xf32, #tpu.memory_space<vmem>>, vector<1x8192xf32>,
    return
  }
}

module attributes {stable_mosaic.version = 14 : i64} {
  func.func @_argmin_body(%arg0: i32, %arg1: memref<512x256xf32, #tpu.memory_space<vmem>>, %arg2: memref<8192x256xf32, #tpu.memory_space<vmem>>, %arg3: memref<1x8192xf32, #tpu.memory_space<vmem>>, %arg4: memref<1x1x512xi32, #tpu.memory_space<vmem>>, %arg5: memref<1x1x512xf32, #tpu.memory_space<vmem>>) attributes {dimension_semantics = [#tpu.dimension_semantics<parallel>], iteration_bounds = array<i64: 64>, scalar_prefetch = 0 : i64, scratch_operands = 0 : i64, tpu.core_type = #tpu.core_type<tc>, window_params = [{transform_indices = @transform_0, window_bounds = array<i64: 512, 256>}, {pipeline_mode = #tpu.pipeline_mode<synchronous>, transform_indices = @transform_1, window_bounds = array<i64: 8192, 256>}, {pipeline_mode = #tpu.pipeline_mode<synchronous>, transform_indices = @transform_2, window_bounds = array<i64: 1, 8192>}, {transform_indices = @transform_3, window_bounds = array<i64: 1, 1, 512>}, {transform_indices = @transform_4, window_bounds = array<i64: 1, 1, 512>}]} {
    %get3A = arith.constant 0 : index
    %get3A_0 = arith.constant 0 : index
    %get3A_1 = vector.load %arg1[%get3A, %get3A_0] : memref<512x256xf32, #tpu.memory_space<vmem>>, vector<512x256xf32>
    %mul3A = arith.mulf %get3A_1, %get3A_1 : vector<512x256xf32>
    %reduce_sum3A = arith.constant dense<0.000000e+00> : vector<512xf32>
    %reduce_sum3A_2 = vector.multi_reduction <add>, %mul3A, %reduce_sum3A [1] : vector<512x256xf32> to vector<512xf32>
    %broadcast_in_dim3A = vector.shape_cast %reduce_sum3A_2 : vector<512xf32> to vector<512x1xf32>
    %sqrt3A = math.sqrt %broadcast_in_dim3A : vector<512x1xf32>
    %max3A = arith.constant 9.99999996E-13 : f32
    %max3A_3 = vector.broadcast %max3A : f32 to vector<512x1xf32>
    %max3A_4 = arith.maximumf %sqrt3A, %max3A_3 : vector<512x1xf32>
    %div3A = vector.broadcast %max3A_4 : vector<512x1xf32> to vector<512x256xf32>
    %div3A_5 = arith.divf %get3A_1, %div3A : vector<512x256xf32>
    %mul3A_6 = arith.mulf %div3A_5, %div3A_5 : vector<512x256xf32>
    %reduce_sum3A_7 = arith.constant dense<0.000000e+00> : vector<512xf32>
    %reduce_sum3A_8 = vector.multi_reduction <add>, %mul3A_6, %reduce_sum3A_7 [1] : vector<512x256xf32> to vector<512xf32>
    %broadcast_in_dim3A_9 = vector.shape_cast %reduce_sum3A_8 : vector<512xf32> to vector<512x1xf32>
    %mul3A_10 = arith.constant -2.000000e+00 : f32
    %mul3A_11 = vector.broadcast %mul3A_10 : f32 to vector<512x256xf32>
    %mul3A_12 = arith.mulf %mul3A_11, %div3A_5 : vector<512x256xf32>
    %broadcast_in_dim3A_13 = arith.constant 0x7F800000 : f32
    %broadcast_in_dim3A_14 = vector.broadcast %broadcast_in_dim3A_13 : f32 to vector<512x128xf32>
    %broadcast_in_dim3A_15 = arith.constant 0.000000e+00 : f32
    %broadcast_in_dim3A_16 = vector.broadcast %broadcast_in_dim3A_15 : f32 to vector<512x128xf32>
    %get3A_17 = arith.constant 0 : index
    %get3A_18 = arith.constant 0 : index
    %get3A_19 = vector.load %arg2[%get3A_17, %get3A_18] : memref<8192x256xf32, #tpu.memory_space<vmem>>, vector<8192x256xf32>
    %dot_general3A = arith.constant dense<0.000000e+00> : vector<512x8192xf32>
    %dot_general3A_20 = tpu.matmul %mul3A_12, %get3A_19, %dot_general3A {dimension_numbers = #tpu.dot_dimension_numbers<[1], [1], [0], [0], [0, 0, 1, 0], [], []>, transpose_lhs_hint = false} : vector<512x256xf32>, vector<8192x256xf32>, vector<512x8192xf32> -> vector<512x8192xf32>
    %get3A_21 = arith.constant 0 : index
    %get3A_22 = arith.constant 0 : index
    %get3A_23 = vector.load %arg3[%get3A_21, %get3A_22] : memref<1x8192xf32, #tpu.memory_space<vmem>>, vector<1x128xf32>
    %add3A = vector.broadcast %broadcast_in_dim3A_9 : vector<512x1xf32> to vector<512x128xf32>
    %add3A_24 = vector.broadcast %get3A_23 : vector<1x128xf32> to vector<512x128xf32>
    %add3A_25 = arith.addf %add3A, %add3A_24 : vector<512x128xf32>
    %slice3A = vector.extract_strided_slice %dot_general3A_20 {offsets = [0, 0], sizes = [512, 128], strides = [1, 1]} : vector<512x8192xf32> to vector<512x128xf32>
    %add3A_26 = arith.addf %add3A_25, %slice3A : vector<512x128xf32>
    %max3A_27 = arith.constant 0.000000e+00 : f32
    %max3A_28 = vector.broadcast %max3A_27 : f32 to vector<512x128xf32>
    %max3A_29 = arith.maximumf %add3A_26, %max3A_28 : vector<512x128xf32>
    %sqrt3A_30 = math.sqrt %max3A_29 : vector<512x128xf32>
    %lt3A = arith.cmpf olt, %sqrt3A_30, %broadcast_in_dim3A_14 : vector<512x128xf32>
    %select_n3A = arith.select %lt3A, %sqrt3A_30, %broadcast_in_dim3A_14 : vector<512x128xi1>, vector<512x128xf32>
    %jit3A = arith.constant 0.000000e+00 : f32
    %broadcast_in_dim3A_31 = vector.broadcast %jit3A : f32 to vector<512x128xf32>
    %select_n3A_32 = arith.select %lt3A, %broadcast_in_dim3A_31, %broadcast_in_dim3A_16 : vector<512x128xi1>, vector<512x128xf32>
    %get3A_33 = arith.constant 0 : index
    %get3A_34 = arith.constant 128 : index
    %get3A_35 = vector.load %arg3[%get3A_33, %get3A_34] : memref<1x8192xf32, #tpu.memory_space<vmem>>, vector<1x128xf32>
    %add3A_36 = vector.broadcast %broadcast_in_dim3A_9 : vector<512x1xf32> to vector<512x128xf32>
    %add3A_37 = vector.broadcast %get3A_35 : vector<1x128xf32> to vector<512x128xf32>
    %add3A_38 = arith.addf %add3A_36, %add3A_37 : vector<512x128xf32>
    %slice3A_39 = vector.extract_strided_slice %dot_general3A_20 {offsets = [0, 128], sizes = [512, 128], strides = [1, 1]} : vector<512x8192xf32> to vector<512x128xf32>
    %add3A_40 = arith.addf %add3A_38, %slice3A_39 : vector<512x128xf32>
    %max3A_41 = arith.constant 0.000000e+00 : f32
    %max3A_42 = vector.broadcast %max3A_41 : f32 to vector<512x128xf32>
    %max3A_43 = arith.maximumf %add3A_40, %max3A_42 : vector<512x128xf32>
    %sqrt3A_44 = math.sqrt %max3A_43 : vector<512x128xf32>
    %lt3A_45 = arith.cmpf olt, %sqrt3A_44, %select_n3A : vector<512x128xf32>
    %select_n3A_46 = arith.select %lt3A_45, %sqrt3A_44, %select_n3A : vector<512x128xi1>, vector<512x128xf32>
    %jit3A_47 = arith.constant 1.000000e+00 : f32
    %broadcast_in_dim3A_48 = vector.broadcast %jit3A_47 : f32 to vector<512x128xf32>
    %select_n3A_49 = arith.select %lt3A_45, %broadcast_in_dim3A_48, %select_n3A_32 : vector<512x128xi1>, vector<512x128xf32>
    %get3A_50 = arith.constant 0 : index
    %get3A_51 = arith.constant 256 : index
    %get3A_52 = vector.load %arg3[%get3A_50, %get3A_51] : memref<1x8192xf32, #tpu.memory_space<vmem>>, vector<1x128xf32>
    %add3A_53 = vector.broadcast %broadcast_in_dim3A_9 : vector<512x1xf32> to vector<512x128xf32>
    %add3A_54 = vector.broadcast %get3A_52 : vector<1x128xf32> to vector<512x128xf32>
    %add3A_55 = arith.addf %add3A_53, %add3A_54 : vector<512x128xf32>
    %slice3A_56 = vector.extract_strided_slice %dot_general3A_20 {offsets = [0, 256], sizes = [512, 128], strides = [1, 1]} : vector<512x8192xf32> to vector<512x128xf32>
    %add3A_57 = arith.addf %add3A_55, %slice3A_56 : vector<512x128xf32>
    %max3A_58 = arith.constant 0.000000e+00 : f32
    %max3A_59 = vector.broadcast %max3A_58 : f32 to vector<512x128xf32>
    %max3A_60 = arith.maximumf %add3A_57, %max3A_59 : vector<512x128xf32>
    %sqrt3A_61 = math.sqrt %max3A_60 : vector<512x128xf32>
    %lt3A_62 = arith.cmpf olt, %sqrt3A_61, %select_n3A_46 : vector<512x128xf32>
    %select_n3A_63 = arith.select %lt3A_62, %sqrt3A_61, %select_n3A_46 : vector<512x128xi1>, vector<512x128xf32>
    %jit3A_64 = arith.constant 2.000000e+00 : f32
    %broadcast_in_dim3A_65 = vector.broadcast %jit3A_64 : f32 to vector<512x128xf32>
    %select_n3A_66 = arith.select %lt3A_62, %broadcast_in_dim3A_65, %select_n3A_49 : vector<512x128xi1>, vector<512x128xf32>
    %get3A_67 = arith.constant 0 : index
    %get3A_68 = arith.constant 384 : index
    %get3A_69 = vector.load %arg3[%get3A_67, %get3A_68] : memref<1x8192xf32, #tpu.memory_space<vmem>>, vector<1x128xf32>
    %add3A_70 = vector.broadcast %broadcast_in_dim3A_9 : vector<512x1xf32> to vector<512x128xf32>
    %add3A_71 = vector.broadcast %get3A_69 : vector<1x128xf32> to vector<512x128xf32>
    %add3A_72 = arith.addf %add3A_70, %add3A_71 : vector<512x128xf32>
    %slice3A_73 = vector.extract_strided_slice %dot_general3A_20 {offsets = [0, 384], sizes = [512, 128], strides = [1, 1]} : vector<512x8192xf32> to vector<512x128xf32>
    %add3A_74 = arith.addf %add3A_72, %slice3A_73 : vector<512x128xf32>
    %max3A_75 = arith.constant 0.000000e+00 : f32
    %max3A_76 = vector.broadcast %max3A_75 : f32 to vector<512x128xf32>
    %max3A_77 = arith.maximumf %add3A_74, %max3A_76 : vector<512x128xf32>
    %sqrt3A_78 = math.sqrt %max3A_77 : vector<512x128xf32>
    %lt3A_79 = arith.cmpf olt, %sqrt3A_78, %select_n3A_63 : vector<512x128xf32>
    %select_n3A_80 = arith.select %lt3A_79, %sqrt3A_78, %select_n3A_63 : vector<512x128xi1>, vector<512x128xf32>
    %jit3A_81 = arith.constant 3.000000e+00 : f32
    %broadcast_in_dim3A_82 = vector.broadcast %jit3A_81 : f32 to vector<512x128xf32>
    %select_n3A_83 = arith.select %lt3A_79, %broadcast_in_dim3A_82, %select_n3A_66 : vector<512x128xi1>, vector<512x128xf32>
    %get3A_84 = arith.constant 0 : index
    %get3A_85 = arith.constant 512 : index
    %get3A_86 = vector.load %arg3[%get3A_84, %get3A_85] : memref<1x8192xf32, #tpu.memory_space<vmem>>, vector<1x128xf32>
    %add3A_87 = vector.broadcast %broadcast_in_dim3A_9 : vector<512x1xf32> to vector<512x128xf32>
    %add3A_88 = vector.broadcast %get3A_86 : vector<1x128xf32> to vector<512x128xf32>
    %add3A_89 = arith.addf %add3A_87, %add3A_88 : vector<512x128xf32>
    %slice3A_90 = vector.extract_strided_slice %dot_general3A_20 {offsets = [0, 512], sizes = [512, 128], strides = [1, 1]} : vector<512x8192xf32> to vector<512x128xf32>
    %add3A_91 = arith.addf %add3A_89, %slice3A_90 : vector<512x128xf32>
    %max3A_92 = arith.constant 0.000000e+00 : f32
    %max3A_93 = vector.broadcast %max3A_92 : f32 to vector<512x128xf32>
    %max3A_94 = arith.maximumf %add3A_91, %max3A_93 : vector<512x128xf32>
    %sqrt3A_95 = math.sqrt %max3A_94 : vector<512x128xf32>
    %lt3A_96 = arith.cmpf olt, %sqrt3A_95, %select_n3A_80 : vector<512x128xf32>
    %select_n3A_97 = arith.select %lt3A_96, %sqrt3A_95, %select_n3A_80 : vector<512x128xi1>, vector<512x128xf32>
    %jit3A_98 = arith.constant 4.000000e+00 : f32
    %broadcast_in_dim3A_99 = vector.broadcast %jit3A_98 : f32 to vector<512x128xf32>
    %select_n3A_100 = arith.select %lt3A_96, %broadcast_in_dim3A_99, %select_n3A_83 : vector<512x128xi1>, vector<512x128xf32>
    %get3A_101 = arith.constant 0 : index
    %get3A_102 = arith.constant 640 : index
    %get3A_103 = vector.load %arg3[%get3A_101, %get3A_102] : memref<1x8192xf32, #tpu.memory_space<vmem>>, vector<1x128xf32>
    %add3A_104 = vector.broadcast %broadcast_in_dim3A_9 : vector<512x1xf32> to vector<512x128xf32>
    %add3A_105 = vector.broadcast %get3A_103 : vector<1x128xf32> to vector<512x128xf32>
    %add3A_106 = arith.addf %add3A_104, %add3A_105 : vector<512x128xf32>
    %slice3A_107 = vector.extract_strided_slice %dot_general3A_20 {offsets = [0, 640], sizes = [512, 128], strides = [1, 1]} : vector<512x8192xf32> to vector<512x128xf32>
    %add3A_108 = arith.addf %add3A_106, %slice3A_107 : vector<512x128xf32>
    %max3A_109 = arith.constant 0.000000e+00 : f32
    %max3A_110 = vector.broadcast %max3A_109 : f32 to vector<512x128xf32>
    %max3A_111 = arith.maximumf %add3A_108, %max3A_110 : vector<512x128xf32>
    %sqrt3A_112 = math.sqrt %max3A_111 : vector<512x128xf32>
    %lt3A_113 = arith.cmpf olt, %sqrt3A_112, %select_n3A_97 : vector<512x128xf32>
    %select_n3A_114 = arith.select %lt3A_113, %sqrt3A_112, %select_n3A_97 : vector<512x128xi1>, vector<512x128xf32>
    %jit3A_115 = arith.constant 5.000000e+00 : f32
    %broadcast_in_dim3A_116 = vector.broadcast %jit3A_115 : f32 to vector<512x128xf32>
    %select_n3A_117 = arith.select %lt3A_113, %broadcast_in_dim3A_116, %select_n3A_100 : vector<512x128xi1>, vector<512x128xf32>
    %get3A_118 = arith.constant 0 : index
    %get3A_119 = arith.constant 768 : index
    %get3A_120 = vector.load %arg3[%get3A_118, %get3A_119] : memref<1x8192xf32, #tpu.memory_space<vmem>>, vector<1x128xf32>
    %add3A_121 = vector.broadcast %broadcast_in_dim3A_9 : vector<512x1xf32> to vector<512x128xf32>
    %add3A_122 = vector.broadcast %get3A_120 : vector<1x128xf32> to vector<512x128xf32>
    %add3A_123 = arith.addf %add3A_121, %add3A_122 : vector<512x128xf32>
    %slice3A_124 = vector.extract_strided_slice %dot_general3A_20 {offsets = [0, 768], sizes = [512, 128], strides = [1, 1]} : vector<512x8192xf32> to vector<512x128xf32>
    %add3A_125 = arith.addf %add3A_123, %slice3A_124 : vector<512x128xf32>
    %max3A_126 = arith.constant 0.000000e+00 : f32
    %max3A_127 = vector.broadcast %max3A_126 : f32 to vector<512x128xf32>
    %max3A_128 = arith.maximumf %add3A_125, %max3A_127 : vector<512x128xf32>
    %sqrt3A_129 = math.sqrt %max3A_128 : vector<512x128xf32>
    %lt3A_130 = arith.cmpf olt, %sqrt3A_129, %select_n3A_114 : vector<512x128xf32>
    %select_n3A_131 = arith.select %lt3A_130, %sqrt3A_129, %select_n3A_114 : vector<512x128xi1>, vector<512x128xf32>
    %jit3A_132 = arith.constant 6.000000e+00 : f32
    %broadcast_in_dim3A_133 = vector.broadcast %jit3A_132 : f32 to vector<512x128xf32>
    %select_n3A_134 = arith.select %lt3A_130, %broadcast_in_dim3A_133, %select_n3A_117 : vector<512x128xi1>, vector<512x128xf32>
    %get3A_135 = arith.constant 0 : index
    %get3A_136 = arith.constant 896 : index
    %get3A_137 = vector.load %arg3[%get3A_135, %get3A_136] : memref<1x8192xf32, #tpu.memory_space<vmem>>, vector<1x128xf32>
    %add3A_138 = vector.broadcast %broadcast_in_dim3A_9 : vector<512x1xf32> to vector<512x128xf32>
    %add3A_139 = vector.broadcast %get3A_137 : vector<1x128xf32> to vector<512x128xf32>
    %add3A_140 = arith.addf %add3A_138, %add3A_139 : vector<512x128xf32>
    %slice3A_141 = vector.extract_strided_slice %dot_general3A_20 {offsets = [0, 896], sizes = [512, 128], strides = [1, 1]} : vector<512x8192xf32> to vector<512x128xf32>
    %add3A_142 = arith.addf %add3A_140, %slice3A_141 : vector<512x128xf32>
    %max3A_143 = arith.constant 0.000000e+00 : f32
    %max3A_144 = vector.broadcast %max3A_143 : f32 to vector<512x128xf32>
    %max3A_145 = arith.maximumf %add3A_142, %max3A_144 : vector<512x128xf32>
    %sqrt3A_146 = math.sqrt %max3A_145 : vector<512x128xf32>
    %lt3A_147 = arith.cmpf olt, %sqrt3A_146, %select_n3A_131 : vector<512x128xf32>
    %select_n3A_148 = arith.select %lt3A_147, %sqrt3A_146, %select_n3A_131 : vector<512x128xi1>, vector<512x128xf32>
    %jit3A_149 = arith.constant 7.000000e+00 : f32
    %broadcast_in_dim3A_150 = vector.broadcast %jit3A_149 : f32 to vector<512x128xf32>
    %select_n3A_151 = arith.select %lt3A_147, %broadcast_in_dim3A_150, %select_n3A_134 : vector<512x128xi1>, vector<512x128xf32>
    %get3A_152 = arith.constant 0 : index
    %get3A_153 = arith.constant 1024 : index
    %get3A_154 = vector.load %arg3[%get3A_152, %get3A_153] : memref<1x8192xf32, #tpu.memory_space<vmem>>, vector<1x128xf32>
    %add3A_155 = vector.broadcast %broadcast_in_dim3A_9 : vector<512x1xf32> to vector<512x128xf32>
    %add3A_156 = vector.broadcast %get3A_154 : vector<1x128xf32> to vector<512x128xf32>
    %add3A_157 = arith.addf %add3A_155, %add3A_156 : vector<512x128xf32>
    %slice3A_158 = vector.extract_strided_slice %dot_general3A_20 {offsets = [0, 1024], sizes = [512, 128], strides = [1, 1]} : vector<512x8192xf32> to vector<512x128xf32>
    %add3A_159 = arith.addf %add3A_157, %slice3A_158 : vector<512x128xf32>
    %max3A_160 = arith.constant 0.000000e+00 : f32
    %max3A_161 = vector.broadcast %max3A_160 : f32 to vector<512x128xf32>
    %max3A_162 = arith.maximumf %add3A_159, %max3A_161 : vector<512x128xf32>
    %sqrt3A_163 = math.sqrt %max3A_162 : vector<512x128xf32>
    %lt3A_164 = arith.cmpf olt, %sqrt3A_163, %select_n3A_148 : vector<512x128xf32>
    %select_n3A_165 = arith.select %lt3A_164, %sqrt3A_163, %select_n3A_148 : vector<512x128xi1>, vector<512x128xf32>
    %jit3A_166 = arith.constant 8.000000e+00 : f32
    %broadcast_in_dim3A_167 = vector.broadcast %jit3A_166 : f32 to vector<512x128xf32>
    %select_n3A_168 = arith.select %lt3A_164, %broadcast_in_dim3A_167, %select_n3A_151 : vector<512x128xi1>, vector<512x128xf32>
    %get3A_169 = arith.constant 0 : index
    %get3A_170 = arith.constant 1152 : index
    %get3A_171 = vector.load %arg3[%get3A_169, %get3A_170] : memref<1x8192xf32, #tpu.memory_space<vmem>>, vector<1x128xf32>
    %add3A_172 = vector.broadcast %broadcast_in_dim3A_9 : vector<512x1xf32> to vector<512x128xf32>
    %add3A_173 = vector.broadcast %get3A_171 : vector<1x128xf32> to vector<512x128xf32>
    %add3A_174 = arith.addf %add3A_172, %add3A_173 : vector<512x128xf32>
    %slice3A_175 = vector.extract_strided_slice %dot_general3A_20 {offsets = [0, 1152], sizes = [512, 128], strides = [1, 1]} : vector<512x8192xf32> to vector<512x128xf32>
    %add3A_176 = arith.addf %add3A_174, %slice3A_175 : vector<512x128xf32>
    %max3A_177 = arith.constant 0.000000e+00 : f32
    %max3A_178 = vector.broadcast %max3A_177 : f32 to vector<512x128xf32>
    %max3A_179 = arith.maximumf %add3A_176, %max3A_178 : vector<512x128xf32>
    %sqrt3A_180 = math.sqrt %max3A_179 : vector<512x128xf32>
    %lt3A_181 = arith.cmpf olt, %sqrt3A_180, %select_n3A_165 : vector<512x128xf32>
    %select_n3A_182 = arith.select %lt3A_181, %sqrt3A_180, %select_n3A_165 : vector<512x128xi1>, vector<512x128xf32>
    %jit3A_183 = arith.constant 9.000000e+00 : f32
    %broadcast_in_dim3A_184 = vector.broadcast %jit3A_183 : f32 to vector<512x128xf32>
    %select_n3A_185 = arith.select %lt3A_181, %broadcast_in_dim3A_184, %select_n3A_168 : vector<512x128xi1>, vector<512x128xf32>
    %get3A_186 = arith.constant 0 : index
    %get3A_187 = arith.constant 1280 : index
    %get3A_188 = vector.load %arg3[%get3A_186, %get3A_187] : memref<1x8192xf32, #tpu.memory_space<vmem>>, vector<1x128xf32>
    %add3A_189 = vector.broadcast %broadcast_in_dim3A_9 : vector<512x1xf32> to vector<512x128xf32>
    %add3A_190 = vector.broadcast %get3A_188 : vector<1x128xf32> to vector<512x128xf32>
    %add3A_191 = arith.addf %add3A_189, %add3A_190 : vector<512x128xf32>
    %slice3A_192 = vector.extract_strided_slice %dot_general3A_20 {offsets = [0, 1280], sizes = [512, 128], strides = [1, 1]} : vector<512x8192xf32> to vector<512x128xf32>
    %add3A_193 = arith.addf %add3A_191, %slice3A_192 : vector<512x128xf32>
    %max3A_194 = arith.constant 0.000000e+00 : f32
    %max3A_195 = vector.broadcast %max3A_194 : f32 to vector<512x128xf32>
    %max3A_196 = arith.maximumf %add3A_193, %max3A_195 : vector<512x128xf32>
    %sqrt3A_197 = math.sqrt %max3A_196 : vector<512x128xf32>
    %lt3A_198 = arith.cmpf olt, %sqrt3A_197, %select_n3A_182 : vector<512x128xf32>
    %select_n3A_199 = arith.select %lt3A_198, %sqrt3A_197, %select_n3A_182 : vector<512x128xi1>, vector<512x128xf32>
    %jit3A_200 = arith.constant 1.000000e+01 : f32
    %broadcast_in_dim3A_201 = vector.broadcast %jit3A_200 : f32 to vector<512x128xf32>
    %select_n3A_202 = arith.select %lt3A_198, %broadcast_in_dim3A_201, %select_n3A_185 : vector<512x128xi1>, vector<512x128xf32>
    %get3A_203 = arith.constant 0 : index
    %get3A_204 = arith.constant 1408 : index
    %get3A_205 = vector.load %arg3[%get3A_203, %get3A_204] : memref<1x8192xf32, #tpu.memory_space<vmem>>, vector<1x128xf32>
    %add3A_206 = vector.broadcast %broadcast_in_dim3A_9 : vector<512x1xf32> to vector<512x128xf32>
    %add3A_207 = vector.broadcast %get3A_205 : vector<1x128xf32> to vector<512x128xf32>
    %add3A_208 = arith.addf %add3A_206, %add3A_207 : vector<512x128xf32>
    %slice3A_209 = vector.extract_strided_slice %dot_general3A_20 {offsets = [0, 1408], sizes = [512, 128], strides = [1, 1]} : vector<512x8192xf32> to vector<512x128xf32>
    %add3A_210 = arith.addf %add3A_208, %slice3A_209 : vector<512x128xf32>
    %max3A_211 = arith.constant 0.000000e+00 : f32
    %max3A_212 = vector.broadcast %max3A_211 : f32 to vector<512x128xf32>
    %max3A_213 = arith.maximumf %add3A_210, %max3A_212 : vector<512x128xf32>
    %sqrt3A_214 = math.sqrt %max3A_213 : vector<512x128xf32>
    %lt3A_215 = arith.cmpf olt, %sqrt3A_214, %select_n3A_199 : vector<512x128xf32>
    %select_n3A_216 = arith.select %lt3A_215, %sqrt3A_214, %select_n3A_199 : vector<512x128xi1>, vector<512x128xf32>
    %jit3A_217 = arith.constant 1.100000e+01 : f32
    %broadcast_in_dim3A_218 = vector.broadcast %jit3A_217 : f32 to vector<512x128xf32>
    %select_n3A_219 = arith.select %lt3A_215, %broadcast_in_dim3A_218, %select_n3A_202 : vector<512x128xi1>, vector<512x128xf32>
    %get3A_220 = arith.constant 0 : index
    %get3A_221 = arith.constant 1536 : index
    %get3A_222 = vector.load %arg3[%get3A_220, %get3A_221] : memref<1x8192xf32, #tpu.memory_space<vmem>>, vector<1x128xf32>
    %add3A_223 = vector.broadcast %broadcast_in_dim3A_9 : vector<512x1xf32> to vector<512x128xf32>
    %add3A_224 = vector.broadcast %get3A_222 : vector<1x128xf32> to vector<512x128xf32>
    %add3A_225 = arith.addf %add3A_223, %add3A_224 : vector<512x128xf32>
    %slice3A_226 = vector.extract_strided_slice %dot_general3A_20 {offsets = [0, 1536], sizes = [512, 128], strides = [1, 1]} : vector<512x8192xf32> to vector<512x128xf32>
    %add3A_227 = arith.addf %add3A_225, %slice3A_226 : vector<512x128xf32>
    %max3A_228 = arith.constant 0.000000e+00 : f32
    %max3A_229 = vector.broadcast %max3A_228 : f32 to vector<512x128xf32>
    %max3A_230 = arith.maximumf %add3A_227, %max3A_229 : vector<512x128xf32>
    %sqrt3A_231 = math.sqrt %max3A_230 : vector<512x128xf32>
    %lt3A_232 = arith.cmpf olt, %sqrt3A_231, %select_n3A_216 : vector<512x128xf32>
    %select_n3A_233 = arith.select %lt3A_232, %sqrt3A_231, %select_n3A_216 : vector<512x128xi1>, vector<512x128xf32>
    %jit3A_234 = arith.constant 1.200000e+01 : f32
    %broadcast_in_dim3A_235 = vector.broadcast %jit3A_234 : f32 to vector<512x128xf32>
    %select_n3A_236 = arith.select %lt3A_232, %broadcast_in_dim3A_235, %select_n3A_219 : vector<512x128xi1>, vector<512x128xf32>
    %get3A_237 = arith.constant 0 : index
    %get3A_238 = arith.constant 1664 : index
    %get3A_239 = vector.load %arg3[%get3A_237, %get3A_238] : memref<1x8192xf32, #tpu.memory_space<vmem>>, vector<1x128xf32>
    %add3A_240 = vector.broadcast %broadcast_in_dim3A_9 : vector<512x1xf32> to vector<512x128xf32>
    %add3A_241 = vector.broadcast %get3A_239 : vector<1x128xf32> to vector<512x128xf32>
    %add3A_242 = arith.addf %add3A_240, %add3A_241 : vector<512x128xf32>
    %slice3A_243 = vector.extract_strided_slice %dot_general3A_20 {offsets = [0, 1664], sizes = [512, 128], strides = [1, 1]} : vector<512x8192xf32> to vector<512x128xf32>
    %add3A_244 = arith.addf %add3A_242, %slice3A_243 : vector<512x128xf32>
    %max3A_245 = arith.constant 0.000000e+00 : f32
    %max3A_246 = vector.broadcast %max3A_245 : f32 to vector<512x128xf32>
    %max3A_247 = arith.maximumf %add3A_244, %max3A_246 : vector<512x128xf32>
    %sqrt3A_248 = math.sqrt %max3A_247 : vector<512x128xf32>
    %lt3A_249 = arith.cmpf olt, %sqrt3A_248, %select_n3A_233 : vector<512x128xf32>
    %select_n3A_250 = arith.select %lt3A_249, %sqrt3A_248, %select_n3A_233 : vector<512x128xi1>, vector<512x128xf32>
    %jit3A_251 = arith.constant 1.300000e+01 : f32
    %broadcast_in_dim3A_252 = vector.broadcast %jit3A_251 : f32 to vector<512x128xf32>
    %select_n3A_253 = arith.select %lt3A_249, %broadcast_in_dim3A_252, %select_n3A_236 : vector<512x128xi1>, vector<512x128xf32>
    %get3A_254 = arith.constant 0 : index
    %get3A_255 = arith.constant 1792 : index
    %get3A_256 = vector.load %arg3[%get3A_254, %get3A_255] : memref<1x8192xf32, #tpu.memory_space<vmem>>, vector<1x128xf32>
    %add3A_257 = vector.broadcast %broadcast_in_dim3A_9 : vector<512x1xf32> to vector<512x128xf32>
    %add3A_258 = vector.broadcast %get3A_256 : vector<1x128xf32> to vector<512x128xf32>
    %add3A_259 = arith.addf %add3A_257, %add3A_258 : vector<512x128xf32>
    %slice3A_260 = vector.extract_strided_slice %dot_general3A_20 {offsets = [0, 1792], sizes = [512, 128], strides = [1, 1]} : vector<512x8192xf32> to vector<512x128xf32>
    %add3A_261 = arith.addf %add3A_259, %slice3A_260 : vector<512x128xf32>
    %max3A_262 = arith.constant 0.000000e+00 : f32
    %max3A_263 = vector.broadcast %max3A_262 : f32 to vector<512x128xf32>
    %max3A_264 = arith.maximumf %add3A_261, %max3A_263 : vector<512x128xf32>
    %sqrt3A_265 = math.sqrt %max3A_264 : vector<512x128xf32>
    %lt3A_266 = arith.cmpf olt, %sqrt3A_265, %select_n3A_250 : vector<512x128xf32>
    %select_n3A_267 = arith.select %lt3A_266, %sqrt3A_265, %select_n3A_250 : vector<512x128xi1>, vector<512x128xf32>
    %jit3A_268 = arith.constant 1.400000e+01 : f32
    %broadcast_in_dim3A_269 = vector.broadcast %jit3A_268 : f32 to vector<512x128xf32>
    %select_n3A_270 = arith.select %lt3A_266, %broadcast_in_dim3A_269, %select_n3A_253 : vector<512x128xi1>, vector<512x128xf32>
    %get3A_271 = arith.constant 0 : index
    %get3A_272 = arith.constant 1920 : index
    %get3A_273 = vector.load %arg3[%get3A_271, %get3A_272] : memref<1x8192xf32, #tpu.memory_space<vmem>>, vector<1x128xf32>
    %add3A_274 = vector.broadcast %broadcast_in_dim3A_9 : vector<512x1xf32> to vector<512x128xf32>
    %add3A_275 = vector.broadcast %get3A_273 : vector<1x128xf32> to vector<512x128xf32>
    %add3A_276 = arith.addf %add3A_274, %add3A_275 : vector<512x128xf32>
    %slice3A_277 = vector.extract_strided_slice %dot_general3A_20 {offsets = [0, 1920], sizes = [512, 128], strides = [1, 1]} : vector<512x8192xf32> to vector<512x128xf32>
    %add3A_278 = arith.addf %add3A_276, %slice3A_277 : vector<512x128xf32>
    %max3A_279 = arith.constant 0.000000e+00 : f32
    %max3A_280 = vector.broadcast %max3A_279 : f32 to vector<512x128xf32>
    %max3A_281 = arith.maximumf %add3A_278, %max3A_280 : vector<512x128xf32>
    %sqrt3A_282 = math.sqrt %max3A_281 : vector<512x128xf32>
    %lt3A_283 = arith.cmpf olt, %sqrt3A_282, %select_n3A_267 : vector<512x128xf32>
    %select_n3A_284 = arith.select %lt3A_283, %sqrt3A_282, %select_n3A_267 : vector<512x128xi1>, vector<512x128xf32>
    %jit3A_285 = arith.constant 1.500000e+01 : f32
    %broadcast_in_dim3A_286 = vector.broadcast %jit3A_285 : f32 to vector<512x128xf32>
    %select_n3A_287 = arith.select %lt3A_283, %broadcast_in_dim3A_286, %select_n3A_270 : vector<512x128xi1>, vector<512x128xf32>
    %get3A_288 = arith.constant 0 : index
    %get3A_289 = arith.constant 2048 : index
    %get3A_290 = vector.load %arg3[%get3A_288, %get3A_289] : memref<1x8192xf32, #tpu.memory_space<vmem>>, vector<1x128xf32>
    %add3A_291 = vector.broadcast %broadcast_in_dim3A_9 : vector<512x1xf32> to vector<512x128xf32>
    %add3A_292 = vector.broadcast %get3A_290 : vector<1x128xf32> to vector<512x128xf32>
    %add3A_293 = arith.addf %add3A_291, %add3A_292 : vector<512x128xf32>
    %slice3A_294 = vector.extract_strided_slice %dot_general3A_20 {offsets = [0, 2048], sizes = [512, 128], strides = [1, 1]} : vector<512x8192xf32> to vector<512x128xf32>
    %add3A_295 = arith.addf %add3A_293, %slice3A_294 : vector<512x128xf32>
    %max3A_296 = arith.constant 0.000000e+00 : f32
    %max3A_297 = vector.broadcast %max3A_296 : f32 to vector<512x128xf32>
    %max3A_298 = arith.maximumf %add3A_295, %max3A_297 : vector<512x128xf32>
    %sqrt3A_299 = math.sqrt %max3A_298 : vector<512x128xf32>
    %lt3A_300 = arith.cmpf olt, %sqrt3A_299, %select_n3A_284 : vector<512x128xf32>
    %select_n3A_301 = arith.select %lt3A_300, %sqrt3A_299, %select_n3A_284 : vector<512x128xi1>, vector<512x128xf32>
    %jit3A_302 = arith.constant 1.600000e+01 : f32
    %broadcast_in_dim3A_303 = vector.broadcast %jit3A_302 : f32 to vector<512x128xf32>
    %select_n3A_304 = arith.select %lt3A_300, %broadcast_in_dim3A_303, %select_n3A_287 : vector<512x128xi1>, vector<512x128xf32>
    %get3A_305 = arith.constant 0 : index
    %get3A_306 = arith.constant 2176 : index
    %get3A_307 = vector.load %arg3[%get3A_305, %get3A_306] : memref<1x8192xf32, #tpu.memory_space<vmem>>, vector<1x128xf32>
    %add3A_308 = vector.broadcast %broadcast_in_dim3A_9 : vector<512x1xf32> to vector<512x128xf32>
    %add3A_309 = vector.broadcast %get3A_307 : vector<1x128xf32> to vector<512x128xf32>
    %add3A_310 = arith.addf %add3A_308, %add3A_309 : vector<512x128xf32>
    %slice3A_311 = vector.extract_strided_slice %dot_general3A_20 {offsets = [0, 2176], sizes = [512, 128], strides = [1, 1]} : vector<512x8192xf32> to vector<512x128xf32>
    %add3A_312 = arith.addf %add3A_310, %slice3A_311 : vector<512x128xf32>
    %max3A_313 = arith.constant 0.000000e+00 : f32
    %max3A_314 = vector.broadcast %max3A_313 : f32 to vector<512x128xf32>
    %max3A_315 = arith.maximumf %add3A_312, %max3A_314 : vector<512x128xf32>
    %sqrt3A_316 = math.sqrt %max3A_315 : vector<512x128xf32>
    %lt3A_317 = arith.cmpf olt, %sqrt3A_316, %select_n3A_301 : vector<512x128xf32>
    %select_n3A_318 = arith.select %lt3A_317, %sqrt3A_316, %select_n3A_301 : vector<512x128xi1>, vector<512x128xf32>
    %jit3A_319 = arith.constant 1.700000e+01 : f32
    %broadcast_in_dim3A_320 = vector.broadcast %jit3A_319 : f32 to vector<512x128xf32>
    %select_n3A_321 = arith.select %lt3A_317, %broadcast_in_dim3A_320, %select_n3A_304 : vector<512x128xi1>, vector<512x128xf32>
    %get3A_322 = arith.constant 0 : index
    %get3A_323 = arith.constant 2304 : index
    %get3A_324 = vector.load %arg3[%get3A_322, %get3A_323] : memref<1x8192xf32, #tpu.memory_space<vmem>>, vector<1x128xf32>
    %add3A_325 = vector.broadcast %broadcast_in_dim3A_9 : vector<512x1xf32> to vector<512x128xf32>
    %add3A_326 = vector.broadcast %get3A_324 : vector<1x128xf32> to vector<512x128xf32>
    %add3A_327 = arith.addf %add3A_325, %add3A_326 : vector<512x128xf32>
    %slice3A_328 = vector.extract_strided_slice %dot_general3A_20 {offsets = [0, 2304], sizes = [512, 128], strides = [1, 1]} : vector<512x8192xf32> to vector<512x128xf32>
    %add3A_329 = arith.addf %add3A_327, %slice3A_328 : vector<512x128xf32>
    %max3A_330 = arith.constant 0.000000e+00 : f32
    %max3A_331 = vector.broadcast %max3A_330 : f32 to vector<512x128xf32>
    %max3A_332 = arith.maximumf %add3A_329, %max3A_331 : vector<512x128xf32>
    %sqrt3A_333 = math.sqrt %max3A_332 : vector<512x128xf32>
    %lt3A_334 = arith.cmpf olt, %sqrt3A_333, %select_n3A_318 : vector<512x128xf32>
    %select_n3A_335 = arith.select %lt3A_334, %sqrt3A_333, %select_n3A_318 : vector<512x128xi1>, vector<512x128xf32>
    %jit3A_336 = arith.constant 1.800000e+01 : f32
    %broadcast_in_dim3A_337 = vector.broadcast %jit3A_336 : f32 to vector<512x128xf32>
    %select_n3A_338 = arith.select %lt3A_334, %broadcast_in_dim3A_337, %select_n3A_321 : vector<512x128xi1>, vector<512x128xf32>
    %get3A_339 = arith.constant 0 : index
    %get3A_340 = arith.constant 2432 : index
    %get3A_341 = vector.load %arg3[%get3A_339, %get3A_340] : memref<1x8192xf32, #tpu.memory_space<vmem>>, vector<1x128xf32>
    %add3A_342 = vector.broadcast %broadcast_in_dim3A_9 : vector<512x1xf32> to vector<512x128xf32>
    %add3A_343 = vector.broadcast %get3A_341 : vector<1x128xf32> to vector<512x128xf32>
    %add3A_344 = arith.addf %add3A_342, %add3A_343 : vector<512x128xf32>
    %slice3A_345 = vector.extract_strided_slice %dot_general3A_20 {offsets = [0, 2432], sizes = [512, 128], strides = [1, 1]} : vector<512x8192xf32> to vector<512x128xf32>
    %add3A_346 = arith.addf %add3A_344, %slice3A_345 : vector<512x128xf32>
    %max3A_347 = arith.constant 0.000000e+00 : f32
    %max3A_348 = vector.broadcast %max3A_347 : f32 to vector<512x128xf32>
    %max3A_349 = arith.maximumf %add3A_346, %max3A_348 : vector<512x128xf32>
    %sqrt3A_350 = math.sqrt %max3A_349 : vector<512x128xf32>
    %lt3A_351 = arith.cmpf olt, %sqrt3A_350, %select_n3A_335 : vector<512x128xf32>
    %select_n3A_352 = arith.select %lt3A_351, %sqrt3A_350, %select_n3A_335 : vector<512x128xi1>, vector<512x128xf32>
    %jit3A_353 = arith.constant 1.900000e+01 : f32
    %broadcast_in_dim3A_354 = vector.broadcast %jit3A_353 : f32 to vector<512x128xf32>
    %select_n3A_355 = arith.select %lt3A_351, %broadcast_in_dim3A_354, %select_n3A_338 : vector<512x128xi1>, vector<512x128xf32>
    %get3A_356 = arith.constant 0 : index
    %get3A_357 = arith.constant 2560 : index
    %get3A_358 = vector.load %arg3[%get3A_356, %get3A_357] : memref<1x8192xf32, #tpu.memory_space<vmem>>, vector<1x128xf32>
    %add3A_359 = vector.broadcast %broadcast_in_dim3A_9 : vector<512x1xf32> to vector<512x128xf32>
    %add3A_360 = vector.broadcast %get3A_358 : vector<1x128xf32> to vector<512x128xf32>
    %add3A_361 = arith.addf %add3A_359, %add3A_360 : vector<512x128xf32>
    %slice3A_362 = vector.extract_strided_slice %dot_general3A_20 {offsets = [0, 2560], sizes = [512, 128], strides = [1, 1]} : vector<512x8192xf32> to vector<512x128xf32>
    %add3A_363 = arith.addf %add3A_361, %slice3A_362 : vector<512x128xf32>
    %max3A_364 = arith.constant 0.000000e+00 : f32
    %max3A_365 = vector.broadcast %max3A_364 : f32 to vector<512x128xf32>
    %max3A_366 = arith.maximumf %add3A_363, %max3A_365 : vector<512x128xf32>
    %sqrt3A_367 = math.sqrt %max3A_366 : vector<512x128xf32>
    %lt3A_368 = arith.cmpf olt, %sqrt3A_367, %select_n3A_352 : vector<512x128xf32>
    %select_n3A_369 = arith.select %lt3A_368, %sqrt3A_367, %select_n3A_352 : vector<512x128xi1>, vector<512x128xf32>
    %jit3A_370 = arith.constant 2.000000e+01 : f32
    %broadcast_in_dim3A_371 = vector.broadcast %jit3A_370 : f32 to vector<512x128xf32>
    %select_n3A_372 = arith.select %lt3A_368, %broadcast_in_dim3A_371, %select_n3A_355 : vector<512x128xi1>, vector<512x128xf32>
    %get3A_373 = arith.constant 0 : index
    %get3A_374 = arith.constant 2688 : index
    %get3A_375 = vector.load %arg3[%get3A_373, %get3A_374] : memref<1x8192xf32, #tpu.memory_space<vmem>>, vector<1x128xf32>
    %add3A_376 = vector.broadcast %broadcast_in_dim3A_9 : vector<512x1xf32> to vector<512x128xf32>
    %add3A_377 = vector.broadcast %get3A_375 : vector<1x128xf32> to vector<512x128xf32>
    %add3A_378 = arith.addf %add3A_376, %add3A_377 : vector<512x128xf32>
    %slice3A_379 = vector.extract_strided_slice %dot_general3A_20 {offsets = [0, 2688], sizes = [512, 128], strides = [1, 1]} : vector<512x8192xf32> to vector<512x128xf32>
    %add3A_380 = arith.addf %add3A_378, %slice3A_379 : vector<512x128xf32>
    %max3A_381 = arith.constant 0.000000e+00 : f32
    %max3A_382 = vector.broadcast %max3A_381 : f32 to vector<512x128xf32>
    %max3A_383 = arith.maximumf %add3A_380, %max3A_382 : vector<512x128xf32>
    %sqrt3A_384 = math.sqrt %max3A_383 : vector<512x128xf32>
    %lt3A_385 = arith.cmpf olt, %sqrt3A_384, %select_n3A_369 : vector<512x128xf32>
    %select_n3A_386 = arith.select %lt3A_385, %sqrt3A_384, %select_n3A_369 : vector<512x128xi1>, vector<512x128xf32>
    %jit3A_387 = arith.constant 2.100000e+01 : f32
    %broadcast_in_dim3A_388 = vector.broadcast %jit3A_387 : f32 to vector<512x128xf32>
    %select_n3A_389 = arith.select %lt3A_385, %broadcast_in_dim3A_388, %select_n3A_372 : vector<512x128xi1>, vector<512x128xf32>
    %get3A_390 = arith.constant 0 : index
    %get3A_391 = arith.constant 2816 : index
    %get3A_392 = vector.load %arg3[%get3A_390, %get3A_391] : memref<1x8192xf32, #tpu.memory_space<vmem>>, vector<1x128xf32>
    %add3A_393 = vector.broadcast %broadcast_in_dim3A_9 : vector<512x1xf32> to vector<512x128xf32>
    %add3A_394 = vector.broadcast %get3A_392 : vector<1x128xf32> to vector<512x128xf32>
    %add3A_395 = arith.addf %add3A_393, %add3A_394 : vector<512x128xf32>
    %slice3A_396 = vector.extract_strided_slice %dot_general3A_20 {offsets = [0, 2816], sizes = [512, 128], strides = [1, 1]} : vector<512x8192xf32> to vector<512x128xf32>
    %add3A_397 = arith.addf %add3A_395, %slice3A_396 : vector<512x128xf32>
    %max3A_398 = arith.constant 0.000000e+00 : f32
    %max3A_399 = vector.broadcast %max3A_398 : f32 to vector<512x128xf32>
    %max3A_400 = arith.maximumf %add3A_397, %max3A_399 : vector<512x128xf32>
    %sqrt3A_401 = math.sqrt %max3A_400 : vector<512x128xf32>
    %lt3A_402 = arith.cmpf olt, %sqrt3A_401, %select_n3A_386 : vector<512x128xf32>
    %select_n3A_403 = arith.select %lt3A_402, %sqrt3A_401, %select_n3A_386 : vector<512x128xi1>, vector<512x128xf32>
    %jit3A_404 = arith.constant 2.200000e+01 : f32
    %broadcast_in_dim3A_405 = vector.broadcast %jit3A_404 : f32 to vector<512x128xf32>
    %select_n3A_406 = arith.select %lt3A_402, %broadcast_in_dim3A_405, %select_n3A_389 : vector<512x128xi1>, vector<512x128xf32>
    %get3A_407 = arith.constant 0 : index
    %get3A_408 = arith.constant 2944 : index
    %get3A_409 = vector.load %arg3[%get3A_407, %get3A_408] : memref<1x8192xf32, #tpu.memory_space<vmem>>, vector<1x128xf32>
    %add3A_410 = vector.broadcast %broadcast_in_dim3A_9 : vector<512x1xf32> to vector<512x128xf32>
    %add3A_411 = vector.broadcast %get3A_409 : vector<1x128xf32> to vector<512x128xf32>
    %add3A_412 = arith.addf %add3A_410, %add3A_411 : vector<512x128xf32>
    %slice3A_413 = vector.extract_strided_slice %dot_general3A_20 {offsets = [0, 2944], sizes = [512, 128], strides = [1, 1]} : vector<512x8192xf32> to vector<512x128xf32>
    %add3A_414 = arith.addf %add3A_412, %slice3A_413 : vector<512x128xf32>
    %max3A_415 = arith.constant 0.000000e+00 : f32
    %max3A_416 = vector.broadcast %max3A_415 : f32 to vector<512x128xf32>
    %max3A_417 = arith.maximumf %add3A_414, %max3A_416 : vector<512x128xf32>
    %sqrt3A_418 = math.sqrt %max3A_417 : vector<512x128xf32>
    %lt3A_419 = arith.cmpf olt, %sqrt3A_418, %select_n3A_403 : vector<512x128xf32>
    %select_n3A_420 = arith.select %lt3A_419, %sqrt3A_418, %select_n3A_403 : vector<512x128xi1>, vector<512x128xf32>
    %jit3A_421 = arith.constant 2.300000e+01 : f32
    %broadcast_in_dim3A_422 = vector.broadcast %jit3A_421 : f32 to vector<512x128xf32>
    %select_n3A_423 = arith.select %lt3A_419, %broadcast_in_dim3A_422, %select_n3A_406 : vector<512x128xi1>, vector<512x128xf32>
    %get3A_424 = arith.constant 0 : index
    %get3A_425 = arith.constant 3072 : index
    %get3A_426 = vector.load %arg3[%get3A_424, %get3A_425] : memref<1x8192xf32, #tpu.memory_space<vmem>>, vector<1x128xf32>
    %add3A_427 = vector.broadcast %broadcast_in_dim3A_9 : vector<512x1xf32> to vector<512x128xf32>
    %add3A_428 = vector.broadcast %get3A_426 : vector<1x128xf32> to vector<512x128xf32>
    %add3A_429 = arith.addf %add3A_427, %add3A_428 : vector<512x128xf32>
    %slice3A_430 = vector.extract_strided_slice %dot_general3A_20 {offsets = [0, 3072], sizes = [512, 128], strides = [1, 1]} : vector<512x8192xf32> to vector<512x128xf32>
    %add3A_431 = arith.addf %add3A_429, %slice3A_430 : vector<512x128xf32>
    %max3A_432 = arith.constant 0.000000e+00 : f32
    %max3A_433 = vector.broadcast %max3A_432 : f32 to vector<512x128xf32>
    %max3A_434 = arith.maximumf %add3A_431, %max3A_433 : vector<512x128xf32>
    %sqrt3A_435 = math.sqrt %max3A_434 : vector<512x128xf32>
    %lt3A_436 = arith.cmpf olt, %sqrt3A_435, %select_n3A_420 : vector<512x128xf32>
    %select_n3A_437 = arith.select %lt3A_436, %sqrt3A_435, %select_n3A_420 : vector<512x128xi1>, vector<512x128xf32>
    %jit3A_438 = arith.constant 2.400000e+01 : f32
    %broadcast_in_dim3A_439 = vector.broadcast %jit3A_438 : f32 to vector<512x128xf32>
    %select_n3A_440 = arith.select %lt3A_436, %broadcast_in_dim3A_439, %select_n3A_423 : vector<512x128xi1>, vector<512x128xf32>
    %get3A_441 = arith.constant 0 : index
    %get3A_442 = arith.constant 3200 : index
    %get3A_443 = vector.load %arg3[%get3A_441, %get3A_442] : memref<1x8192xf32, #tpu.memory_space<vmem>>, vector<1x128xf32>
    %add3A_444 = vector.broadcast %broadcast_in_dim3A_9 : vector<512x1xf32> to vector<512x128xf32>
    %add3A_445 = vector.broadcast %get3A_443 : vector<1x128xf32> to vector<512x128xf32>
    %add3A_446 = arith.addf %add3A_444, %add3A_445 : vector<512x128xf32>
    %slice3A_447 = vector.extract_strided_slice %dot_general3A_20 {offsets = [0, 3200], sizes = [512, 128], strides = [1, 1]} : vector<512x8192xf32> to vector<512x128xf32>
    %add3A_448 = arith.addf %add3A_446, %slice3A_447 : vector<512x128xf32>
    %max3A_449 = arith.constant 0.000000e+00 : f32
    %max3A_450 = vector.broadcast %max3A_449 : f32 to vector<512x128xf32>
    %max3A_451 = arith.maximumf %add3A_448, %max3A_450 : vector<512x128xf32>
    %sqrt3A_452 = math.sqrt %max3A_451 : vector<512x128xf32>
    %lt3A_453 = arith.cmpf olt, %sqrt3A_452, %select_n3A_437 : vector<512x128xf32>
    %select_n3A_454 = arith.select %lt3A_453, %sqrt3A_452, %select_n3A_437 : vector<512x128xi1>, vector<512x128xf32>
    %jit3A_455 = arith.constant 2.500000e+01 : f32
    %broadcast_in_dim3A_456 = vector.broadcast %jit3A_455 : f32 to vector<512x128xf32>
    %select_n3A_457 = arith.select %lt3A_453, %broadcast_in_dim3A_456, %select_n3A_440 : vector<512x128xi1>, vector<512x128xf32>
    %get3A_458 = arith.constant 0 : index
    %get3A_459 = arith.constant 3328 : index
    %get3A_460 = vector.load %arg3[%get3A_458, %get3A_459] : memref<1x8192xf32, #tpu.memory_space<vmem>>, vector<1x128xf32>
    %add3A_461 = vector.broadcast %broadcast_in_dim3A_9 : vector<512x1xf32> to vector<512x128xf32>
    %add3A_462 = vector.broadcast %get3A_460 : vector<1x128xf32> to vector<512x128xf32>
    %add3A_463 = arith.addf %add3A_461, %add3A_462 : vector<512x128xf32>
    %slice3A_464 = vector.extract_strided_slice %dot_general3A_20 {offsets = [0, 3328], sizes = [512, 128], strides = [1, 1]} : vector<512x8192xf32> to vector<512x128xf32>
    %add3A_465 = arith.addf %add3A_463, %slice3A_464 : vector<512x128xf32>
    %max3A_466 = arith.constant 0.000000e+00 : f32
    %max3A_467 = vector.broadcast %max3A_466 : f32 to vector<512x128xf32>
    %max3A_468 = arith.maximumf %add3A_465, %max3A_467 : vector<512x128xf32>
    %sqrt3A_469 = math.sqrt %max3A_468 : vector<512x128xf32>
    %lt3A_470 = arith.cmpf olt, %sqrt3A_469, %select_n3A_454 : vector<512x128xf32>
    %select_n3A_471 = arith.select %lt3A_470, %sqrt3A_469, %select_n3A_454 : vector<512x128xi1>, vector<512x128xf32>
    %jit3A_472 = arith.constant 2.600000e+01 : f32
    %broadcast_in_dim3A_473 = vector.broadcast %jit3A_472 : f32 to vector<512x128xf32>
    %select_n3A_474 = arith.select %lt3A_470, %broadcast_in_dim3A_473, %select_n3A_457 : vector<512x128xi1>, vector<512x128xf32>
    %get3A_475 = arith.constant 0 : index
    %get3A_476 = arith.constant 3456 : index
    %get3A_477 = vector.load %arg3[%get3A_475, %get3A_476] : memref<1x8192xf32, #tpu.memory_space<vmem>>, vector<1x128xf32>
    %add3A_478 = vector.broadcast %broadcast_in_dim3A_9 : vector<512x1xf32> to vector<512x128xf32>
    %add3A_479 = vector.broadcast %get3A_477 : vector<1x128xf32> to vector<512x128xf32>
    %add3A_480 = arith.addf %add3A_478, %add3A_479 : vector<512x128xf32>
    %slice3A_481 = vector.extract_strided_slice %dot_general3A_20 {offsets = [0, 3456], sizes = [512, 128], strides = [1, 1]} : vector<512x8192xf32> to vector<512x128xf32>
    %add3A_482 = arith.addf %add3A_480, %slice3A_481 : vector<512x128xf32>
    %max3A_483 = arith.constant 0.000000e+00 : f32
    %max3A_484 = vector.broadcast %max3A_483 : f32 to vector<512x128xf32>
    %max3A_485 = arith.maximumf %add3A_482, %max3A_484 : vector<512x128xf32>
    %sqrt3A_486 = math.sqrt %max3A_485 : vector<512x128xf32>
    %lt3A_487 = arith.cmpf olt, %sqrt3A_486, %select_n3A_471 : vector<512x128xf32>
    %select_n3A_488 = arith.select %lt3A_487, %sqrt3A_486, %select_n3A_471 : vector<512x128xi1>, vector<512x128xf32>
    %jit3A_489 = arith.constant 2.700000e+01 : f32
    %broadcast_in_dim3A_490 = vector.broadcast %jit3A_489 : f32 to vector<512x128xf32>
    %select_n3A_491 = arith.select %lt3A_487, %broadcast_in_dim3A_490, %select_n3A_474 : vector<512x128xi1>, vector<512x128xf32>
    %get3A_492 = arith.constant 0 : index
    %get3A_493 = arith.constant 3584 : index
    %get3A_494 = vector.load %arg3[%get3A_492, %get3A_493] : memref<1x8192xf32, #tpu.memory_space<vmem>>, vector<1x128xf32>
    %add3A_495 = vector.broadcast %broadcast_in_dim3A_9 : vector<512x1xf32> to vector<512x128xf32>
    %add3A_496 = vector.broadcast %get3A_494 : vector<1x128xf32> to vector<512x128xf32>
    %add3A_497 = arith.addf %add3A_495, %add3A_496 : vector<512x128xf32>
    %slice3A_498 = vector.extract_strided_slice %dot_general3A_20 {offsets = [0, 3584], sizes = [512, 128], strides = [1, 1]} : vector<512x8192xf32> to vector<512x128xf32>
    %add3A_499 = arith.addf %add3A_497, %slice3A_498 : vector<512x128xf32>
    %max3A_500 = arith.constant 0.000000e+00 : f32
    %max3A_501 = vector.broadcast %max3A_500 : f32 to vector<512x128xf32>
    %max3A_502 = arith.maximumf %add3A_499, %max3A_501 : vector<512x128xf32>
    %sqrt3A_503 = math.sqrt %max3A_502 : vector<512x128xf32>
    %lt3A_504 = arith.cmpf olt, %sqrt3A_503, %select_n3A_488 : vector<512x128xf32>
    %select_n3A_505 = arith.select %lt3A_504, %sqrt3A_503, %select_n3A_488 : vector<512x128xi1>, vector<512x128xf32>
    %jit3A_506 = arith.constant 2.800000e+01 : f32
    %broadcast_in_dim3A_507 = vector.broadcast %jit3A_506 : f32 to vector<512x128xf32>
    %select_n3A_508 = arith.select %lt3A_504, %broadcast_in_dim3A_507, %select_n3A_491 : vector<512x128xi1>, vector<512x128xf32>
    %get3A_509 = arith.constant 0 : index
    %get3A_510 = arith.constant 3712 : index
    %get3A_511 = vector.load %arg3[%get3A_509, %get3A_510] : memref<1x8192xf32, #tpu.memory_space<vmem>>, vector<1x128xf32>
    %add3A_512 = vector.broadcast %broadcast_in_dim3A_9 : vector<512x1xf32> to vector<512x128xf32>
    %add3A_513 = vector.broadcast %get3A_511 : vector<1x128xf32> to vector<512x128xf32>
    %add3A_514 = arith.addf %add3A_512, %add3A_513 : vector<512x128xf32>
    %slice3A_515 = vector.extract_strided_slice %dot_general3A_20 {offsets = [0, 3712], sizes = [512, 128], strides = [1, 1]} : vector<512x8192xf32> to vector<512x128xf32>
    %add3A_516 = arith.addf %add3A_514, %slice3A_515 : vector<512x128xf32>
    %max3A_517 = arith.constant 0.000000e+00 : f32
    %max3A_518 = vector.broadcast %max3A_517 : f32 to vector<512x128xf32>
    %max3A_519 = arith.maximumf %add3A_516, %max3A_518 : vector<512x128xf32>
    %sqrt3A_520 = math.sqrt %max3A_519 : vector<512x128xf32>
    %lt3A_521 = arith.cmpf olt, %sqrt3A_520, %select_n3A_505 : vector<512x128xf32>
    %select_n3A_522 = arith.select %lt3A_521, %sqrt3A_520, %select_n3A_505 : vector<512x128xi1>, vector<512x128xf32>
    %jit3A_523 = arith.constant 2.900000e+01 : f32
    %broadcast_in_dim3A_524 = vector.broadcast %jit3A_523 : f32 to vector<512x128xf32>
    %select_n3A_525 = arith.select %lt3A_521, %broadcast_in_dim3A_524, %select_n3A_508 : vector<512x128xi1>, vector<512x128xf32>
    %get3A_526 = arith.constant 0 : index
    %get3A_527 = arith.constant 3840 : index
    %get3A_528 = vector.load %arg3[%get3A_526, %get3A_527] : memref<1x8192xf32, #tpu.memory_space<vmem>>, vector<1x128xf32>
    %add3A_529 = vector.broadcast %broadcast_in_dim3A_9 : vector<512x1xf32> to vector<512x128xf32>
    %add3A_530 = vector.broadcast %get3A_528 : vector<1x128xf32> to vector<512x128xf32>
    %add3A_531 = arith.addf %add3A_529, %add3A_530 : vector<512x128xf32>
    %slice3A_532 = vector.extract_strided_slice %dot_general3A_20 {offsets = [0, 3840], sizes = [512, 128], strides = [1, 1]} : vector<512x8192xf32> to vector<512x128xf32>
    %add3A_533 = arith.addf %add3A_531, %slice3A_532 : vector<512x128xf32>
    %max3A_534 = arith.constant 0.000000e+00 : f32
    %max3A_535 = vector.broadcast %max3A_534 : f32 to vector<512x128xf32>
    %max3A_536 = arith.maximumf %add3A_533, %max3A_535 : vector<512x128xf32>
    %sqrt3A_537 = math.sqrt %max3A_536 : vector<512x128xf32>
    %lt3A_538 = arith.cmpf olt, %sqrt3A_537, %select_n3A_522 : vector<512x128xf32>
    %select_n3A_539 = arith.select %lt3A_538, %sqrt3A_537, %select_n3A_522 : vector<512x128xi1>, vector<512x128xf32>
    %jit3A_540 = arith.constant 3.000000e+01 : f32
    %broadcast_in_dim3A_541 = vector.broadcast %jit3A_540 : f32 to vector<512x128xf32>
    %select_n3A_542 = arith.select %lt3A_538, %broadcast_in_dim3A_541, %select_n3A_525 : vector<512x128xi1>, vector<512x128xf32>
    %get3A_543 = arith.constant 0 : index
    %get3A_544 = arith.constant 3968 : index
    %get3A_545 = vector.load %arg3[%get3A_543, %get3A_544] : memref<1x8192xf32, #tpu.memory_space<vmem>>, vector<1x128xf32>
    %add3A_546 = vector.broadcast %broadcast_in_dim3A_9 : vector<512x1xf32> to vector<512x128xf32>
    %add3A_547 = vector.broadcast %get3A_545 : vector<1x128xf32> to vector<512x128xf32>
    %add3A_548 = arith.addf %add3A_546, %add3A_547 : vector<512x128xf32>
    %slice3A_549 = vector.extract_strided_slice %dot_general3A_20 {offsets = [0, 3968], sizes = [512, 128], strides = [1, 1]} : vector<512x8192xf32> to vector<512x128xf32>
    %add3A_550 = arith.addf %add3A_548, %slice3A_549 : vector<512x128xf32>
    %max3A_551 = arith.constant 0.000000e+00 : f32
    %max3A_552 = vector.broadcast %max3A_551 : f32 to vector<512x128xf32>
    %max3A_553 = arith.maximumf %add3A_550, %max3A_552 : vector<512x128xf32>
    %sqrt3A_554 = math.sqrt %max3A_553 : vector<512x128xf32>
    %lt3A_555 = arith.cmpf olt, %sqrt3A_554, %select_n3A_539 : vector<512x128xf32>
    %select_n3A_556 = arith.select %lt3A_555, %sqrt3A_554, %select_n3A_539 : vector<512x128xi1>, vector<512x128xf32>
    %jit3A_557 = arith.constant 3.100000e+01 : f32
    %broadcast_in_dim3A_558 = vector.broadcast %jit3A_557 : f32 to vector<512x128xf32>
    %select_n3A_559 = arith.select %lt3A_555, %broadcast_in_dim3A_558, %select_n3A_542 : vector<512x128xi1>, vector<512x128xf32>
    %get3A_560 = arith.constant 0 : index
    %get3A_561 = arith.constant 4096 : index
    %get3A_562 = vector.load %arg3[%get3A_560, %get3A_561] : memref<1x8192xf32, #tpu.memory_space<vmem>>, vector<1x128xf32>
    %add3A_563 = vector.broadcast %broadcast_in_dim3A_9 : vector<512x1xf32> to vector<512x128xf32>
    %add3A_564 = vector.broadcast %get3A_562 : vector<1x128xf32> to vector<512x128xf32>
    %add3A_565 = arith.addf %add3A_563, %add3A_564 : vector<512x128xf32>
    %slice3A_566 = vector.extract_strided_slice %dot_general3A_20 {offsets = [0, 4096], sizes = [512, 128], strides = [1, 1]} : vector<512x8192xf32> to vector<512x128xf32>
    %add3A_567 = arith.addf %add3A_565, %slice3A_566 : vector<512x128xf32>
    %max3A_568 = arith.constant 0.000000e+00 : f32
    %max3A_569 = vector.broadcast %max3A_568 : f32 to vector<512x128xf32>
    %max3A_570 = arith.maximumf %add3A_567, %max3A_569 : vector<512x128xf32>
    %sqrt3A_571 = math.sqrt %max3A_570 : vector<512x128xf32>
    %lt3A_572 = arith.cmpf olt, %sqrt3A_571, %select_n3A_556 : vector<512x128xf32>
    %select_n3A_573 = arith.select %lt3A_572, %sqrt3A_571, %select_n3A_556 : vector<512x128xi1>, vector<512x128xf32>
    %jit3A_574 = arith.constant 3.200000e+01 : f32
    %broadcast_in_dim3A_575 = vector.broadcast %jit3A_574 : f32 to vector<512x128xf32>
    %select_n3A_576 = arith.select %lt3A_572, %broadcast_in_dim3A_575, %select_n3A_559 : vector<512x128xi1>, vector<512x128xf32>
    %get3A_577 = arith.constant 0 : index
    %get3A_578 = arith.constant 4224 : index
    %get3A_579 = vector.load %arg3[%get3A_577, %get3A_578] : memref<1x8192xf32, #tpu.memory_space<vmem>>, vector<1x128xf32>
    %add3A_580 = vector.broadcast %broadcast_in_dim3A_9 : vector<512x1xf32> to vector<512x128xf32>
    %add3A_581 = vector.broadcast %get3A_579 : vector<1x128xf32> to vector<512x128xf32>
    %add3A_582 = arith.addf %add3A_580, %add3A_581 : vector<512x128xf32>
    %slice3A_583 = vector.extract_strided_slice %dot_general3A_20 {offsets = [0, 4224], sizes = [512, 128], strides = [1, 1]} : vector<512x8192xf32> to vector<512x128xf32>
    %add3A_584 = arith.addf %add3A_582, %slice3A_583 : vector<512x128xf32>
    %max3A_585 = arith.constant 0.000000e+00 : f32
    %max3A_586 = vector.broadcast %max3A_585 : f32 to vector<512x128xf32>
    %max3A_587 = arith.maximumf %add3A_584, %max3A_586 : vector<512x128xf32>
    %sqrt3A_588 = math.sqrt %max3A_587 : vector<512x128xf32>
    %lt3A_589 = arith.cmpf olt, %sqrt3A_588, %select_n3A_573 : vector<512x128xf32>
    %select_n3A_590 = arith.select %lt3A_589, %sqrt3A_588, %select_n3A_573 : vector<512x128xi1>, vector<512x128xf32>
    %jit3A_591 = arith.constant 3.300000e+01 : f32
    %broadcast_in_dim3A_592 = vector.broadcast %jit3A_591 : f32 to vector<512x128xf32>
    %select_n3A_593 = arith.select %lt3A_589, %broadcast_in_dim3A_592, %select_n3A_576 : vector<512x128xi1>, vector<512x128xf32>
    %get3A_594 = arith.constant 0 : index
    %get3A_595 = arith.constant 4352 : index
    %get3A_596 = vector.load %arg3[%get3A_594, %get3A_595] : memref<1x8192xf32, #tpu.memory_space<vmem>>, vector<1x128xf32>
    %add3A_597 = vector.broadcast %broadcast_in_dim3A_9 : vector<512x1xf32> to vector<512x128xf32>
    %add3A_598 = vector.broadcast %get3A_596 : vector<1x128xf32> to vector<512x128xf32>
    %add3A_599 = arith.addf %add3A_597, %add3A_598 : vector<512x128xf32>
    %slice3A_600 = vector.extract_strided_slice %dot_general3A_20 {offsets = [0, 4352], sizes = [512, 128], strides = [1, 1]} : vector<512x8192xf32> to vector<512x128xf32>
    %add3A_601 = arith.addf %add3A_599, %slice3A_600 : vector<512x128xf32>
    %max3A_602 = arith.constant 0.000000e+00 : f32
    %max3A_603 = vector.broadcast %max3A_602 : f32 to vector<512x128xf32>
    %max3A_604 = arith.maximumf %add3A_601, %max3A_603 : vector<512x128xf32>
    %sqrt3A_605 = math.sqrt %max3A_604 : vector<512x128xf32>
    %lt3A_606 = arith.cmpf olt, %sqrt3A_605, %select_n3A_590 : vector<512x128xf32>
    %select_n3A_607 = arith.select %lt3A_606, %sqrt3A_605, %select_n3A_590 : vector<512x128xi1>, vector<512x128xf32>
    %jit3A_608 = arith.constant 3.400000e+01 : f32
    %broadcast_in_dim3A_609 = vector.broadcast %jit3A_608 : f32 to vector<512x128xf32>
    %select_n3A_610 = arith.select %lt3A_606, %broadcast_in_dim3A_609, %select_n3A_593 : vector<512x128xi1>, vector<512x128xf32>
    %get3A_611 = arith.constant 0 : index
    %get3A_612 = arith.constant 4480 : index
    %get3A_613 = vector.load %arg3[%get3A_611, %get3A_612] : memref<1x8192xf32, #tpu.memory_space<vmem>>, vector<1x128xf32>
    %add3A_614 = vector.broadcast %broadcast_in_dim3A_9 : vector<512x1xf32> to vector<512x128xf32>
    %add3A_615 = vector.broadcast %get3A_613 : vector<1x128xf32> to vector<512x128xf32>
    %add3A_616 = arith.addf %add3A_614, %add3A_615 : vector<512x128xf32>
    %slice3A_617 = vector.extract_strided_slice %dot_general3A_20 {offsets = [0, 4480], sizes = [512, 128], strides = [1, 1]} : vector<512x8192xf32> to vector<512x128xf32>
    %add3A_618 = arith.addf %add3A_616, %slice3A_617 : vector<512x128xf32>
    %max3A_619 = arith.constant 0.000000e+00 : f32
    %max3A_620 = vector.broadcast %max3A_619 : f32 to vector<512x128xf32>
    %max3A_621 = arith.maximumf %add3A_618, %max3A_620 : vector<512x128xf32>
    %sqrt3A_622 = math.sqrt %max3A_621 : vector<512x128xf32>
    %lt3A_623 = arith.cmpf olt, %sqrt3A_622, %select_n3A_607 : vector<512x128xf32>
    %select_n3A_624 = arith.select %lt3A_623, %sqrt3A_622, %select_n3A_607 : vector<512x128xi1>, vector<512x128xf32>
    %jit3A_625 = arith.constant 3.500000e+01 : f32
    %broadcast_in_dim3A_626 = vector.broadcast %jit3A_625 : f32 to vector<512x128xf32>
    %select_n3A_627 = arith.select %lt3A_623, %broadcast_in_dim3A_626, %select_n3A_610 : vector<512x128xi1>, vector<512x128xf32>
    %get3A_628 = arith.constant 0 : index
    %get3A_629 = arith.constant 4608 : index
    %get3A_630 = vector.load %arg3[%get3A_628, %get3A_629] : memref<1x8192xf32, #tpu.memory_space<vmem>>, vector<1x128xf32>
    %add3A_631 = vector.broadcast %broadcast_in_dim3A_9 : vector<512x1xf32> to vector<512x128xf32>
    %add3A_632 = vector.broadcast %get3A_630 : vector<1x128xf32> to vector<512x128xf32>
    %add3A_633 = arith.addf %add3A_631, %add3A_632 : vector<512x128xf32>
    %slice3A_634 = vector.extract_strided_slice %dot_general3A_20 {offsets = [0, 4608], sizes = [512, 128], strides = [1, 1]} : vector<512x8192xf32> to vector<512x128xf32>
    %add3A_635 = arith.addf %add3A_633, %slice3A_634 : vector<512x128xf32>
    %max3A_636 = arith.constant 0.000000e+00 : f32
    %max3A_637 = vector.broadcast %max3A_636 : f32 to vector<512x128xf32>
    %max3A_638 = arith.maximumf %add3A_635, %max3A_637 : vector<512x128xf32>
    %sqrt3A_639 = math.sqrt %max3A_638 : vector<512x128xf32>
    %lt3A_640 = arith.cmpf olt, %sqrt3A_639, %select_n3A_624 : vector<512x128xf32>
    %select_n3A_641 = arith.select %lt3A_640, %sqrt3A_639, %select_n3A_624 : vector<512x128xi1>, vector<512x128xf32>
    %jit3A_642 = arith.constant 3.600000e+01 : f32
    %broadcast_in_dim3A_643 = vector.broadcast %jit3A_642 : f32 to vector<512x128xf32>
    %select_n3A_644 = arith.select %lt3A_640, %broadcast_in_dim3A_643, %select_n3A_627 : vector<512x128xi1>, vector<512x128xf32>
    %get3A_645 = arith.constant 0 : index
    %get3A_646 = arith.constant 4736 : index
    %get3A_647 = vector.load %arg3[%get3A_645, %get3A_646] : memref<1x8192xf32, #tpu.memory_space<vmem>>, vector<1x128xf32>
    %add3A_648 = vector.broadcast %broadcast_in_dim3A_9 : vector<512x1xf32> to vector<512x128xf32>
    %add3A_649 = vector.broadcast %get3A_647 : vector<1x128xf32> to vector<512x128xf32>
    %add3A_650 = arith.addf %add3A_648, %add3A_649 : vector<512x128xf32>
    %slice3A_651 = vector.extract_strided_slice %dot_general3A_20 {offsets = [0, 4736], sizes = [512, 128], strides = [1, 1]} : vector<512x8192xf32> to vector<512x128xf32>
    %add3A_652 = arith.addf %add3A_650, %slice3A_651 : vector<512x128xf32>
    %max3A_653 = arith.constant 0.000000e+00 : f32
    %max3A_654 = vector.broadcast %max3A_653 : f32 to vector<512x128xf32>
    %max3A_655 = arith.maximumf %add3A_652, %max3A_654 : vector<512x128xf32>
    %sqrt3A_656 = math.sqrt %max3A_655 : vector<512x128xf32>
    %lt3A_657 = arith.cmpf olt, %sqrt3A_656, %select_n3A_641 : vector<512x128xf32>
    %select_n3A_658 = arith.select %lt3A_657, %sqrt3A_656, %select_n3A_641 : vector<512x128xi1>, vector<512x128xf32>
    %jit3A_659 = arith.constant 3.700000e+01 : f32
    %broadcast_in_dim3A_660 = vector.broadcast %jit3A_659 : f32 to vector<512x128xf32>
    %select_n3A_661 = arith.select %lt3A_657, %broadcast_in_dim3A_660, %select_n3A_644 : vector<512x128xi1>, vector<512x128xf32>
    %get3A_662 = arith.constant 0 : index
    %get3A_663 = arith.constant 4864 : index
    %get3A_664 = vector.load %arg3[%get3A_662, %get3A_663] : memref<1x8192xf32, #tpu.memory_space<vmem>>, vector<1x128xf32>
    %add3A_665 = vector.broadcast %broadcast_in_dim3A_9 : vector<512x1xf32> to vector<512x128xf32>
    %add3A_666 = vector.broadcast %get3A_664 : vector<1x128xf32> to vector<512x128xf32>
    %add3A_667 = arith.addf %add3A_665, %add3A_666 : vector<512x128xf32>
    %slice3A_668 = vector.extract_strided_slice %dot_general3A_20 {offsets = [0, 4864], sizes = [512, 128], strides = [1, 1]} : vector<512x8192xf32> to vector<512x128xf32>
    %add3A_669 = arith.addf %add3A_667, %slice3A_668 : vector<512x128xf32>
    %max3A_670 = arith.constant 0.000000e+00 : f32
    %max3A_671 = vector.broadcast %max3A_670 : f32 to vector<512x128xf32>
    %max3A_672 = arith.maximumf %add3A_669, %max3A_671 : vector<512x128xf32>
    %sqrt3A_673 = math.sqrt %max3A_672 : vector<512x128xf32>
    %lt3A_674 = arith.cmpf olt, %sqrt3A_673, %select_n3A_658 : vector<512x128xf32>
    %select_n3A_675 = arith.select %lt3A_674, %sqrt3A_673, %select_n3A_658 : vector<512x128xi1>, vector<512x128xf32>
    %jit3A_676 = arith.constant 3.800000e+01 : f32
    %broadcast_in_dim3A_677 = vector.broadcast %jit3A_676 : f32 to vector<512x128xf32>
    %select_n3A_678 = arith.select %lt3A_674, %broadcast_in_dim3A_677, %select_n3A_661 : vector<512x128xi1>, vector<512x128xf32>
    %get3A_679 = arith.constant 0 : index
    %get3A_680 = arith.constant 4992 : index
    %get3A_681 = vector.load %arg3[%get3A_679, %get3A_680] : memref<1x8192xf32, #tpu.memory_space<vmem>>, vector<1x128xf32>
    %add3A_682 = vector.broadcast %broadcast_in_dim3A_9 : vector<512x1xf32> to vector<512x128xf32>
    %add3A_683 = vector.broadcast %get3A_681 : vector<1x128xf32> to vector<512x128xf32>
    %add3A_684 = arith.addf %add3A_682, %add3A_683 : vector<512x128xf32>
    %slice3A_685 = vector.extract_strided_slice %dot_general3A_20 {offsets = [0, 4992], sizes = [512, 128], strides = [1, 1]} : vector<512x8192xf32> to vector<512x128xf32>
    %add3A_686 = arith.addf %add3A_684, %slice3A_685 : vector<512x128xf32>
    %max3A_687 = arith.constant 0.000000e+00 : f32
    %max3A_688 = vector.broadcast %max3A_687 : f32 to vector<512x128xf32>
    %max3A_689 = arith.maximumf %add3A_686, %max3A_688 : vector<512x128xf32>
    %sqrt3A_690 = math.sqrt %max3A_689 : vector<512x128xf32>
    %lt3A_691 = arith.cmpf olt, %sqrt3A_690, %select_n3A_675 : vector<512x128xf32>
    %select_n3A_692 = arith.select %lt3A_691, %sqrt3A_690, %select_n3A_675 : vector<512x128xi1>, vector<512x128xf32>
    %jit3A_693 = arith.constant 3.900000e+01 : f32
    %broadcast_in_dim3A_694 = vector.broadcast %jit3A_693 : f32 to vector<512x128xf32>
    %select_n3A_695 = arith.select %lt3A_691, %broadcast_in_dim3A_694, %select_n3A_678 : vector<512x128xi1>, vector<512x128xf32>
    %get3A_696 = arith.constant 0 : index
    %get3A_697 = arith.constant 5120 : index
    %get3A_698 = vector.load %arg3[%get3A_696, %get3A_697] : memref<1x8192xf32, #tpu.memory_space<vmem>>, vector<1x128xf32>
    %add3A_699 = vector.broadcast %broadcast_in_dim3A_9 : vector<512x1xf32> to vector<512x128xf32>
    %add3A_700 = vector.broadcast %get3A_698 : vector<1x128xf32> to vector<512x128xf32>
    %add3A_701 = arith.addf %add3A_699, %add3A_700 : vector<512x128xf32>
    %slice3A_702 = vector.extract_strided_slice %dot_general3A_20 {offsets = [0, 5120], sizes = [512, 128], strides = [1, 1]} : vector<512x8192xf32> to vector<512x128xf32>
    %add3A_703 = arith.addf %add3A_701, %slice3A_702 : vector<512x128xf32>
    %max3A_704 = arith.constant 0.000000e+00 : f32
    %max3A_705 = vector.broadcast %max3A_704 : f32 to vector<512x128xf32>
    %max3A_706 = arith.maximumf %add3A_703, %max3A_705 : vector<512x128xf32>
    %sqrt3A_707 = math.sqrt %max3A_706 : vector<512x128xf32>
    %lt3A_708 = arith.cmpf olt, %sqrt3A_707, %select_n3A_692 : vector<512x128xf32>
    %select_n3A_709 = arith.select %lt3A_708, %sqrt3A_707, %select_n3A_692 : vector<512x128xi1>, vector<512x128xf32>
    %jit3A_710 = arith.constant 4.000000e+01 : f32
    %broadcast_in_dim3A_711 = vector.broadcast %jit3A_710 : f32 to vector<512x128xf32>
    %select_n3A_712 = arith.select %lt3A_708, %broadcast_in_dim3A_711, %select_n3A_695 : vector<512x128xi1>, vector<512x128xf32>
    %get3A_713 = arith.constant 0 : index
    %get3A_714 = arith.constant 5248 : index
    %get3A_715 = vector.load %arg3[%get3A_713, %get3A_714] : memref<1x8192xf32, #tpu.memory_space<vmem>>, vector<1x128xf32>
    %add3A_716 = vector.broadcast %broadcast_in_dim3A_9 : vector<512x1xf32> to vector<512x128xf32>
    %add3A_717 = vector.broadcast %get3A_715 : vector<1x128xf32> to vector<512x128xf32>
    %add3A_718 = arith.addf %add3A_716, %add3A_717 : vector<512x128xf32>
    %slice3A_719 = vector.extract_strided_slice %dot_general3A_20 {offsets = [0, 5248], sizes = [512, 128], strides = [1, 1]} : vector<512x8192xf32> to vector<512x128xf32>
    %add3A_720 = arith.addf %add3A_718, %slice3A_719 : vector<512x128xf32>
    %max3A_721 = arith.constant 0.000000e+00 : f32
    %max3A_722 = vector.broadcast %max3A_721 : f32 to vector<512x128xf32>
    %max3A_723 = arith.maximumf %add3A_720, %max3A_722 : vector<512x128xf32>
    %sqrt3A_724 = math.sqrt %max3A_723 : vector<512x128xf32>
    %lt3A_725 = arith.cmpf olt, %sqrt3A_724, %select_n3A_709 : vector<512x128xf32>
    %select_n3A_726 = arith.select %lt3A_725, %sqrt3A_724, %select_n3A_709 : vector<512x128xi1>, vector<512x128xf32>
    %jit3A_727 = arith.constant 4.100000e+01 : f32
    %broadcast_in_dim3A_728 = vector.broadcast %jit3A_727 : f32 to vector<512x128xf32>
    %select_n3A_729 = arith.select %lt3A_725, %broadcast_in_dim3A_728, %select_n3A_712 : vector<512x128xi1>, vector<512x128xf32>
    %get3A_730 = arith.constant 0 : index
    %get3A_731 = arith.constant 5376 : index
    %get3A_732 = vector.load %arg3[%get3A_730, %get3A_731] : memref<1x8192xf32, #tpu.memory_space<vmem>>, vector<1x128xf32>
    %add3A_733 = vector.broadcast %broadcast_in_dim3A_9 : vector<512x1xf32> to vector<512x128xf32>
    %add3A_734 = vector.broadcast %get3A_732 : vector<1x128xf32> to vector<512x128xf32>
    %add3A_735 = arith.addf %add3A_733, %add3A_734 : vector<512x128xf32>
    %slice3A_736 = vector.extract_strided_slice %dot_general3A_20 {offsets = [0, 5376], sizes = [512, 128], strides = [1, 1]} : vector<512x8192xf32> to vector<512x128xf32>
    %add3A_737 = arith.addf %add3A_735, %slice3A_736 : vector<512x128xf32>
    %max3A_738 = arith.constant 0.000000e+00 : f32
    %max3A_739 = vector.broadcast %max3A_738 : f32 to vector<512x128xf32>
    %max3A_740 = arith.maximumf %add3A_737, %max3A_739 : vector<512x128xf32>
    %sqrt3A_741 = math.sqrt %max3A_740 : vector<512x128xf32>
    %lt3A_742 = arith.cmpf olt, %sqrt3A_741, %select_n3A_726 : vector<512x128xf32>
    %select_n3A_743 = arith.select %lt3A_742, %sqrt3A_741, %select_n3A_726 : vector<512x128xi1>, vector<512x128xf32>
    %jit3A_744 = arith.constant 4.200000e+01 : f32
    %broadcast_in_dim3A_745 = vector.broadcast %jit3A_744 : f32 to vector<512x128xf32>
    %select_n3A_746 = arith.select %lt3A_742, %broadcast_in_dim3A_745, %select_n3A_729 : vector<512x128xi1>, vector<512x128xf32>
    %get3A_747 = arith.constant 0 : index
    %get3A_748 = arith.constant 5504 : index
    %get3A_749 = vector.load %arg3[%get3A_747, %get3A_748] : memref<1x8192xf32, #tpu.memory_space<vmem>>, vector<1x128xf32>
    %add3A_750 = vector.broadcast %broadcast_in_dim3A_9 : vector<512x1xf32> to vector<512x128xf32>
    %add3A_751 = vector.broadcast %get3A_749 : vector<1x128xf32> to vector<512x128xf32>
    %add3A_752 = arith.addf %add3A_750, %add3A_751 : vector<512x128xf32>
    %slice3A_753 = vector.extract_strided_slice %dot_general3A_20 {offsets = [0, 5504], sizes = [512, 128], strides = [1, 1]} : vector<512x8192xf32> to vector<512x128xf32>
    %add3A_754 = arith.addf %add3A_752, %slice3A_753 : vector<512x128xf32>
    %max3A_755 = arith.constant 0.000000e+00 : f32
    %max3A_756 = vector.broadcast %max3A_755 : f32 to vector<512x128xf32>
    %max3A_757 = arith.maximumf %add3A_754, %max3A_756 : vector<512x128xf32>
    %sqrt3A_758 = math.sqrt %max3A_757 : vector<512x128xf32>
    %lt3A_759 = arith.cmpf olt, %sqrt3A_758, %select_n3A_743 : vector<512x128xf32>
    %select_n3A_760 = arith.select %lt3A_759, %sqrt3A_758, %select_n3A_743 : vector<512x128xi1>, vector<512x128xf32>
    %jit3A_761 = arith.constant 4.300000e+01 : f32
    %broadcast_in_dim3A_762 = vector.broadcast %jit3A_761 : f32 to vector<512x128xf32>
    %select_n3A_763 = arith.select %lt3A_759, %broadcast_in_dim3A_762, %select_n3A_746 : vector<512x128xi1>, vector<512x128xf32>
    %get3A_764 = arith.constant 0 : index
    %get3A_765 = arith.constant 5632 : index
    %get3A_766 = vector.load %arg3[%get3A_764, %get3A_765] : memref<1x8192xf32, #tpu.memory_space<vmem>>, vector<1x128xf32>
    %add3A_767 = vector.broadcast %broadcast_in_dim3A_9 : vector<512x1xf32> to vector<512x128xf32>
    %add3A_768 = vector.broadcast %get3A_766 : vector<1x128xf32> to vector<512x128xf32>
    %add3A_769 = arith.addf %add3A_767, %add3A_768 : vector<512x128xf32>
    %slice3A_770 = vector.extract_strided_slice %dot_general3A_20 {offsets = [0, 5632], sizes = [512, 128], strides = [1, 1]} : vector<512x8192xf32> to vector<512x128xf32>
    %add3A_771 = arith.addf %add3A_769, %slice3A_770 : vector<512x128xf32>
    %max3A_772 = arith.constant 0.000000e+00 : f32
    %max3A_773 = vector.broadcast %max3A_772 : f32 to vector<512x128xf32>
    %max3A_774 = arith.maximumf %add3A_771, %max3A_773 : vector<512x128xf32>
    %sqrt3A_775 = math.sqrt %max3A_774 : vector<512x128xf32>
    %lt3A_776 = arith.cmpf olt, %sqrt3A_775, %select_n3A_760 : vector<512x128xf32>
    %select_n3A_777 = arith.select %lt3A_776, %sqrt3A_775, %select_n3A_760 : vector<512x128xi1>, vector<512x128xf32>
    %jit3A_778 = arith.constant 4.400000e+01 : f32
    %broadcast_in_dim3A_779 = vector.broadcast %jit3A_778 : f32 to vector<512x128xf32>
    %select_n3A_780 = arith.select %lt3A_776, %broadcast_in_dim3A_779, %select_n3A_763 : vector<512x128xi1>, vector<512x128xf32>
    %get3A_781 = arith.constant 0 : index
    %get3A_782 = arith.constant 5760 : index
    %get3A_783 = vector.load %arg3[%get3A_781, %get3A_782] : memref<1x8192xf32, #tpu.memory_space<vmem>>, vector<1x128xf32>
    %add3A_784 = vector.broadcast %broadcast_in_dim3A_9 : vector<512x1xf32> to vector<512x128xf32>
    %add3A_785 = vector.broadcast %get3A_783 : vector<1x128xf32> to vector<512x128xf32>
    %add3A_786 = arith.addf %add3A_784, %add3A_785 : vector<512x128xf32>
    %slice3A_787 = vector.extract_strided_slice %dot_general3A_20 {offsets = [0, 5760], sizes = [512, 128], strides = [1, 1]} : vector<512x8192xf32> to vector<512x128xf32>
    %add3A_788 = arith.addf %add3A_786, %slice3A_787 : vector<512x128xf32>
    %max3A_789 = arith.constant 0.000000e+00 : f32
    %max3A_790 = vector.broadcast %max3A_789 : f32 to vector<512x128xf32>
    %max3A_791 = arith.maximumf %add3A_788, %max3A_790 : vector<512x128xf32>
    %sqrt3A_792 = math.sqrt %max3A_791 : vector<512x128xf32>
    %lt3A_793 = arith.cmpf olt, %sqrt3A_792, %select_n3A_777 : vector<512x128xf32>
    %select_n3A_794 = arith.select %lt3A_793, %sqrt3A_792, %select_n3A_777 : vector<512x128xi1>, vector<512x128xf32>
    %jit3A_795 = arith.constant 4.500000e+01 : f32
    %broadcast_in_dim3A_796 = vector.broadcast %jit3A_795 : f32 to vector<512x128xf32>
    %select_n3A_797 = arith.select %lt3A_793, %broadcast_in_dim3A_796, %select_n3A_780 : vector<512x128xi1>, vector<512x128xf32>
    %get3A_798 = arith.constant 0 : index
    %get3A_799 = arith.constant 5888 : index
    %get3A_800 = vector.load %arg3[%get3A_798, %get3A_799] : memref<1x8192xf32, #tpu.memory_space<vmem>>, vector<1x128xf32>
    %add3A_801 = vector.broadcast %broadcast_in_dim3A_9 : vector<512x1xf32> to vector<512x128xf32>
    %add3A_802 = vector.broadcast %get3A_800 : vector<1x128xf32> to vector<512x128xf32>
    %add3A_803 = arith.addf %add3A_801, %add3A_802 : vector<512x128xf32>
    %slice3A_804 = vector.extract_strided_slice %dot_general3A_20 {offsets = [0, 5888], sizes = [512, 128], strides = [1, 1]} : vector<512x8192xf32> to vector<512x128xf32>
    %add3A_805 = arith.addf %add3A_803, %slice3A_804 : vector<512x128xf32>
    %max3A_806 = arith.constant 0.000000e+00 : f32
    %max3A_807 = vector.broadcast %max3A_806 : f32 to vector<512x128xf32>
    %max3A_808 = arith.maximumf %add3A_805, %max3A_807 : vector<512x128xf32>
    %sqrt3A_809 = math.sqrt %max3A_808 : vector<512x128xf32>
    %lt3A_810 = arith.cmpf olt, %sqrt3A_809, %select_n3A_794 : vector<512x128xf32>
    %select_n3A_811 = arith.select %lt3A_810, %sqrt3A_809, %select_n3A_794 : vector<512x128xi1>, vector<512x128xf32>
    %jit3A_812 = arith.constant 4.600000e+01 : f32
    %broadcast_in_dim3A_813 = vector.broadcast %jit3A_812 : f32 to vector<512x128xf32>
    %select_n3A_814 = arith.select %lt3A_810, %broadcast_in_dim3A_813, %select_n3A_797 : vector<512x128xi1>, vector<512x128xf32>
    %get3A_815 = arith.constant 0 : index
    %get3A_816 = arith.constant 6016 : index
    %get3A_817 = vector.load %arg3[%get3A_815, %get3A_816] : memref<1x8192xf32, #tpu.memory_space<vmem>>, vector<1x128xf32>
    %add3A_818 = vector.broadcast %broadcast_in_dim3A_9 : vector<512x1xf32> to vector<512x128xf32>
    %add3A_819 = vector.broadcast %get3A_817 : vector<1x128xf32> to vector<512x128xf32>
    %add3A_820 = arith.addf %add3A_818, %add3A_819 : vector<512x128xf32>
    %slice3A_821 = vector.extract_strided_slice %dot_general3A_20 {offsets = [0, 6016], sizes = [512, 128], strides = [1, 1]} : vector<512x8192xf32> to vector<512x128xf32>
    %add3A_822 = arith.addf %add3A_820, %slice3A_821 : vector<512x128xf32>
    %max3A_823 = arith.constant 0.000000e+00 : f32
    %max3A_824 = vector.broadcast %max3A_823 : f32 to vector<512x128xf32>
    %max3A_825 = arith.maximumf %add3A_822, %max3A_824 : vector<512x128xf32>
    %sqrt3A_826 = math.sqrt %max3A_825 : vector<512x128xf32>
    %lt3A_827 = arith.cmpf olt, %sqrt3A_826, %select_n3A_811 : vector<512x128xf32>
    %select_n3A_828 = arith.select %lt3A_827, %sqrt3A_826, %select_n3A_811 : vector<512x128xi1>, vector<512x128xf32>
    %jit3A_829 = arith.constant 4.700000e+01 : f32
    %broadcast_in_dim3A_830 = vector.broadcast %jit3A_829 : f32 to vector<512x128xf32>
    %select_n3A_831 = arith.select %lt3A_827, %broadcast_in_dim3A_830, %select_n3A_814 : vector<512x128xi1>, vector<512x128xf32>
    %get3A_832 = arith.constant 0 : index
    %get3A_833 = arith.constant 6144 : index
    %get3A_834 = vector.load %arg3[%get3A_832, %get3A_833] : memref<1x8192xf32, #tpu.memory_space<vmem>>, vector<1x128xf32>
    %add3A_835 = vector.broadcast %broadcast_in_dim3A_9 : vector<512x1xf32> to vector<512x128xf32>
    %add3A_836 = vector.broadcast %get3A_834 : vector<1x128xf32> to vector<512x128xf32>
    %add3A_837 = arith.addf %add3A_835, %add3A_836 : vector<512x128xf32>
    %slice3A_838 = vector.extract_strided_slice %dot_general3A_20 {offsets = [0, 6144], sizes = [512, 128], strides = [1, 1]} : vector<512x8192xf32> to vector<512x128xf32>
    %add3A_839 = arith.addf %add3A_837, %slice3A_838 : vector<512x128xf32>
    %max3A_840 = arith.constant 0.000000e+00 : f32
    %max3A_841 = vector.broadcast %max3A_840 : f32 to vector<512x128xf32>
    %max3A_842 = arith.maximumf %add3A_839, %max3A_841 : vector<512x128xf32>
    %sqrt3A_843 = math.sqrt %max3A_842 : vector<512x128xf32>
    %lt3A_844 = arith.cmpf olt, %sqrt3A_843, %select_n3A_828 : vector<512x128xf32>
    %select_n3A_845 = arith.select %lt3A_844, %sqrt3A_843, %select_n3A_828 : vector<512x128xi1>, vector<512x128xf32>
    %jit3A_846 = arith.constant 4.800000e+01 : f32
    %broadcast_in_dim3A_847 = vector.broadcast %jit3A_846 : f32 to vector<512x128xf32>
    %select_n3A_848 = arith.select %lt3A_844, %broadcast_in_dim3A_847, %select_n3A_831 : vector<512x128xi1>, vector<512x128xf32>
    %get3A_849 = arith.constant 0 : index
    %get3A_850 = arith.constant 6272 : index
    %get3A_851 = vector.load %arg3[%get3A_849, %get3A_850] : memref<1x8192xf32, #tpu.memory_space<vmem>>, vector<1x128xf32>
    %add3A_852 = vector.broadcast %broadcast_in_dim3A_9 : vector<512x1xf32> to vector<512x128xf32>
    %add3A_853 = vector.broadcast %get3A_851 : vector<1x128xf32> to vector<512x128xf32>
    %add3A_854 = arith.addf %add3A_852, %add3A_853 : vector<512x128xf32>
    %slice3A_855 = vector.extract_strided_slice %dot_general3A_20 {offsets = [0, 6272], sizes = [512, 128], strides = [1, 1]} : vector<512x8192xf32> to vector<512x128xf32>
    %add3A_856 = arith.addf %add3A_854, %slice3A_855 : vector<512x128xf32>
    %max3A_857 = arith.constant 0.000000e+00 : f32
    %max3A_858 = vector.broadcast %max3A_857 : f32 to vector<512x128xf32>
    %max3A_859 = arith.maximumf %add3A_856, %max3A_858 : vector<512x128xf32>
    %sqrt3A_860 = math.sqrt %max3A_859 : vector<512x128xf32>
    %lt3A_861 = arith.cmpf olt, %sqrt3A_860, %select_n3A_845 : vector<512x128xf32>
    %select_n3A_862 = arith.select %lt3A_861, %sqrt3A_860, %select_n3A_845 : vector<512x128xi1>, vector<512x128xf32>
    %jit3A_863 = arith.constant 4.900000e+01 : f32
    %broadcast_in_dim3A_864 = vector.broadcast %jit3A_863 : f32 to vector<512x128xf32>
    %select_n3A_865 = arith.select %lt3A_861, %broadcast_in_dim3A_864, %select_n3A_848 : vector<512x128xi1>, vector<512x128xf32>
    %get3A_866 = arith.constant 0 : index
    %get3A_867 = arith.constant 6400 : index
    %get3A_868 = vector.load %arg3[%get3A_866, %get3A_867] : memref<1x8192xf32, #tpu.memory_space<vmem>>, vector<1x128xf32>
    %add3A_869 = vector.broadcast %broadcast_in_dim3A_9 : vector<512x1xf32> to vector<512x128xf32>
    %add3A_870 = vector.broadcast %get3A_868 : vector<1x128xf32> to vector<512x128xf32>
    %add3A_871 = arith.addf %add3A_869, %add3A_870 : vector<512x128xf32>
    %slice3A_872 = vector.extract_strided_slice %dot_general3A_20 {offsets = [0, 6400], sizes = [512, 128], strides = [1, 1]} : vector<512x8192xf32> to vector<512x128xf32>
    %add3A_873 = arith.addf %add3A_871, %slice3A_872 : vector<512x128xf32>
    %max3A_874 = arith.constant 0.000000e+00 : f32
    %max3A_875 = vector.broadcast %max3A_874 : f32 to vector<512x128xf32>
    %max3A_876 = arith.maximumf %add3A_873, %max3A_875 : vector<512x128xf32>
    %sqrt3A_877 = math.sqrt %max3A_876 : vector<512x128xf32>
    %lt3A_878 = arith.cmpf olt, %sqrt3A_877, %select_n3A_862 : vector<512x128xf32>
    %select_n3A_879 = arith.select %lt3A_878, %sqrt3A_877, %select_n3A_862 : vector<512x128xi1>, vector<512x128xf32>
    %jit3A_880 = arith.constant 5.000000e+01 : f32
    %broadcast_in_dim3A_881 = vector.broadcast %jit3A_880 : f32 to vector<512x128xf32>
    %select_n3A_882 = arith.select %lt3A_878, %broadcast_in_dim3A_881, %select_n3A_865 : vector<512x128xi1>, vector<512x128xf32>
    %get3A_883 = arith.constant 0 : index
    %get3A_884 = arith.constant 6528 : index
    %get3A_885 = vector.load %arg3[%get3A_883, %get3A_884] : memref<1x8192xf32, #tpu.memory_space<vmem>>, vector<1x128xf32>
    %add3A_886 = vector.broadcast %broadcast_in_dim3A_9 : vector<512x1xf32> to vector<512x128xf32>
    %add3A_887 = vector.broadcast %get3A_885 : vector<1x128xf32> to vector<512x128xf32>
    %add3A_888 = arith.addf %add3A_886, %add3A_887 : vector<512x128xf32>
    %slice3A_889 = vector.extract_strided_slice %dot_general3A_20 {offsets = [0, 6528], sizes = [512, 128], strides = [1, 1]} : vector<512x8192xf32> to vector<512x128xf32>
    %add3A_890 = arith.addf %add3A_888, %slice3A_889 : vector<512x128xf32>
    %max3A_891 = arith.constant 0.000000e+00 : f32
    %max3A_892 = vector.broadcast %max3A_891 : f32 to vector<512x128xf32>
    %max3A_893 = arith.maximumf %add3A_890, %max3A_892 : vector<512x128xf32>
    %sqrt3A_894 = math.sqrt %max3A_893 : vector<512x128xf32>
    %lt3A_895 = arith.cmpf olt, %sqrt3A_894, %select_n3A_879 : vector<512x128xf32>
    %select_n3A_896 = arith.select %lt3A_895, %sqrt3A_894, %select_n3A_879 : vector<512x128xi1>, vector<512x128xf32>
    %jit3A_897 = arith.constant 5.100000e+01 : f32
    %broadcast_in_dim3A_898 = vector.broadcast %jit3A_897 : f32 to vector<512x128xf32>
    %select_n3A_899 = arith.select %lt3A_895, %broadcast_in_dim3A_898, %select_n3A_882 : vector<512x128xi1>, vector<512x128xf32>
    %get3A_900 = arith.constant 0 : index
    %get3A_901 = arith.constant 6656 : index
    %get3A_902 = vector.load %arg3[%get3A_900, %get3A_901] : memref<1x8192xf32, #tpu.memory_space<vmem>>, vector<1x128xf32>
    %add3A_903 = vector.broadcast %broadcast_in_dim3A_9 : vector<512x1xf32> to vector<512x128xf32>
    %add3A_904 = vector.broadcast %get3A_902 : vector<1x128xf32> to vector<512x128xf32>
    %add3A_905 = arith.addf %add3A_903, %add3A_904 : vector<512x128xf32>
    %slice3A_906 = vector.extract_strided_slice %dot_general3A_20 {offsets = [0, 6656], sizes = [512, 128], strides = [1, 1]} : vector<512x8192xf32> to vector<512x128xf32>
    %add3A_907 = arith.addf %add3A_905, %slice3A_906 : vector<512x128xf32>
    %max3A_908 = arith.constant 0.000000e+00 : f32
    %max3A_909 = vector.broadcast %max3A_908 : f32 to vector<512x128xf32>
    %max3A_910 = arith.maximumf %add3A_907, %max3A_909 : vector<512x128xf32>
    %sqrt3A_911 = math.sqrt %max3A_910 : vector<512x128xf32>
    %lt3A_912 = arith.cmpf olt, %sqrt3A_911, %select_n3A_896 : vector<512x128xf32>
    %select_n3A_913 = arith.select %lt3A_912, %sqrt3A_911, %select_n3A_896 : vector<512x128xi1>, vector<512x128xf32>
    %jit3A_914 = arith.constant 5.200000e+01 : f32
    %broadcast_in_dim3A_915 = vector.broadcast %jit3A_914 : f32 to vector<512x128xf32>
    %select_n3A_916 = arith.select %lt3A_912, %broadcast_in_dim3A_915, %select_n3A_899 : vector<512x128xi1>, vector<512x128xf32>
    %get3A_917 = arith.constant 0 : index
    %get3A_918 = arith.constant 6784 : index
    %get3A_919 = vector.load %arg3[%get3A_917, %get3A_918] : memref<1x8192xf32, #tpu.memory_space<vmem>>, vector<1x128xf32>
    %add3A_920 = vector.broadcast %broadcast_in_dim3A_9 : vector<512x1xf32> to vector<512x128xf32>
    %add3A_921 = vector.broadcast %get3A_919 : vector<1x128xf32> to vector<512x128xf32>
    %add3A_922 = arith.addf %add3A_920, %add3A_921 : vector<512x128xf32>
    %slice3A_923 = vector.extract_strided_slice %dot_general3A_20 {offsets = [0, 6784], sizes = [512, 128], strides = [1, 1]} : vector<512x8192xf32> to vector<512x128xf32>
    %add3A_924 = arith.addf %add3A_922, %slice3A_923 : vector<512x128xf32>
    %max3A_925 = arith.constant 0.000000e+00 : f32
    %max3A_926 = vector.broadcast %max3A_925 : f32 to vector<512x128xf32>
    %max3A_927 = arith.maximumf %add3A_924, %max3A_926 : vector<512x128xf32>
    %sqrt3A_928 = math.sqrt %max3A_927 : vector<512x128xf32>
    %lt3A_929 = arith.cmpf olt, %sqrt3A_928, %select_n3A_913 : vector<512x128xf32>
    %select_n3A_930 = arith.select %lt3A_929, %sqrt3A_928, %select_n3A_913 : vector<512x128xi1>, vector<512x128xf32>
    %jit3A_931 = arith.constant 5.300000e+01 : f32
    %broadcast_in_dim3A_932 = vector.broadcast %jit3A_931 : f32 to vector<512x128xf32>
    %select_n3A_933 = arith.select %lt3A_929, %broadcast_in_dim3A_932, %select_n3A_916 : vector<512x128xi1>, vector<512x128xf32>
    %get3A_934 = arith.constant 0 : index
    %get3A_935 = arith.constant 6912 : index
    %get3A_936 = vector.load %arg3[%get3A_934, %get3A_935] : memref<1x8192xf32, #tpu.memory_space<vmem>>, vector<1x128xf32>
    %add3A_937 = vector.broadcast %broadcast_in_dim3A_9 : vector<512x1xf32> to vector<512x128xf32>
    %add3A_938 = vector.broadcast %get3A_936 : vector<1x128xf32> to vector<512x128xf32>
    %add3A_939 = arith.addf %add3A_937, %add3A_938 : vector<512x128xf32>
    %slice3A_940 = vector.extract_strided_slice %dot_general3A_20 {offsets = [0, 6912], sizes = [512, 128], strides = [1, 1]} : vector<512x8192xf32> to vector<512x128xf32>
    %add3A_941 = arith.addf %add3A_939, %slice3A_940 : vector<512x128xf32>
    %max3A_942 = arith.constant 0.000000e+00 : f32
    %max3A_943 = vector.broadcast %max3A_942 : f32 to vector<512x128xf32>
    %max3A_944 = arith.maximumf %add3A_941, %max3A_943 : vector<512x128xf32>
    %sqrt3A_945 = math.sqrt %max3A_944 : vector<512x128xf32>
    %lt3A_946 = arith.cmpf olt, %sqrt3A_945, %select_n3A_930 : vector<512x128xf32>
    %select_n3A_947 = arith.select %lt3A_946, %sqrt3A_945, %select_n3A_930 : vector<512x128xi1>, vector<512x128xf32>
    %jit3A_948 = arith.constant 5.400000e+01 : f32
    %broadcast_in_dim3A_949 = vector.broadcast %jit3A_948 : f32 to vector<512x128xf32>
    %select_n3A_950 = arith.select %lt3A_946, %broadcast_in_dim3A_949, %select_n3A_933 : vector<512x128xi1>, vector<512x128xf32>
    %get3A_951 = arith.constant 0 : index
    %get3A_952 = arith.constant 7040 : index
    %get3A_953 = vector.load %arg3[%get3A_951, %get3A_952] : memref<1x8192xf32, #tpu.memory_space<vmem>>, vector<1x128xf32>
    %add3A_954 = vector.broadcast %broadcast_in_dim3A_9 : vector<512x1xf32> to vector<512x128xf32>
    %add3A_955 = vector.broadcast %get3A_953 : vector<1x128xf32> to vector<512x128xf32>
    %add3A_956 = arith.addf %add3A_954, %add3A_955 : vector<512x128xf32>
    %slice3A_957 = vector.extract_strided_slice %dot_general3A_20 {offsets = [0, 7040], sizes = [512, 128], strides = [1, 1]} : vector<512x8192xf32> to vector<512x128xf32>
    %add3A_958 = arith.addf %add3A_956, %slice3A_957 : vector<512x128xf32>
    %max3A_959 = arith.constant 0.000000e+00 : f32
    %max3A_960 = vector.broadcast %max3A_959 : f32 to vector<512x128xf32>
    %max3A_961 = arith.maximumf %add3A_958, %max3A_960 : vector<512x128xf32>
    %sqrt3A_962 = math.sqrt %max3A_961 : vector<512x128xf32>
    %lt3A_963 = arith.cmpf olt, %sqrt3A_962, %select_n3A_947 : vector<512x128xf32>
    %select_n3A_964 = arith.select %lt3A_963, %sqrt3A_962, %select_n3A_947 : vector<512x128xi1>, vector<512x128xf32>
    %jit3A_965 = arith.constant 5.500000e+01 : f32
    %broadcast_in_dim3A_966 = vector.broadcast %jit3A_965 : f32 to vector<512x128xf32>
    %select_n3A_967 = arith.select %lt3A_963, %broadcast_in_dim3A_966, %select_n3A_950 : vector<512x128xi1>, vector<512x128xf32>
    %get3A_968 = arith.constant 0 : index
    %get3A_969 = arith.constant 7168 : index
    %get3A_970 = vector.load %arg3[%get3A_968, %get3A_969] : memref<1x8192xf32, #tpu.memory_space<vmem>>, vector<1x128xf32>
    %add3A_971 = vector.broadcast %broadcast_in_dim3A_9 : vector<512x1xf32> to vector<512x128xf32>
    %add3A_972 = vector.broadcast %get3A_970 : vector<1x128xf32> to vector<512x128xf32>
    %add3A_973 = arith.addf %add3A_971, %add3A_972 : vector<512x128xf32>
    %slice3A_974 = vector.extract_strided_slice %dot_general3A_20 {offsets = [0, 7168], sizes = [512, 128], strides = [1, 1]} : vector<512x8192xf32> to vector<512x128xf32>
    %add3A_975 = arith.addf %add3A_973, %slice3A_974 : vector<512x128xf32>
    %max3A_976 = arith.constant 0.000000e+00 : f32
    %max3A_977 = vector.broadcast %max3A_976 : f32 to vector<512x128xf32>
    %max3A_978 = arith.maximumf %add3A_975, %max3A_977 : vector<512x128xf32>
    %sqrt3A_979 = math.sqrt %max3A_978 : vector<512x128xf32>
    %lt3A_980 = arith.cmpf olt, %sqrt3A_979, %select_n3A_964 : vector<512x128xf32>
    %select_n3A_981 = arith.select %lt3A_980, %sqrt3A_979, %select_n3A_964 : vector<512x128xi1>, vector<512x128xf32>
    %jit3A_982 = arith.constant 5.600000e+01 : f32
    %broadcast_in_dim3A_983 = vector.broadcast %jit3A_982 : f32 to vector<512x128xf32>
    %select_n3A_984 = arith.select %lt3A_980, %broadcast_in_dim3A_983, %select_n3A_967 : vector<512x128xi1>, vector<512x128xf32>
    %get3A_985 = arith.constant 0 : index
    %get3A_986 = arith.constant 7296 : index
    %get3A_987 = vector.load %arg3[%get3A_985, %get3A_986] : memref<1x8192xf32, #tpu.memory_space<vmem>>, vector<1x128xf32>
    %add3A_988 = vector.broadcast %broadcast_in_dim3A_9 : vector<512x1xf32> to vector<512x128xf32>
    %add3A_989 = vector.broadcast %get3A_987 : vector<1x128xf32> to vector<512x128xf32>
    %add3A_990 = arith.addf %add3A_988, %add3A_989 : vector<512x128xf32>
    %slice3A_991 = vector.extract_strided_slice %dot_general3A_20 {offsets = [0, 7296], sizes = [512, 128], strides = [1, 1]} : vector<512x8192xf32> to vector<512x128xf32>
    %add3A_992 = arith.addf %add3A_990, %slice3A_991 : vector<512x128xf32>
    %max3A_993 = arith.constant 0.000000e+00 : f32
    %max3A_994 = vector.broadcast %max3A_993 : f32 to vector<512x128xf32>
    %max3A_995 = arith.maximumf %add3A_992, %max3A_994 : vector<512x128xf32>
    %sqrt3A_996 = math.sqrt %max3A_995 : vector<512x128xf32>
    %lt3A_997 = arith.cmpf olt, %sqrt3A_996, %select_n3A_981 : vector<512x128xf32>
    %select_n3A_998 = arith.select %lt3A_997, %sqrt3A_996, %select_n3A_981 : vector<512x128xi1>, vector<512x128xf32>
    %jit3A_999 = arith.constant 5.700000e+01 : f32
    %broadcast_in_dim3A_1000 = vector.broadcast %jit3A_999 : f32 to vector<512x128xf32>
    %select_n3A_1001 = arith.select %lt3A_997, %broadcast_in_dim3A_1000, %select_n3A_984 : vector<512x128xi1>, vector<512x128xf32>
    %get3A_1002 = arith.constant 0 : index
    %get3A_1003 = arith.constant 7424 : index
    %get3A_1004 = vector.load %arg3[%get3A_1002, %get3A_1003] : memref<1x8192xf32, #tpu.memory_space<vmem>>, vector<1x128xf32>
    %add3A_1005 = vector.broadcast %broadcast_in_dim3A_9 : vector<512x1xf32> to vector<512x128xf32>
    %add3A_1006 = vector.broadcast %get3A_1004 : vector<1x128xf32> to vector<512x128xf32>
    %add3A_1007 = arith.addf %add3A_1005, %add3A_1006 : vector<512x128xf32>
    %slice3A_1008 = vector.extract_strided_slice %dot_general3A_20 {offsets = [0, 7424], sizes = [512, 128], strides = [1, 1]} : vector<512x8192xf32> to vector<512x128xf32>
    %add3A_1009 = arith.addf %add3A_1007, %slice3A_1008 : vector<512x128xf32>
    %max3A_1010 = arith.constant 0.000000e+00 : f32
    %max3A_1011 = vector.broadcast %max3A_1010 : f32 to vector<512x128xf32>
    %max3A_1012 = arith.maximumf %add3A_1009, %max3A_1011 : vector<512x128xf32>
    %sqrt3A_1013 = math.sqrt %max3A_1012 : vector<512x128xf32>
    %lt3A_1014 = arith.cmpf olt, %sqrt3A_1013, %select_n3A_998 : vector<512x128xf32>
    %select_n3A_1015 = arith.select %lt3A_1014, %sqrt3A_1013, %select_n3A_998 : vector<512x128xi1>, vector<512x128xf32>
    %jit3A_1016 = arith.constant 5.800000e+01 : f32
    %broadcast_in_dim3A_1017 = vector.broadcast %jit3A_1016 : f32 to vector<512x128xf32>
    %select_n3A_1018 = arith.select %lt3A_1014, %broadcast_in_dim3A_1017, %select_n3A_1001 : vector<512x128xi1>, vector<512x128xf32>
    %get3A_1019 = arith.constant 0 : index
    %get3A_1020 = arith.constant 7552 : index
    %get3A_1021 = vector.load %arg3[%get3A_1019, %get3A_1020] : memref<1x8192xf32, #tpu.memory_space<vmem>>, vector<1x128xf32>
    %add3A_1022 = vector.broadcast %broadcast_in_dim3A_9 : vector<512x1xf32> to vector<512x128xf32>
    %add3A_1023 = vector.broadcast %get3A_1021 : vector<1x128xf32> to vector<512x128xf32>
    %add3A_1024 = arith.addf %add3A_1022, %add3A_1023 : vector<512x128xf32>
    %slice3A_1025 = vector.extract_strided_slice %dot_general3A_20 {offsets = [0, 7552], sizes = [512, 128], strides = [1, 1]} : vector<512x8192xf32> to vector<512x128xf32>
    %add3A_1026 = arith.addf %add3A_1024, %slice3A_1025 : vector<512x128xf32>
    %max3A_1027 = arith.constant 0.000000e+00 : f32
    %max3A_1028 = vector.broadcast %max3A_1027 : f32 to vector<512x128xf32>
    %max3A_1029 = arith.maximumf %add3A_1026, %max3A_1028 : vector<512x128xf32>
    %sqrt3A_1030 = math.sqrt %max3A_1029 : vector<512x128xf32>
    %lt3A_1031 = arith.cmpf olt, %sqrt3A_1030, %select_n3A_1015 : vector<512x128xf32>
    %select_n3A_1032 = arith.select %lt3A_1031, %sqrt3A_1030, %select_n3A_1015 : vector<512x128xi1>, vector<512x128xf32>
    %jit3A_1033 = arith.constant 5.900000e+01 : f32
    %broadcast_in_dim3A_1034 = vector.broadcast %jit3A_1033 : f32 to vector<512x128xf32>
    %select_n3A_1035 = arith.select %lt3A_1031, %broadcast_in_dim3A_1034, %select_n3A_1018 : vector<512x128xi1>, vector<512x128xf32>
    %get3A_1036 = arith.constant 0 : index
    %get3A_1037 = arith.constant 7680 : index
    %get3A_1038 = vector.load %arg3[%get3A_1036, %get3A_1037] : memref<1x8192xf32, #tpu.memory_space<vmem>>, vector<1x128xf32>
    %add3A_1039 = vector.broadcast %broadcast_in_dim3A_9 : vector<512x1xf32> to vector<512x128xf32>
    %add3A_1040 = vector.broadcast %get3A_1038 : vector<1x128xf32> to vector<512x128xf32>
    %add3A_1041 = arith.addf %add3A_1039, %add3A_1040 : vector<512x128xf32>
    %slice3A_1042 = vector.extract_strided_slice %dot_general3A_20 {offsets = [0, 7680], sizes = [512, 128], strides = [1, 1]} : vector<512x8192xf32> to vector<512x128xf32>
    %add3A_1043 = arith.addf %add3A_1041, %slice3A_1042 : vector<512x128xf32>
    %max3A_1044 = arith.constant 0.000000e+00 : f32
    %max3A_1045 = vector.broadcast %max3A_1044 : f32 to vector<512x128xf32>
    %max3A_1046 = arith.maximumf %add3A_1043, %max3A_1045 : vector<512x128xf32>
    %sqrt3A_1047 = math.sqrt %max3A_1046 : vector<512x128xf32>
    %lt3A_1048 = arith.cmpf olt, %sqrt3A_1047, %select_n3A_1032 : vector<512x128xf32>
    %select_n3A_1049 = arith.select %lt3A_1048, %sqrt3A_1047, %select_n3A_1032 : vector<512x128xi1>, vector<512x128xf32>
    %jit3A_1050 = arith.constant 6.000000e+01 : f32
    %broadcast_in_dim3A_1051 = vector.broadcast %jit3A_1050 : f32 to vector<512x128xf32>
    %select_n3A_1052 = arith.select %lt3A_1048, %broadcast_in_dim3A_1051, %select_n3A_1035 : vector<512x128xi1>, vector<512x128xf32>
    %get3A_1053 = arith.constant 0 : index
    %get3A_1054 = arith.constant 7808 : index
    %get3A_1055 = vector.load %arg3[%get3A_1053, %get3A_1054] : memref<1x8192xf32, #tpu.memory_space<vmem>>, vector<1x128xf32>
    %add3A_1056 = vector.broadcast %broadcast_in_dim3A_9 : vector<512x1xf32> to vector<512x128xf32>
    %add3A_1057 = vector.broadcast %get3A_1055 : vector<1x128xf32> to vector<512x128xf32>
    %add3A_1058 = arith.addf %add3A_1056, %add3A_1057 : vector<512x128xf32>
    %slice3A_1059 = vector.extract_strided_slice %dot_general3A_20 {offsets = [0, 7808], sizes = [512, 128], strides = [1, 1]} : vector<512x8192xf32> to vector<512x128xf32>
    %add3A_1060 = arith.addf %add3A_1058, %slice3A_1059 : vector<512x128xf32>
    %max3A_1061 = arith.constant 0.000000e+00 : f32
    %max3A_1062 = vector.broadcast %max3A_1061 : f32 to vector<512x128xf32>
    %max3A_1063 = arith.maximumf %add3A_1060, %max3A_1062 : vector<512x128xf32>
    %sqrt3A_1064 = math.sqrt %max3A_1063 : vector<512x128xf32>
    %lt3A_1065 = arith.cmpf olt, %sqrt3A_1064, %select_n3A_1049 : vector<512x128xf32>
    %select_n3A_1066 = arith.select %lt3A_1065, %sqrt3A_1064, %select_n3A_1049 : vector<512x128xi1>, vector<512x128xf32>
    %jit3A_1067 = arith.constant 6.100000e+01 : f32
    %broadcast_in_dim3A_1068 = vector.broadcast %jit3A_1067 : f32 to vector<512x128xf32>
    %select_n3A_1069 = arith.select %lt3A_1065, %broadcast_in_dim3A_1068, %select_n3A_1052 : vector<512x128xi1>, vector<512x128xf32>
    %get3A_1070 = arith.constant 0 : index
    %get3A_1071 = arith.constant 7936 : index
    %get3A_1072 = vector.load %arg3[%get3A_1070, %get3A_1071] : memref<1x8192xf32, #tpu.memory_space<vmem>>, vector<1x128xf32>
    %add3A_1073 = vector.broadcast %broadcast_in_dim3A_9 : vector<512x1xf32> to vector<512x128xf32>
    %add3A_1074 = vector.broadcast %get3A_1072 : vector<1x128xf32> to vector<512x128xf32>
    %add3A_1075 = arith.addf %add3A_1073, %add3A_1074 : vector<512x128xf32>
    %slice3A_1076 = vector.extract_strided_slice %dot_general3A_20 {offsets = [0, 7936], sizes = [512, 128], strides = [1, 1]} : vector<512x8192xf32> to vector<512x128xf32>
    %add3A_1077 = arith.addf %add3A_1075, %slice3A_1076 : vector<512x128xf32>
    %max3A_1078 = arith.constant 0.000000e+00 : f32
    %max3A_1079 = vector.broadcast %max3A_1078 : f32 to vector<512x128xf32>
    %max3A_1080 = arith.maximumf %add3A_1077, %max3A_1079 : vector<512x128xf32>
    %sqrt3A_1081 = math.sqrt %max3A_1080 : vector<512x128xf32>
    %lt3A_1082 = arith.cmpf olt, %sqrt3A_1081, %select_n3A_1066 : vector<512x128xf32>
    %select_n3A_1083 = arith.select %lt3A_1082, %sqrt3A_1081, %select_n3A_1066 : vector<512x128xi1>, vector<512x128xf32>
    %jit3A_1084 = arith.constant 6.200000e+01 : f32
    %broadcast_in_dim3A_1085 = vector.broadcast %jit3A_1084 : f32 to vector<512x128xf32>
    %select_n3A_1086 = arith.select %lt3A_1082, %broadcast_in_dim3A_1085, %select_n3A_1069 : vector<512x128xi1>, vector<512x128xf32>
    %get3A_1087 = arith.constant 0 : index
    %get3A_1088 = arith.constant 8064 : index
    %get3A_1089 = vector.load %arg3[%get3A_1087, %get3A_1088] : memref<1x8192xf32, #tpu.memory_space<vmem>>, vector<1x128xf32>
    %add3A_1090 = vector.broadcast %broadcast_in_dim3A_9 : vector<512x1xf32> to vector<512x128xf32>
    %add3A_1091 = vector.broadcast %get3A_1089 : vector<1x128xf32> to vector<512x128xf32>
    %add3A_1092 = arith.addf %add3A_1090, %add3A_1091 : vector<512x128xf32>
    %slice3A_1093 = vector.extract_strided_slice %dot_general3A_20 {offsets = [0, 8064], sizes = [512, 128], strides = [1, 1]} : vector<512x8192xf32> to vector<512x128xf32>
    %add3A_1094 = arith.addf %add3A_1092, %slice3A_1093 : vector<512x128xf32>
    %max3A_1095 = arith.constant 0.000000e+00 : f32
    %max3A_1096 = vector.broadcast %max3A_1095 : f32 to vector<512x128xf32>
    %max3A_1097 = arith.maximumf %add3A_1094, %max3A_1096 : vector<512x128xf32>
    %sqrt3A_1098 = math.sqrt %max3A_1097 : vector<512x128xf32>
    %lt3A_1099 = arith.cmpf olt, %sqrt3A_1098, %select_n3A_1083 : vector<512x128xf32>
    %select_n3A_1100 = arith.select %lt3A_1099, %sqrt3A_1098, %select_n3A_1083 : vector<512x128xi1>, vector<512x128xf32>
    %jit3A_1101 = arith.constant 6.300000e+01 : f32
    %broadcast_in_dim3A_1102 = vector.broadcast %jit3A_1101 : f32 to vector<512x128xf32>
    %select_n3A_1103 = arith.select %lt3A_1099, %broadcast_in_dim3A_1102, %select_n3A_1086 : vector<512x128xi1>, vector<512x128xf32>
    %reduce_min3A = arith.constant dense<0x7F800000> : vector<512xf32>
    %reduce_min3A_1104 = vector.multi_reduction <minimumf>, %select_n3A_1100, %reduce_min3A [1] : vector<512x128xf32> to vector<512xf32>
    %broadcast_in_dim3A_1105 = vector.shape_cast %reduce_min3A_1104 : vector<512xf32> to vector<512x1xf32>
    %iota3A = tpu.iota {dimensions = array<i32: 1>} : vector<512x128xi32>
    %convert_element_type3A = arith.sitofp %iota3A : vector<512x128xi32> to vector<512x128xf32>
    %mul3A_1106 = arith.constant 1.280000e+02 : f32
    %mul3A_1107 = vector.broadcast %mul3A_1106 : f32 to vector<512x128xf32>
    %mul3A_1108 = arith.mulf %select_n3A_1103, %mul3A_1107 : vector<512x128xf32>
    %add3A_1109 = arith.addf %mul3A_1108, %convert_element_type3A : vector<512x128xf32>
    %eq3A = vector.broadcast %broadcast_in_dim3A_1105 : vector<512x1xf32> to vector<512x128xf32>
    %eq3A_1110 = arith.cmpf oeq, %select_n3A_1100, %eq3A : vector<512x128xf32>
    %jit3A_1111 = arith.constant 3.000000e+07 : f32
    %broadcast_in_dim3A_1112 = vector.broadcast %jit3A_1111 : f32 to vector<512x128xf32>
    %select_n3A_1113 = arith.select %eq3A_1110, %add3A_1109, %broadcast_in_dim3A_1112 : vector<512x128xi1>, vector<512x128xf32>
    %reduce_min3A_1114 = arith.constant dense<0x7F800000> : vector<512xf32>
    %reduce_min3A_1115 = vector.multi_reduction <minimumf>, %select_n3A_1113, %reduce_min3A_1114 [1] : vector<512x128xf32> to vector<512xf32>
    %broadcast_in_dim3A_1116 = vector.shape_cast %reduce_min3A_1115 : vector<512xf32> to vector<512x1xf32>
    %convert_element_type3A_1117 = arith.fptosi %broadcast_in_dim3A_1116 : vector<512x1xf32> to vector<512x1xi32>
    %reshape3A = vector.shape_cast %convert_element_type3A_1117 : vector<512x1xi32> to vector<1x1x512xi32>
    %swap3A = arith.constant 0 : index
    %swap3A_1118 = arith.constant 0 : index
    %swap3A_1119 = arith.constant 0 : index
    %swap3A_1120 = vector.load %arg4[%swap3A, %swap3A_1118, %swap3A_1119] : memref<1x1x512xi32, #tpu.memory_space<vmem>>, vector<1x1x512xi32>
    tpu.vector_store %arg4[%swap3A, %swap3A_1118, %swap3A_1119], %reshape3A {strides = array<i32>} : memref<1x1x512xi32, #tpu.memory_space<vmem>>, vector<1x1x512xi32>,
    %mul3A_1121 = arith.mulf %broadcast_in_dim3A_1105, %broadcast_in_dim3A_1105 : vector<512x1xf32>
    %reshape3A_1122 = vector.shape_cast %mul3A_1121 : vector<512x1xf32> to vector<1x1x512xf32>
    %swap3A_1123 = arith.constant 0 : index
    %swap3A_1124 = arith.constant 0 : index
    %swap3A_1125 = arith.constant 0 : index
    %swap3A_1126 = vector.load %arg5[%swap3A_1123, %swap3A_1124, %swap3A_1125] : memref<1x1x512xf32, #tpu.memory_space<vmem>>, vector<1x1x512xf32>
    tpu.vector_store %arg5[%swap3A_1123, %swap3A_1124, %swap3A_1125], %reshape3A_1122 {strides = array<i32>} : memref<1x1x512xf32, #tpu.memory_space<vmem>>, vector<1x1x512xf32>,
    return
  }
  func.func @transform_0(%arg0: i32) -> (i32, i32) {
    %c0_i32 = arith.constant 0 : i32
    %c0_i32_0 = arith.constant 0 : i32
    return %arg0, %c0_i32 : i32, i32
  }
  func.func @transform_1(%arg0: i32) -> (i32, i32) {
    %c0_i32 = arith.constant 0 : i32
    %c0_i32_0 = arith.constant 0 : i32
    %c0_i32_1 = arith.constant 0 : i32
    return %c0_i32, %c0_i32_0 : i32, i32
  }
  func.func @transform_2(%arg0: i32) -> (i32, i32) {
    %c0_i32 = arith.constant 0 : i32
    %c0_i32_0 = arith.constant 0 : i32
    %c0_i32_1 = arith.constant 0 : i32
    return %c0_i32, %c0_i32_0 : i32, i32
  }
  func.func @transform_3(%arg0: i32) -> (i32, i32, i32) {
    %c0_i32 = arith.constant 0 : i32
    %c0_i32_0 = arith.constant 0 : i32
    %c0_i32_1 = arith.constant 0 : i32
    return %arg0, %c0_i32, %c0_i32_0 : i32, i32, i32
  }
  func.func @transform_4(%arg0: i32) -> (i32, i32, i32) {
    %c0_i32 = arith.constant 0 : i32
    %c0_i32_0 = arith.constant 0 : i32
    %c0_i32_1 = arith.constant 0 : i32
    return %arg0, %c0_i32, %c0_i32_0 : i32, i32, i32
  }
}

</mosaic_0001>

<sc_bundles>
// kernel: kernel.5.cloned.1.call-start
scs
__scs_entry_jumppad:
0x0: {  	(pc) =	sbr.rel $0x88, $3  }
0x1: {  	(tag) =	ssettag $0x0;
	lr =	simm.s32 $0x1  }
0x2: {  	[smem:$0x3F9F] =	sst lr;
	_ =	strace $0xD0000000  }
0x3: {  	_ = 	snop  }
0x4: {  	_ = 	snop  }
0x5: {  	_ = 	snop  }
0x6: {  	_ = 	snop  }
0x7: {  	_ = 	snop  }
__scs_overlays_trampoline_lowered:
0x8: {  	[smem:$0x3FAE] =	sst s0  }
0x9: {  	[smem:$0x3FAF] =	sst s1  }
0xa: {  	[smem:$0x3FB0] =	sst s2  }
0xb: {  	[smem:$0x3FB1] =	sst s3  }
0xc: {  	[smem:$0x3FB2] =	sst s4  }
0xd: {  	[smem:$0x3FB3] =	sst s5  }
0xe: {  	[smem:$0x3FB4] =	sst s6  }
0xf: {  	[smem:$0x3FB5] =	sst s7  }
0x10: {  	[smem:$0x3FB6] =	sst s8  }
0x11: {  	[smem:$0x3FB7] =	sst s9;
	s0 =	simm.s32 @!p0 $0x0  }
0x12: {  	s1 =	sld [smem:$0x3F9D];
	s0 =	simm.s32 @p0 $0x1  }
0x13: {  	[smem:$0x3FB8] =	sst s0;
	s0 =	simm.s32 @!p1 $0x0  }
0x14: {  	s2 =	sld [smem:$0x3F9C];
	s0 =	simm.s32 @p1 $0x1  }
0x15: {  	[smem:$0x3FB9] =	sst s0;
	s0 =	simm.s32 @!p2 $0x0  }
0x16: {  	s3 =	sld [smem:$0x3FDB];
	s0 =	simm.s32 @p2 $0x1  }
0x17: {  	s4 =	simm.s32 $0x1BF5;
	[smem:$0x3FBB] =	sst s0  }
0x18: {  	s0 =	sld [smem:$0x3F9E];
	_ =	swait.ge [sflag:s4], $0x0  }
0x19: {  	s7 =	sld [smem:$0x3F9F]  }
0x1a: {  	s8 =	sadd.s32 $0xFFFFE003, lr  }
0x1b: {  	s9 =	sadd.s32 $0xFFFFFEF7, lr;
	s5 =	simm.s32 $0xFFFFFFFF;
	p2 =	slt.u32 s8, $0xFFFFF086  }
0x1c: {  	p1 =	slt.u32 s9, $0xF7A;
	s5 =	simm.s32 @!p2 $0x0  }
0x1d: {  	s5 =	simm.s32 @p1 $0x1;
	p0 =	seq.s32 s7, s2  }
0x1e: {  	s7 =	smul.u32 @!p0 $0xF7A, s2;
	p2 =	seq.s32 @!p0 s5, $0x0  }
0x1f: {  	s9 =	smul.u32 $0xF7A, s1;
	s8 =	simm.s32 @!p0 $0x1BF5;
	p2 =	por !p2, p0  }
0x20: {  	[sflag:s8] =	ssyncset.s32 @!p0 $0xFFFFF086;
	s6 =	sadd.s32 @!p0 s3, s7;
	s7 =	simm.s32 @!p0 $0x108  }
0x21: {  	s3 =	sadd.s32 s3, s9;
	s6 =	sadd.s32 @!p0 $0x88, s6;
	s7 =	simm.s32 @p2 $0x1082  }
0x22: {  	[simem:s7], [sflag:s8] =	dma.local @!p0 [hbm:s6], $0xF7A  }
0x23: {  	s9 =	sor.u32 $0xD0000000, s2;
	s6 =	simm.s32 $0x108;
	_ =	swait.ge @!p0 [sflag:s8], $0x0  }
0x24: {  	s3 =	sadd.s32 $0x88, s3;
	s6 =	simm.s32 @!p1 $0x1082;
	[sflag:s4] =	ssyncset.s32 $0xFFFFF086  }
0x25: {  	[simem:s6], [sflag:s4] =	dma.local [hbm:s3], $0xF7A  }
0x26: {  	[smem:$0x3F9F] =	sst s1;
	(tag) =	ssettag s2;
	_ =	strace s9  }
0x27: {  	s1 =	sld [smem:$0x3FAF]  }
0x28: {  	s2 =	sld [smem:$0x3FB0]  }
0x29: {  	s4 =	sld [smem:$0x3FB2]  }
0x2a: {  	p0 =	seq.s32 s5, $0x0;
	s5 =	sld [smem:$0x3FB3]  }
0x2b: {  	s6 =	sld [smem:$0x3FB4]  }
0x2c: {  	s7 =	sld [smem:$0x3FB5]  }
0x2d: {  	s3 =	simm.s32 $0x108;
	s8 =	sld [smem:$0x3FB6]  }
0x2e: {  	s3 =	simm.s32 @!p0 $0x1082;
	s9 =	sld [smem:$0x3FB7]  }
0x2f: {  	lr =	sadd.s32 s0, s3;
	s0 =	sld [smem:$0x3FAE]  }
0x30: {  	s3 =	sld [smem:$0x3FB1]  }
0x31: {  	[smem:$0x3FBA] =	sst s10  }
0x32: {  	s10 =	sld [smem:$0x3FB8];
	_ =	sdelay $0x3  }
0x33: {  	p0 =	seq.s32 s10, $0x1;
	s10 =	sld [smem:$0x3FBA];
	_ =	sdelay $0x3  }
0x34: {  	[smem:$0x3FBA] =	sst s10  }
0x35: {  	s10 =	sld [smem:$0x3FB9];
	_ =	sdelay $0x3  }
0x36: {  	p1 =	seq.s32 s10, $0x1;
	s10 =	sld [smem:$0x3FBA];
	_ =	sdelay $0x3  }
0x37: {  	[smem:$0x3FBA] =	sst s10  }
0x38: {  	s10 =	sld [smem:$0x3FBB]  }
0x39: {  	_ = 	snop;
	(pc) =	sbr.ind lr, $3  }
0x3a: {  	_ = 	snop  }
0x3b: {  	_ = 	snop  }
0x3c: {  	p2 =	seq.s32 s10, $0x1;
	s10 =	sld [smem:$0x3FBA]  }
0x3d: {  	_ =	shalt  }
0x3e: {  	_ =	shalt  }
0x3f: {  	_ =	shalt  }
0x40: {  	_ =	shalt  }
0x41: {  	_ =	shalt  }
0x42: {  	_ =	shalt  }
0x43: {  	_ =	shalt  }
0x44: {  	_ =	shalt  }
0x45: {  	_ =	shalt  }
0x46: {  	_ =	shalt  }
0x47: {  	_ =	shalt  }
0x48: {  	_ =	shalt  }
0x49: {  	_ =	shalt  }
0x4a: {  	_ =	shalt  }
0x4b: {  	_ =	shalt  }
0x4c: {  	_ =	shalt  }
0x4d: {  	_ =	shalt  }
0x4e: {  	_ =	shalt  }
0x4f: {  	_ =	shalt  }
0x50: {  	_ =	shalt  }
0x51: {  	_ =	shalt  }
0x52: {  	_ =	shalt  }
0x53: {  	_ =	shalt  }
0x54: {  	_ =	shalt  }
0x55: {  	_ =	shalt  }
0x56: {  	_ =	shalt  }
0x57: {  	_ =	shalt  }
0x58: {  	_ =	shalt  }
0x59: {  	_ =	shalt  }
0x5a: {  	_ =	shalt  }
0x5b: {  	_ =	shalt  }
0x5c: {  	_ =	shalt  }
0x5d: {  	_ =	shalt  }
0x5e: {  	_ =	shalt  }
0x5f: {  	_ =	shalt  }
0x60: {  	_ =	shalt  }
0x61: {  	_ =	shalt  }
0x62: {  	_ =	shalt  }
0x63: {  	_ =	shalt  }
0x64: {  	_ =	shalt  }
0x65: {  	_ =	shalt  }
0x66: {  	_ =	shalt  }
0x67: {  	_ =	shalt  }
0x68: {  	_ =	shalt  }
0x69: {  	_ =	shalt  }
0x6a: {  	_ =	shalt  }
0x6b: {  	_ =	shalt  }
0x6c: {  	_ =	shalt  }
0x6d: {  	_ =	shalt  }
0x6e: {  	_ =	shalt  }
0x6f: {  	_ =	shalt  }
0x70: {  	_ =	shalt  }
0x71: {  	_ =	shalt  }
0x72: {  	_ =	shalt  }
0x73: {  	_ =	shalt  }
0x74: {  	_ =	shalt  }
0x75: {  	_ =	shalt  }
0x76: {  	_ =	shalt  }
0x77: {  	_ =	shalt  }
0x78: {  	_ =	shalt  }
0x79: {  	_ =	shalt  }
0x7a: {  	_ =	shalt  }
0x7b: {  	_ =	shalt  }
0x7c: {  	_ =	shalt  }
0x7d: {  	_ =	shalt  }
0x7e: {  	_ =	shalt  }
0x7f: {  	_ =	shalt  }
0x80: {  	_ =	shalt  }
0x81: {  	_ =	shalt  }
0x82: {  	_ =	shalt  }
0x83: {  	_ =	shalt  }
0x84: {  	_ =	shalt  }
0x85: {  	_ =	shalt  }
0x86: {  	_ =	shalt  }
0x87: {  	_ =	shalt  }
.Lfunc_end0:
.L_simem_size_0:
called_computation_lowered:
.L_overlay_start_0:
0x88: {  	s2 =	sld [smem:$0x3FD9]  }
0x89: {  	s3 =	sld [smem:$0x3FFE];
	_ =	sdelay $0x1  }
0x8a: {  	s1 =	srdreg.scid  }
0x8b: {  	s0 =	sand.u32 $0x1, s1  }
0x8c: {  	s14 =	sshll.u32 s0, $0xA;
	s2 =	sadd.s32 s3, s2  }
0x8d: {  	s2 =	sadd.s32 s2, s14  }
0x8e: {  	[smem:$0x3FC6] =	sst s2  }
0x8f: {  	_ = 	snop  }
0x90: {  	s2 =	sld [smem:$0x3FD0];
	_ =	sdelay $0x2  }
0x91: {  	s15 =	simm.s32 $0xA;
	s4 =	simm.s32 $0x10  }
0x92: {  	[smem:s4], [sflag:s15] =	dma.local [hbm:s2], $0x1  }
0x93: {  	_ =	swait.eq [sflag:s15], $0x1  }
0x94: {  	[sflag:s15] =	ssyncset.done $0x0  }
0x95: {  	[sflag:s15] =	ssyncadd.s32 $0xFFFFFFFF  }
0x96: {  	s16 =	sld [smem:$0x10];
	(tm) =	ssettm $0x1  }
0x97: {  	s17 =	sld [smem:$0x3FFB];
	_ =	sdelay $0x3  }
0x98: {  	_ =	strace s17  }
0x99: {  	s3 =	sld [smem:$0x3FFC];
	_ =	sdelay $0x3  }
0x9a: {  	_ =	strace s3  }
0x9b: {  	s3 =	sld [smem:$0x3FFD];
	_ =	sdelay $0x3  }
0x9c: {  	_ =	strace s3  }
0x9d: {  	_ =	strace $0x8FFFFFFF  }
0x9e: {  	s18 =	sld [smem:$0x3FDB];
	_ =	sdelay $0x1  }
0x9f: {  	s19 =	simm.s32 $_scs_section_size  }
0xa0: {  	s5 =	simm.s32 $_size__tile_overlayer_lowered;
	s6 =	simm.s32 $_tile_overlayer_lowered  }
0xa1: {  	s22 =	simm.s32 $0x1BFF;
	s21 =	sshll.u32 s6, $0x1;
	s3 =	sadd.s32 s19, s18  }
0xa2: {  	s7 =	simm.s32 $0x0;
	s20 =	sshll.u32 s5, $0x1;
	s5 =	sadd.s32 s21, s3  }
0xa3: {  	[timem:s7], [sflag:s22] =	dma.local [hbm:s5], s20  }
0xa4: {  	_ =	swait.ge [sflag:s22], s20  }
0xa5: {  	s4 =	ssub.s32 $0x0, s20;
	[sflag:s22] =	ssyncset.done $0x0  }
0xa6: {  	[sflag:s22] =	ssyncadd.s32 s4;
	_ =	sdelay $0x1  }
0xa7: {  	s23 =	simm.s32 $0x1B8B  }
0xa8: {  	_ =	swait.ge [sflag:s23], $0x1  }
0xa9: {  	[sflag:s23] =	ssyncset.done $0x0  }
0xaa: {  	s25 =	simm.s32 $0x1B8E;
	s24 =	sld [smem:$0x3FFE];
	[sflag:s23] =	ssyncadd.s32 $0xFFFFFFFF  }
0xab: {  	s26 =	simm.s32 $execute0_lowered;
	[smem:$0x3FD2] =	sst s25  }
0xac: {  	s5 =	sshll.u32 s26, $0x1;
	_ =	strace $0x80000046;
	[dreg:$0x1] =	wrdreg $0xFFFFFFFF  }
0xad: {  	s28 =	simm.s32 $_size_execute0_lowered;
	s3 =	sadd.s32 s3, s5;
	[dreg:$0x0] =	wrdreg $0x0  }
0xae: {  	s5 =	sshll.u32 s28, $0x1;
	[dreg:$0x2] =	wrdreg s3  }
0xaf: {  	[dreg:$0x3] =	wrdreg s5  }
0xb0: {  	[dreg:$0x4] =	wrdreg $0xC0  }
0xb1: {  	_ =	task [dreg:s7], $0x5FFFF  }
0xb2: {  	[dreg:$0x1] =	wrdreg $0xFFFFFFFF  }
0xb3: {  	[dreg:$0x0] =	wrdreg $0x60  }
0xb4: {  	[dreg:$0x2] =	wrdreg s24  }
0xb5: {  	[dreg:$0x3] =	wrdreg s16  }
0xb6: {  	[dreg:$0x4] =	wrdreg $0x9  }
0xb7: {  	_ =	task.clear_ibuf [dreg:s7], $0x5FFFF;
	_ =	strace $0x90000046  }
0xb8: {  	s29 =	simm.s32 $0x9;
	_ =	strace $0x80000048  }
0xb9: {  	_ =	swait.ge [sflag:s29], $0x1  }
0xba: {  	[sflag:s29] =	ssyncadd.s32 $0xFFFFFFFF  }
0xbb: {  	_ =	strace $0x90000048  }
0xbc: {  	_ =	sfence  }
0xbd: {  	s30 =	sld [smem:$0x0];
	_ =	sdelay $0x2  }
0xbe: {  	s31 =	sshll.u32 s1, $0xD;
	s1 =	sshrl.u32 s1, $0x2  }
0xbf: {  	s3 =	sand.u32 $0x4000, s31;
	s1 =	sadd.s32 s1, s30  }
0xc0: {  	s0 =	sor.u32 s3, s0;
	s1 =	sshll.u32 s1, $0x11  }
0xc1: {  	s0 =	sor.u32 s1, s0  }
0xc2: {  	s0 =	sadd.s32 $0x8F2B, s0  }
0xc3: {  	[sflag:s0] =	ssyncadd.remote.s32 $0x1  }
0xc4: {  	_ =	sfence.sel $0xFFFF  }
0xc5: {  	[dreg:$0x0] =	wrdreg $0xFFFFFFFF;
	(pc) =	sbr.abs _section_cstart, $3  }
0xc6: {  	[dreg:$0x1] =	wrdreg $0xFFFFFFFF  }
0xc7: {  	_ =	task.clear_ibuf [dreg:s7], $0x2FFFF;
	_ =	strace $0x9FFFFFFF  }
0xc8: {  	(tm) =	ssettm $0x7FFFFFFF  }
0xc9: {  	_ =	shalt  }
tec
execute0_lowered:
.L_overlay_start_1:
0x0: {  	(tag) =	ssettag $0x1  }
0x1: {  	s0 =	rddreg [dreg:$0x0]  }
0x2: {  	s1 =	rddreg [dreg:$0x1]  }
0x3: {  	s2 =	srdreg.scid;
	s4 =	stileid.u32;
	s29 =	simm.s32 $0x100  }
0x4: {  	s3 =	sand.u32 $0x1, s2;
	s2 =	simm.s32 $0x0;
	s4 =	sshll.u32 s4, $0xB  }
0x5: {  	s5 =	sshll.u32 s3, $0xA;
	[smem:$0x7FF] =	sst s2;
	s3 =	ssub.s32 $0x2, s3  }
0x6: {  	s4 =	sor.u32 s5, s4;
	s5 =	sadd.s32 $0x40600, s0;
	_ =	strace $0x80000047  }
0x7: {  	s23 =	sshrl.u32 s3, $0x1;
	s6 =	sshrl.u32 s4, $0x3;
	s7 =	sor.u32 $0x80, s4  }
0x8: {  	s26 =	sshll.u32 s4, $0x5;
	s30 =	sor.u32 $0x100, s4;
	s9 =	sor.u32 $0x180, s4  }
0x9: {  	s14 =	sor.u32 $0x200, s4;
	s17 =	sor.u32 $0x280, s4;
	s22 =	sor.u32 $0x300, s4  }
0xa: {  	s4 =	sor.u32 $0x380, s4;
	s6 =	sadd.s32 s5, s6;
	s8 =	sshrl.u32 s7, $0x3  }
0xb: {  	s28 =	sadd.s32 s1, s26;
	s31 =	sshrl.u32 s30, $0x3;
	s7 =	sshll.u32 s7, $0x5  }
0xc: {  	s10 =	sshrl.u32 s9, $0x3;
	s12 =	sshll.u32 s30, $0x5;
	[dreg:$0x3] =	wrdreg s6  }
0xd: {  	s15 =	sshrl.u32 s14, $0x3;
	s25 =	sadd.s32 s5, s8;
	[dreg:$0x5] =	wrdreg s28  }
0xe: {  	s16 =	sshll.u32 s9, $0x5;
	s6 =	sadd.s32 s5, s31;
	[dreg:$0x4] =	wrdreg s25  }
0xf: {  	s19 =	sshrl.u32 s17, $0x3;
	s7 =	sadd.s32 s1, s7;
	[dreg:$0x6] =	wrdreg s6  }
0x10: {  	s24 =	sshrl.u32 s22, $0x3;
	s11 =	sadd.s32 s5, s10;
	[dreg:$0x7] =	wrdreg s7  }
0x11: {  	s9 =	sshll.u32 s17, $0x5;
	s13 =	sadd.s32 s1, s12;
	[dreg:$0x8] =	wrdreg s11  }
0x12: {  	s26 =	sshrl.u32 s4, $0x3;
	s18 =	sadd.s32 s1, s16;
	[dreg:$0x9] =	wrdreg s13  }
0x13: {  	s4 =	sshll.u32 s4, $0x5;
	s20 =	sadd.s32 s5, s19;
	[dreg:$0xb] =	wrdreg s18  }
0x14: {  	s28 =	sshll.u32 s22, $0x5;
	s6 =	sadd.s32 s5, s15;
	[dreg:$0xc] =	wrdreg s20  }
0x15: {  	s31 =	ssub.s32 s3, s23;
	s25 =	sadd.s32 s1, s9;
	[dreg:$0xa] =	wrdreg s6  }
0x16: {  	s7 =	sshll.u32 s14, $0x5;
	s30 =	sadd.s32 s1, s28;
	[dreg:$0xf] =	wrdreg s25  }
0x17: {  	s3 =	sadd.s32 $0x600, s0;
	s21 =	sadd.s32 s1, s7;
	[dreg:$0x11] =	wrdreg s30  }
0x18: {  	s23 =	simm.s32 $0x8100;
	s6 =	sadd.s32 s5, s24;
	[dreg:$0xd] =	wrdreg s21  }
0x19: {  	v2 =	vlaneseq.u32;
	s13 =	simm.s32 $0x1;
	s5 =	sadd.s32 s5, s26;
	[dreg:$0xe] =	wrdreg s6  }
0x1a: {  	vm0 =	vmmov $0xffff;
	v1 =	vshrl.u32 v2, $0x3;
	s14 =	simm.s32 $0x2;
	s1 =	sadd.s32 s1, s4;
	[dreg:$0x10] =	wrdreg s5  }
0x1b: {  	v0 =	vand.u32 $0x7, v2;
	v2 =	vor.u32 $0x8, v2;
	v1 =	vmul.u32 $0x8, v1;
	s4 =	smax.u32 s31, $0x1;
	[dreg:$0x12] =	wrdreg s1;
	s5 =	simm.s32 $0x3  }
.LBB2_1:
0x1c: {  	s15 =	rddreg [dreg:$0x3]  }
0x1d: {  	[tilespmem:s2], [sflag:$0x3] =	stream.linear.gather [hbm4b:s15+s2], $0x80, $0x38;
	[tilespmem:$0x10100] =	vst v63  }
0x1e: {  	_ =	swait.ge [sflag:s5], $0x80  }
0x1f: {  	[sflag:s5] =	ssyncset.done $0x0  }
0x20: {  	[sflag:s5] =	ssyncadd.s32 $0xFFFFFF80  }
0x21: {  	v3 =	vld [tilespmem:$0x0];
	_ =	sdelay $0x4  }
0x22: {  	v4 =	vshll.u32 v3, $0x1  }
0x23: {  	v3 =	vand.u32 $0x7, v3;
	v4 =	vand.u32 $0xFFFFFFF0, v4  }
0x24: {  	v3 =	vor.u32 v3, v4  }
0x25: {  	v4 =	vperm.xlane v3, v0;
	_ =	sdelay $0x1  }
0x26: {  	v3 =	vperm.xlane v3, v2;
	v4 =	vadd.s32 v1, v4;
	_ =	sdelay $0x1  }
0x27: {  	v3 =	vadd.s32 v1, v3;
	_ =	sdelay $0x2  }
0x28: {  	[tilespmem:s29], [sflag:$0x1] =	stream.indirect_vreg.gather [hbm4b:s3+s2], $0x80, v4, vm0, $0xb8;
	[tilespmem:$0x10100] =	vst v63  }
0x29: {  	s0 =	simm.s32 $0x900  }
0x2a: {  	[tilespmem:s0], [sflag:$0x1] =	stream.indirect_vreg.gather [hbm4b:s3+s2], $0x80, v3, vm0, $0xb8;
	[tilespmem:$0x10100] =	vst v63  }
0x2b: {  	v3 =	vld [tilespmem:$0x10];
	_ =	sdelay $0x4  }
0x2c: {  	v57 =	vshll.u32 v3, $0x1  }
0x2d: {  	v3 =	vand.u32 $0x7, v3;
	v4 =	vand.u32 $0xFFFFFFF0, v57  }
0x2e: {  	v3 =	vor.u32 v3, v4  }
0x2f: {  	v4 =	vperm.xlane v3, v0;
	_ =	sdelay $0x1  }
0x30: {  	v3 =	vperm.xlane v3, v2;
	v4 =	vadd.s32 v1, v4;
	_ =	sdelay $0x1  }
0x31: {  	v3 =	vadd.s32 v1, v3;
	_ =	sdelay $0x1  }
0x32: {  	s26 =	simm.s32 $0x1100  }
0x33: {  	[tilespmem:s26], [sflag:$0x1] =	stream.indirect_vreg.gather [hbm4b:s3+s2], $0x80, v4, vm0, $0xb8;
	[tilespmem:$0x10100] =	vst v63  }
0x34: {  	s28 =	simm.s32 $0x1900  }
0x35: {  	[tilespmem:s28], [sflag:$0x1] =	stream.indirect_vreg.gather [hbm4b:s3+s2], $0x80, v3, vm0, $0xb8;
	[tilespmem:$0x10100] =	vst v63  }
0x36: {  	v3 =	vld [tilespmem:$0x20];
	_ =	sdelay $0x4  }
0x37: {  	v58 =	vshll.u32 v3, $0x1  }
0x38: {  	v3 =	vand.u32 $0x7, v3;
	v4 =	vand.u32 $0xFFFFFFF0, v58  }
0x39: {  	v3 =	vor.u32 v3, v4  }
0x3a: {  	v4 =	vperm.xlane v3, v0;
	_ =	sdelay $0x1  }
0x3b: {  	v3 =	vperm.xlane v3, v2;
	v4 =	vadd.s32 v1, v4;
	_ =	sdelay $0x1  }
0x3c: {  	v3 =	vadd.s32 v1, v3;
	_ =	sdelay $0x1  }
0x3d: {  	s30 =	simm.s32 $0x2100  }
0x3e: {  	[tilespmem:s30], [sflag:$0x1] =	stream.indirect_vreg.gather [hbm4b:s3+s2], $0x80, v4, vm0, $0xb8;
	[tilespmem:$0x10100] =	vst v63  }
0x3f: {  	s31 =	simm.s32 $0x2900  }
0x40: {  	[tilespmem:s31], [sflag:$0x1] =	stream.indirect_vreg.gather [hbm4b:s3+s2], $0x80, v3, vm0, $0xb8;
	[tilespmem:$0x10100] =	vst v63  }
0x41: {  	v3 =	vld [tilespmem:$0x30];
	_ =	sdelay $0x4  }
0x42: {  	v59 =	vshll.u32 v3, $0x1  }
0x43: {  	v3 =	vand.u32 $0x7, v3;
	v4 =	vand.u32 $0xFFFFFFF0, v59  }
0x44: {  	v3 =	vor.u32 v3, v4  }
0x45: {  	v4 =	vperm.xlane v3, v0;
	_ =	sdelay $0x1  }
0x46: {  	v3 =	vperm.xlane v3, v2;
	v4 =	vadd.s32 v1, v4;
	_ =	sdelay $0x1  }
0x47: {  	v3 =	vadd.s32 v1, v3;
	_ =	sdelay $0x1  }
0x48: {  	s7 =	simm.s32 $0x3100  }
0x49: {  	[tilespmem:s7], [sflag:$0x1] =	stream.indirect_vreg.gather [hbm4b:s3+s2], $0x80, v4, vm0, $0xb8;
	[tilespmem:$0x10100] =	vst v63  }
0x4a: {  	s10 =	simm.s32 $0x3900  }
0x4b: {  	[tilespmem:s10], [sflag:$0x1] =	stream.indirect_vreg.gather [hbm4b:s3+s2], $0x80, v3, vm0, $0xb8;
	[tilespmem:$0x10100] =	vst v63  }
0x4c: {  	v3 =	vld [tilespmem:$0x40];
	_ =	sdelay $0x4  }
0x4d: {  	v60 =	vshll.u32 v3, $0x1  }
0x4e: {  	v3 =	vand.u32 $0x7, v3;
	v4 =	vand.u32 $0xFFFFFFF0, v60  }
0x4f: {  	v3 =	vor.u32 v3, v4  }
0x50: {  	v4 =	vperm.xlane v3, v0;
	_ =	sdelay $0x1  }
0x51: {  	v3 =	vperm.xlane v3, v2;
	v4 =	vadd.s32 v1, v4;
	_ =	sdelay $0x1  }
0x52: {  	v3 =	vadd.s32 v1, v3;
	_ =	sdelay $0x1  }
0x53: {  	s11 =	simm.s32 $0x4100  }
0x54: {  	[tilespmem:s11], [sflag:$0x1] =	stream.indirect_vreg.gather [hbm4b:s3+s2], $0x80, v4, vm0, $0xb8;
	[tilespmem:$0x10100] =	vst v63  }
0x55: {  	s12 =	simm.s32 $0x4900  }
0x56: {  	[tilespmem:s12], [sflag:$0x1] =	stream.indirect_vreg.gather [hbm4b:s3+s2], $0x80, v3, vm0, $0xb8;
	[tilespmem:$0x10100] =	vst v63  }
0x57: {  	v3 =	vld [tilespmem:$0x50];
	_ =	sdelay $0x4  }
0x58: {  	v61 =	vshll.u32 v3, $0x1  }
0x59: {  	v3 =	vand.u32 $0x7, v3;
	v4 =	vand.u32 $0xFFFFFFF0, v61  }
0x5a: {  	v3 =	vor.u32 v3, v4  }
0x5b: {  	v4 =	vperm.xlane v3, v0;
	_ =	sdelay $0x1  }
0x5c: {  	v3 =	vperm.xlane v3, v2;
	v4 =	vadd.s32 v1, v4;
	_ =	sdelay $0x1  }
0x5d: {  	v3 =	vadd.s32 v1, v3;
	_ =	sdelay $0x1  }
0x5e: {  	s15 =	simm.s32 $0x5100  }
0x5f: {  	[tilespmem:s15], [sflag:$0x1] =	stream.indirect_vreg.gather [hbm4b:s3+s2], $0x80, v4, vm0, $0xb8;
	[tilespmem:$0x10100] =	vst v63  }
0x60: {  	s16 =	simm.s32 $0x5900  }
0x61: {  	[tilespmem:s16], [sflag:$0x1] =	stream.indirect_vreg.gather [hbm4b:s3+s2], $0x80, v3, vm0, $0xb8;
	[tilespmem:$0x10100] =	vst v63  }
0x62: {  	v3 =	vld [tilespmem:$0x60];
	_ =	sdelay $0x4  }
0x63: {  	v62 =	vshll.u32 v3, $0x1  }
0x64: {  	v3 =	vand.u32 $0x7, v3;
	v4 =	vand.u32 $0xFFFFFFF0, v62  }
0x65: {  	v3 =	vor.u32 v3, v4  }
0x66: {  	v4 =	vperm.xlane v3, v0;
	_ =	sdelay $0x1  }
0x67: {  	v3 =	vperm.xlane v3, v2;
	v4 =	vadd.s32 v1, v4;
	_ =	sdelay $0x1  }
0x68: {  	v3 =	vadd.s32 v1, v3;
	_ =	sdelay $0x1  }
0x69: {  	s17 =	simm.s32 $0x6100  }
0x6a: {  	[tilespmem:s17], [sflag:$0x1] =	stream.indirect_vreg.gather [hbm4b:s3+s2], $0x80, v4, vm0, $0xb8;
	[tilespmem:$0x10100] =	vst v63  }
0x6b: {  	s18 =	simm.s32 $0x6900  }
0x6c: {  	[tilespmem:s18], [sflag:$0x1] =	stream.indirect_vreg.gather [hbm4b:s3+s2], $0x80, v3, vm0, $0xb8;
	[tilespmem:$0x10100] =	vst v63  }
0x6d: {  	v3 =	vld [tilespmem:$0x70];
	_ =	sdelay $0x4  }
0x6e: {  	v63 =	vshll.u32 v3, $0x1  }
0x6f: {  	v3 =	vand.u32 $0x7, v3;
	v4 =	vand.u32 $0xFFFFFFF0, v63  }
0x70: {  	v3 =	vor.u32 v3, v4  }
0x71: {  	v4 =	vperm.xlane v3, v0;
	_ =	sdelay $0x1  }
0x72: {  	v3 =	vperm.xlane v3, v2;
	v4 =	vadd.s32 v1, v4;
	_ =	sdelay $0x1  }
0x73: {  	v3 =	vadd.s32 v1, v3;
	_ =	sdelay $0x1  }
0x74: {  	s19 =	simm.s32 $0x7100  }
0x75: {  	[tilespmem:s19], [sflag:$0x1] =	stream.indirect_vreg.gather [hbm4b:s3+s2], $0x80, v4, vm0, $0xb8;
	[tilespmem:$0x10100] =	vst v63  }
0x76: {  	s21 =	simm.s32 $0x7900  }
0x77: {  	[tilespmem:s21], [sflag:$0x1] =	stream.indirect_vreg.gather [hbm4b:s3+s2], $0x80, v3, vm0, $0xb8;
	[tilespmem:$0x10100] =	vst v63  }
0x78: {  	s22 =	simm.s32 $0x80;
	s20 =	rddreg [dreg:$0x4]  }
0x79: {  	[tilespmem:s22], [sflag:$0x3] =	stream.linear.gather [hbm4b:s20+s2], $0x80, $0x38;
	[tilespmem:$0x10100] =	vst v63  }
0x7a: {  	_ =	swait.ge [sflag:s5], $0x80  }
0x7b: {  	[sflag:s5] =	ssyncset.done $0x0  }
0x7c: {  	[sflag:s5] =	ssyncadd.s32 $0xFFFFFF80  }
0x7d: {  	v3 =	vld [tilespmem:$0x80];
	_ =	sdelay $0x4  }
0x7e: {  	v8 =	vshll.u32 v3, $0x1  }
0x7f: {  	v3 =	vand.u32 $0x7, v3;
	v4 =	vand.u32 $0xFFFFFFF0, v8  }
0x80: {  	v3 =	vor.u32 v3, v4  }
0x81: {  	v4 =	vperm.xlane v3, v0;
	_ =	sdelay $0x1  }
0x82: {  	v3 =	vperm.xlane v3, v2;
	v4 =	vadd.s32 v1, v4;
	_ =	sdelay $0x1  }
0x83: {  	v3 =	vadd.s32 v1, v3;
	_ =	sdelay $0x2  }
0x84: {  	[tilespmem:s23], [sflag:$0x2] =	stream.indirect_vreg.gather [hbm4b:s3+s2], $0x80, v4, vm0, $0xb8;
	[tilespmem:$0x10100] =	vst v63  }
0x85: {  	s24 =	simm.s32 $0x8900  }
0x86: {  	[tilespmem:s24], [sflag:$0x2] =	stream.indirect_vreg.gather [hbm4b:s3+s2], $0x80, v3, vm0, $0xb8;
	[tilespmem:$0x10100] =	vst v63  }
0x87: {  	v3 =	vld [tilespmem:$0x90];
	_ =	sdelay $0x4  }
0x88: {  	v9 =	vshll.u32 v3, $0x1  }
0x89: {  	v3 =	vand.u32 $0x7, v3;
	v4 =	vand.u32 $0xFFFFFFF0, v9  }
0x8a: {  	v3 =	vor.u32 v3, v4  }
0x8b: {  	v4 =	vperm.xlane v3, v0;
	_ =	sdelay $0x1  }
0x8c: {  	v3 =	vperm.xlane v3, v2;
	v4 =	vadd.s32 v1, v4;
	_ =	sdelay $0x1  }
0x8d: {  	v3 =	vadd.s32 v1, v3;
	_ =	sdelay $0x1  }
0x8e: {  	s25 =	simm.s32 $0x9100  }
0x8f: {  	[tilespmem:s25], [sflag:$0x2] =	stream.indirect_vreg.gather [hbm4b:s3+s2], $0x80, v4, vm0, $0xb8;
	[tilespmem:$0x10100] =	vst v63  }
0x90: {  	s26 =	simm.s32 $0x9900  }
0x91: {  	[tilespmem:s26], [sflag:$0x2] =	stream.indirect_vreg.gather [hbm4b:s3+s2], $0x80, v3, vm0, $0xb8;
	[tilespmem:$0x10100] =	vst v63  }
0x92: {  	v3 =	vld [tilespmem:$0xA0];
	_ =	sdelay $0x4  }
0x93: {  	v10 =	vshll.u32 v3, $0x1  }
0x94: {  	v3 =	vand.u32 $0x7, v3;
	v4 =	vand.u32 $0xFFFFFFF0, v10  }
0x95: {  	v3 =	vor.u32 v3, v4  }
0x96: {  	v4 =	vperm.xlane v3, v0;
	_ =	sdelay $0x1  }
0x97: {  	v3 =	vperm.xlane v3, v2;
	v4 =	vadd.s32 v1, v4;
	_ =	sdelay $0x1  }
0x98: {  	v3 =	vadd.s32 v1, v3;
	_ =	sdelay $0x1  }
0x99: {  	s28 =	simm.s32 $0xA100  }
0x9a: {  	[tilespmem:s28], [sflag:$0x2] =	stream.indirect_vreg.gather [hbm4b:s3+s2], $0x80, v4, vm0, $0xb8;
	[tilespmem:$0x10100] =	vst v63  }
0x9b: {  	s30 =	simm.s32 $0xA900  }
0x9c: {  	[tilespmem:s30], [sflag:$0x2] =	stream.indirect_vreg.gather [hbm4b:s3+s2], $0x80, v3, vm0, $0xb8;
	[tilespmem:$0x10100] =	vst v63  }
0x9d: {  	v3 =	vld [tilespmem:$0xB0];
	_ =	sdelay $0x4  }
0x9e: {  	v11 =	vshll.u32 v3, $0x1  }
0x9f: {  	v3 =	vand.u32 $0x7, v3;
	v4 =	vand.u32 $0xFFFFFFF0, v11  }
0xa0: {  	v3 =	vor.u32 v3, v4  }
0xa1: {  	v4 =	vperm.xlane v3, v0;
	_ =	sdelay $0x1  }
0xa2: {  	v3 =	vperm.xlane v3, v2;
	v4 =	vadd.s32 v1, v4;
	_ =	sdelay $0x1  }
0xa3: {  	v3 =	vadd.s32 v1, v3;
	_ =	sdelay $0x1  }
0xa4: {  	s31 =	simm.s32 $0xB100  }
0xa5: {  	[tilespmem:s31], [sflag:$0x2] =	stream.indirect_vreg.gather [hbm4b:s3+s2], $0x80, v4, vm0, $0xb8;
	[tilespmem:$0x10100] =	vst v63  }
0xa6: {  	s11 =	simm.s32 $0xB900  }
0xa7: {  	[tilespmem:s11], [sflag:$0x2] =	stream.indirect_vreg.gather [hbm4b:s3+s2], $0x80, v3, vm0, $0xb8;
	[tilespmem:$0x10100] =	vst v63  }
0xa8: {  	v3 =	vld [tilespmem:$0xC0];
	_ =	sdelay $0x4  }
0xa9: {  	v12 =	vshll.u32 v3, $0x1  }
0xaa: {  	v3 =	vand.u32 $0x7, v3;
	v4 =	vand.u32 $0xFFFFFFF0, v12  }
0xab: {  	v3 =	vor.u32 v3, v4  }
0xac: {  	v4 =	vperm.xlane v3, v0;
	_ =	sdelay $0x1  }
0xad: {  	v3 =	vperm.xlane v3, v2;
	v4 =	vadd.s32 v1, v4;
	_ =	sdelay $0x1  }
0xae: {  	v3 =	vadd.s32 v1, v3;
	_ =	sdelay $0x1  }
0xaf: {  	s12 =	simm.s32 $0xC100  }
0xb0: {  	[tilespmem:s12], [sflag:$0x2] =	stream.indirect_vreg.gather [hbm4b:s3+s2], $0x80, v4, vm0, $0xb8;
	[tilespmem:$0x10100] =	vst v63  }
0xb1: {  	s16 =	simm.s32 $0xC900  }
0xb2: {  	[tilespmem:s16], [sflag:$0x2] =	stream.indirect_vreg.gather [hbm4b:s3+s2], $0x80, v3, vm0, $0xb8;
	[tilespmem:$0x10100] =	vst v63  }
0xb3: {  	v3 =	vld [tilespmem:$0xD0];
	_ =	sdelay $0x4  }
0xb4: {  	v13 =	vshll.u32 v3, $0x1  }
0xb5: {  	v3 =	vand.u32 $0x7, v3;
	v4 =	vand.u32 $0xFFFFFFF0, v13  }
0xb6: {  	v3 =	vor.u32 v3, v4  }
0xb7: {  	v4 =	vperm.xlane v3, v0;
	_ =	sdelay $0x1  }
0xb8: {  	v3 =	vperm.xlane v3, v2;
	v4 =	vadd.s32 v1, v4;
	_ =	sdelay $0x1  }
0xb9: {  	v3 =	vadd.s32 v1, v3;
	_ =	sdelay $0x1  }
0xba: {  	s17 =	simm.s32 $0xD100  }
0xbb: {  	[tilespmem:s17], [sflag:$0x2] =	stream.indirect_vreg.gather [hbm4b:s3+s2], $0x80, v4, vm0, $0xb8;
	[tilespmem:$0x10100] =	vst v63  }
0xbc: {  	s18 =	simm.s32 $0xD900  }
0xbd: {  	[tilespmem:s18], [sflag:$0x2] =	stream.indirect_vreg.gather [hbm4b:s3+s2], $0x80, v3, vm0, $0xb8;
	[tilespmem:$0x10100] =	vst v63  }
0xbe: {  	v3 =	vld [tilespmem:$0xE0];
	_ =	sdelay $0x4  }
0xbf: {  	v14 =	vshll.u32 v3, $0x1  }
0xc0: {  	v3 =	vand.u32 $0x7, v3;
	v4 =	vand.u32 $0xFFFFFFF0, v14  }
0xc1: {  	v3 =	vor.u32 v3, v4  }
0xc2: {  	v4 =	vperm.xlane v3, v0;
	_ =	sdelay $0x1  }
0xc3: {  	v3 =	vperm.xlane v3, v2;
	v4 =	vadd.s32 v1, v4;
	_ =	sdelay $0x1  }
0xc4: {  	v3 =	vadd.s32 v1, v3;
	_ =	sdelay $0x1  }
0xc5: {  	s22 =	simm.s32 $0xE100  }
0xc6: {  	[tilespmem:s22], [sflag:$0x2] =	stream.indirect_vreg.gather [hbm4b:s3+s2], $0x80, v4, vm0, $0xb8;
	[tilespmem:$0x10100] =	vst v63  }
0xc7: {  	s25 =	simm.s32 $0xE900  }
0xc8: {  	[tilespmem:s25], [sflag:$0x2] =	stream.indirect_vreg.gather [hbm4b:s3+s2], $0x80, v3, vm0, $0xb8;
	[tilespmem:$0x10100] =	vst v63  }
0xc9: {  	v3 =	vld [tilespmem:$0xF0];
	_ =	sdelay $0x4  }
0xca: {  	v15 =	vshll.u32 v3, $0x1  }
0xcb: {  	v3 =	vand.u32 $0x7, v3;
	v4 =	vand.u32 $0xFFFFFFF0, v15  }
0xcc: {  	v3 =	vor.u32 v3, v4  }
0xcd: {  	v4 =	vperm.xlane v3, v0;
	_ =	sdelay $0x1  }
0xce: {  	v3 =	vperm.xlane v3, v2;
	v4 =	vadd.s32 v1, v4;
	_ =	sdelay $0x1  }
0xcf: {  	v3 =	vadd.s32 v1, v3;
	_ =	sdelay $0x1  }
0xd0: {  	s26 =	simm.s32 $0xF100  }
0xd1: {  	[tilespmem:s26], [sflag:$0x2] =	stream.indirect_vreg.gather [hbm4b:s3+s2], $0x80, v4, vm0, $0xb8;
	[tilespmem:$0x10100] =	vst v63  }
0xd2: {  	s28 =	simm.s32 $0xF900  }
0xd3: {  	[tilespmem:s28], [sflag:$0x2] =	stream.indirect_vreg.gather [hbm4b:s3+s2], $0x80, v3, vm0, $0xb8;
	[tilespmem:$0x10100] =	vst v63  }
0xd4: {  	_ =	swait.ge [sflag:s13], $0x8000  }
0xd5: {  	[sflag:s13] =	ssyncset.done $0x0  }
0xd6: {  	s30 =	rddreg [dreg:$0x5];
	[sflag:s13] =	ssyncadd.s32 $0xFFFF8000  }
0xd7: {  	[hbm4b:s30+s2] =	stream.linear.scatter [tilespmem:s29], [sflag:$0x3], $0x8000, $0x38;
	[tilespmem:$0x10100] =	vst v63  }
0xd8: {  	_ =	swait.ge [sflag:s5], $0x8000  }
0xd9: {  	[sflag:s5] =	ssyncset.done $0x0  }
0xda: {  	s0 =	rddreg [dreg:$0x6];
	[sflag:s5] =	ssyncadd.s32 $0xFFFF8000  }
0xdb: {  	[tilespmem:s2], [sflag:$0x3] =	stream.linear.gather [hbm4b:s0+s2], $0x80, $0x38;
	[tilespmem:$0x10100] =	vst v63  }
0xdc: {  	_ =	swait.ge [sflag:s5], $0x80  }
0xdd: {  	[sflag:s5] =	ssyncset.done $0x0  }
0xde: {  	[sflag:s5] =	ssyncadd.s32 $0xFFFFFF80  }
0xdf: {  	v3 =	vld [tilespmem:$0x0];
	_ =	sdelay $0x4  }
0xe0: {  	v16 =	vshll.u32 v3, $0x1  }
0xe1: {  	v3 =	vand.u32 $0x7, v3;
	v4 =	vand.u32 $0xFFFFFFF0, v16  }
0xe2: {  	v3 =	vor.u32 v3, v4  }
0xe3: {  	v4 =	vperm.xlane v3, v0;
	_ =	sdelay $0x1  }
0xe4: {  	v3 =	vperm.xlane v3, v2;
	v4 =	vadd.s32 v1, v4;
	_ =	sdelay $0x1  }
0xe5: {  	v3 =	vadd.s32 v1, v3;
	_ =	sdelay $0x2  }
0xe6: {  	[tilespmem:s29], [sflag:$0x1] =	stream.indirect_vreg.gather [hbm4b:s3+s2], $0x80, v4, vm0, $0xb8;
	[tilespmem:$0x10100] =	vst v63  }
0xe7: {  	s8 =	simm.s32 $0x900  }
0xe8: {  	[tilespmem:s8], [sflag:$0x1] =	stream.indirect_vreg.gather [hbm4b:s3+s2], $0x80, v3, vm0, $0xb8;
	[tilespmem:$0x10100] =	vst v63  }
0xe9: {  	v3 =	vld [tilespmem:$0x10];
	_ =	sdelay $0x4  }
0xea: {  	v17 =	vshll.u32 v3, $0x1  }
0xeb: {  	v3 =	vand.u32 $0x7, v3;
	v4 =	vand.u32 $0xFFFFFFF0, v17  }
0xec: {  	v3 =	vor.u32 v3, v4  }
0xed: {  	v4 =	vperm.xlane v3, v0;
	_ =	sdelay $0x1  }
0xee: {  	v3 =	vperm.xlane v3, v2;
	v4 =	vadd.s32 v1, v4;
	_ =	sdelay $0x1  }
0xef: {  	v3 =	vadd.s32 v1, v3;
	_ =	sdelay $0x1  }
0xf0: {  	s1 =	simm.s32 $0x1100  }
0xf1: {  	[tilespmem:s1], [sflag:$0x1] =	stream.indirect_vreg.gather [hbm4b:s3+s2], $0x80, v4, vm0, $0xb8;
	[tilespmem:$0x10100] =	vst v63  }
0xf2: {  	s22 =	simm.s32 $0x1900  }
0xf3: {  	[tilespmem:s22], [sflag:$0x1] =	stream.indirect_vreg.gather [hbm4b:s3+s2], $0x80, v3, vm0, $0xb8;
	[tilespmem:$0x10100] =	vst v63  }
0xf4: {  	v3 =	vld [tilespmem:$0x20];
	_ =	sdelay $0x4  }
0xf5: {  	v18 =	vshll.u32 v3, $0x1  }
0xf6: {  	v3 =	vand.u32 $0x7, v3;
	v4 =	vand.u32 $0xFFFFFFF0, v18  }
0xf7: {  	v3 =	vor.u32 v3, v4  }
0xf8: {  	v4 =	vperm.xlane v3, v0;
	_ =	sdelay $0x1  }
0xf9: {  	v3 =	vperm.xlane v3, v2;
	v4 =	vadd.s32 v1, v4;
	_ =	sdelay $0x1  }
0xfa: {  	v3 =	vadd.s32 v1, v3;
	_ =	sdelay $0x1  }
0xfb: {  	s6 =	simm.s32 $0x2100  }
0xfc: {  	[tilespmem:s6], [sflag:$0x1] =	stream.indirect_vreg.gather [hbm4b:s3+s2], $0x80, v4, vm0, $0xb8;
	[tilespmem:$0x10100] =	vst v63  }
0xfd: {  	s9 =	simm.s32 $0x2900  }
0xfe: {  	[tilespmem:s9], [sflag:$0x1] =	stream.indirect_vreg.gather [hbm4b:s3+s2], $0x80, v3, vm0, $0xb8;
	[tilespmem:$0x10100] =	vst v63  }
0xff: {  	v3 =	vld [tilespmem:$0x30];
	_ =	sdelay $0x4  }
0x100: {  	v19 =	vshll.u32 v3, $0x1  }
0x101: {  	v3 =	vand.u32 $0x7, v3;
	v4 =	vand.u32 $0xFFFFFFF0, v19  }
0x102: {  	v3 =	vor.u32 v3, v4  }
0x103: {  	v4 =	vperm.xlane v3, v0;
	_ =	sdelay $0x1  }
0x104: {  	v3 =	vperm.xlane v3, v2;
	v4 =	vadd.s32 v1, v4;
	_ =	sdelay $0x1  }
0x105: {  	v3 =	vadd.s32 v1, v3;
	_ =	sdelay $0x1  }
0x106: {  	s7 =	simm.s32 $0x3100  }
0x107: {  	[tilespmem:s7], [sflag:$0x1] =	stream.indirect_vreg.gather [hbm4b:s3+s2], $0x80, v4, vm0, $0xb8;
	[tilespmem:$0x10100] =	vst v63  }
0x108: {  	s26 =	simm.s32 $0x3900  }
0x109: {  	[tilespmem:s26], [sflag:$0x1] =	stream.indirect_vreg.gather [hbm4b:s3+s2], $0x80, v3, vm0, $0xb8;
	[tilespmem:$0x10100] =	vst v63  }
0x10a: {  	v3 =	vld [tilespmem:$0x40];
	_ =	sdelay $0x4  }
0x10b: {  	v20 =	vshll.u32 v3, $0x1  }
0x10c: {  	v3 =	vand.u32 $0x7, v3;
	v4 =	vand.u32 $0xFFFFFFF0, v20  }
0x10d: {  	v3 =	vor.u32 v3, v4  }
0x10e: {  	v4 =	vperm.xlane v3, v0;
	_ =	sdelay $0x1  }
0x10f: {  	v3 =	vperm.xlane v3, v2;
	v4 =	vadd.s32 v1, v4;
	_ =	sdelay $0x1  }
0x110: {  	v3 =	vadd.s32 v1, v3;
	_ =	sdelay $0x1  }
0x111: {  	s8 =	simm.s32 $0x4100  }
0x112: {  	[tilespmem:s8], [sflag:$0x1] =	stream.indirect_vreg.gather [hbm4b:s3+s2], $0x80, v4, vm0, $0xb8;
	[tilespmem:$0x10100] =	vst v63  }
0x113: {  	s10 =	simm.s32 $0x4900  }
0x114: {  	[tilespmem:s10], [sflag:$0x1] =	stream.indirect_vreg.gather [hbm4b:s3+s2], $0x80, v3, vm0, $0xb8;
	[tilespmem:$0x10100] =	vst v63  }
0x115: {  	v3 =	vld [tilespmem:$0x50];
	_ =	sdelay $0x4  }
0x116: {  	v21 =	vshll.u32 v3, $0x1  }
0x117: {  	v3 =	vand.u32 $0x7, v3;
	v4 =	vand.u32 $0xFFFFFFF0, v21  }
0x118: {  	v3 =	vor.u32 v3, v4  }
0x119: {  	v4 =	vperm.xlane v3, v0;
	_ =	sdelay $0x1  }
0x11a: {  	v3 =	vperm.xlane v3, v2;
	v4 =	vadd.s32 v1, v4;
	_ =	sdelay $0x1  }
0x11b: {  	v3 =	vadd.s32 v1, v3;
	_ =	sdelay $0x1  }
0x11c: {  	s9 =	simm.s32 $0x5100  }
0x11d: {  	[tilespmem:s9], [sflag:$0x1] =	stream.indirect_vreg.gather [hbm4b:s3+s2], $0x80, v4, vm0, $0xb8;
	[tilespmem:$0x10100] =	vst v63  }
0x11e: {  	s11 =	simm.s32 $0x5900  }
0x11f: {  	[tilespmem:s11], [sflag:$0x1] =	stream.indirect_vreg.gather [hbm4b:s3+s2], $0x80, v3, vm0, $0xb8;
	[tilespmem:$0x10100] =	vst v63  }
0x120: {  	v3 =	vld [tilespmem:$0x60];
	_ =	sdelay $0x4  }
0x121: {  	v22 =	vshll.u32 v3, $0x1  }
0x122: {  	v3 =	vand.u32 $0x7, v3;
	v4 =	vand.u32 $0xFFFFFFF0, v22  }
0x123: {  	v3 =	vor.u32 v3, v4  }
0x124: {  	v4 =	vperm.xlane v3, v0;
	_ =	sdelay $0x1  }
0x125: {  	v3 =	vperm.xlane v3, v2;
	v4 =	vadd.s32 v1, v4;
	_ =	sdelay $0x1  }
0x126: {  	v3 =	vadd.s32 v1, v3;
	_ =	sdelay $0x1  }
0x127: {  	s10 =	simm.s32 $0x6100  }
0x128: {  	[tilespmem:s10], [sflag:$0x1] =	stream.indirect_vreg.gather [hbm4b:s3+s2], $0x80, v4, vm0, $0xb8;
	[tilespmem:$0x10100] =	vst v63  }
0x129: {  	s12 =	simm.s32 $0x6900  }
0x12a: {  	[tilespmem:s12], [sflag:$0x1] =	stream.indirect_vreg.gather [hbm4b:s3+s2], $0x80, v3, vm0, $0xb8;
	[tilespmem:$0x10100] =	vst v63  }
0x12b: {  	v3 =	vld [tilespmem:$0x70];
	_ =	sdelay $0x4  }
0x12c: {  	v23 =	vshll.u32 v3, $0x1  }
0x12d: {  	v3 =	vand.u32 $0x7, v3;
	v4 =	vand.u32 $0xFFFFFFF0, v23  }
0x12e: {  	v3 =	vor.u32 v3, v4  }
0x12f: {  	v4 =	vperm.xlane v3, v0;
	_ =	sdelay $0x1  }
0x130: {  	v3 =	vperm.xlane v3, v2;
	v4 =	vadd.s32 v1, v4;
	_ =	sdelay $0x1  }
0x131: {  	v3 =	vadd.s32 v1, v3;
	_ =	sdelay $0x1  }
0x132: {  	s16 =	simm.s32 $0x7100  }
0x133: {  	[tilespmem:s16], [sflag:$0x1] =	stream.indirect_vreg.gather [hbm4b:s3+s2], $0x80, v4, vm0, $0xb8;
	[tilespmem:$0x10100] =	vst v63  }
0x134: {  	s17 =	simm.s32 $0x7900  }
0x135: {  	[tilespmem:s17], [sflag:$0x1] =	stream.indirect_vreg.gather [hbm4b:s3+s2], $0x80, v3, vm0, $0xb8;
	[tilespmem:$0x10100] =	vst v63  }
0x136: {  	_ =	swait.ge [sflag:s14], $0x8000  }
0x137: {  	[sflag:s14] =	ssyncset.done $0x0  }
0x138: {  	s6 =	rddreg [dreg:$0x7];
	[sflag:s14] =	ssyncadd.s32 $0xFFFF8000  }
0x139: {  	[hbm4b:s6+s2] =	stream.linear.scatter [tilespmem:s23], [sflag:$0x3], $0x8000, $0x38;
	[tilespmem:$0x10100] =	vst v63  }
0x13a: {  	_ =	swait.ge [sflag:s5], $0x8000  }
0x13b: {  	[sflag:s5] =	ssyncset.done $0x0  }
0x13c: {  	s1 =	simm.s32 $0x80;
	s7 =	rddreg [dreg:$0x8];
	[sflag:s5] =	ssyncadd.s32 $0xFFFF8000  }
0x13d: {  	[tilespmem:s1], [sflag:$0x3] =	stream.linear.gather [hbm4b:s7+s2], $0x80, $0x38;
	[tilespmem:$0x10100] =	vst v63  }
0x13e: {  	_ =	swait.ge [sflag:s5], $0x80  }
0x13f: {  	[sflag:s5] =	ssyncset.done $0x0  }
0x140: {  	[sflag:s5] =	ssyncadd.s32 $0xFFFFFF80  }
0x141: {  	v3 =	vld [tilespmem:$0x80];
	_ =	sdelay $0x4  }
0x142: {  	v24 =	vshll.u32 v3, $0x1  }
0x143: {  	v3 =	vand.u32 $0x7, v3;
	v4 =	vand.u32 $0xFFFFFFF0, v24  }
0x144: {  	v3 =	vor.u32 v3, v4  }
0x145: {  	v4 =	vperm.xlane v3, v0;
	_ =	sdelay $0x1  }
0x146: {  	v3 =	vperm.xlane v3, v2;
	v4 =	vadd.s32 v1, v4;
	_ =	sdelay $0x1  }
0x147: {  	v3 =	vadd.s32 v1, v3;
	_ =	sdelay $0x2  }
0x148: {  	[tilespmem:s23], [sflag:$0x2] =	stream.indirect_vreg.gather [hbm4b:s3+s2], $0x80, v4, vm0, $0xb8;
	[tilespmem:$0x10100] =	vst v63  }
0x149: {  	s6 =	simm.s32 $0x8900  }
0x14a: {  	[tilespmem:s6], [sflag:$0x2] =	stream.indirect_vreg.gather [hbm4b:s3+s2], $0x80, v3, vm0, $0xb8;
	[tilespmem:$0x10100] =	vst v63  }
0x14b: {  	v3 =	vld [tilespmem:$0x90];
	_ =	sdelay $0x4  }
0x14c: {  	v25 =	vshll.u32 v3, $0x1  }
0x14d: {  	v3 =	vand.u32 $0x7, v3;
	v4 =	vand.u32 $0xFFFFFFF0, v25  }
0x14e: {  	v3 =	vor.u32 v3, v4  }
0x14f: {  	v4 =	vperm.xlane v3, v0;
	_ =	sdelay $0x1  }
0x150: {  	v3 =	vperm.xlane v3, v2;
	v4 =	vadd.s32 v1, v4;
	_ =	sdelay $0x1  }
0x151: {  	v3 =	vadd.s32 v1, v3;
	_ =	sdelay $0x1  }
0x152: {  	s0 =	simm.s32 $0x9100  }
0x153: {  	[tilespmem:s0], [sflag:$0x2] =	stream.indirect_vreg.gather [hbm4b:s3+s2], $0x80, v4, vm0, $0xb8;
	[tilespmem:$0x10100] =	vst v63  }
0x154: {  	s7 =	simm.s32 $0x9900  }
0x155: {  	[tilespmem:s7], [sflag:$0x2] =	stream.indirect_vreg.gather [hbm4b:s3+s2], $0x80, v3, vm0, $0xb8;
	[tilespmem:$0x10100] =	vst v63  }
0x156: {  	v3 =	vld [tilespmem:$0xA0];
	_ =	sdelay $0x4  }
0x157: {  	v26 =	vshll.u32 v3, $0x1  }
0x158: {  	v3 =	vand.u32 $0x7, v3;
	v4 =	vand.u32 $0xFFFFFFF0, v26  }
0x159: {  	v3 =	vor.u32 v3, v4  }
0x15a: {  	v4 =	vperm.xlane v3, v0;
	_ =	sdelay $0x1  }
0x15b: {  	v3 =	vperm.xlane v3, v2;
	v4 =	vadd.s32 v1, v4;
	_ =	sdelay $0x1  }
0x15c: {  	v3 =	vadd.s32 v1, v3;
	_ =	sdelay $0x1  }
0x15d: {  	s19 =	simm.s32 $0xA100  }
0x15e: {  	[tilespmem:s19], [sflag:$0x2] =	stream.indirect_vreg.gather [hbm4b:s3+s2], $0x80, v4, vm0, $0xb8;
	[tilespmem:$0x10100] =	vst v63  }
0x15f: {  	s19 =	simm.s32 $0xA900  }
0x160: {  	[tilespmem:s19], [sflag:$0x2] =	stream.indirect_vreg.gather [hbm4b:s3+s2], $0x80, v3, vm0, $0xb8;
	[tilespmem:$0x10100] =	vst v63  }
0x161: {  	v3 =	vld [tilespmem:$0xB0];
	_ =	sdelay $0x4  }
0x162: {  	v27 =	vshll.u32 v3, $0x1  }
0x163: {  	v3 =	vand.u32 $0x7, v3;
	v4 =	vand.u32 $0xFFFFFFF0, v27  }
0x164: {  	v3 =	vor.u32 v3, v4  }
0x165: {  	v4 =	vperm.xlane v3, v0;
	_ =	sdelay $0x1  }
0x166: {  	v3 =	vperm.xlane v3, v2;
	v4 =	vadd.s32 v1, v4;
	_ =	sdelay $0x1  }
0x167: {  	v3 =	vadd.s32 v1, v3;
	_ =	sdelay $0x1  }
0x168: {  	s31 =	simm.s32 $0xB100  }
0x169: {  	[tilespmem:s31], [sflag:$0x2] =	stream.indirect_vreg.gather [hbm4b:s3+s2], $0x80, v4, vm0, $0xb8;
	[tilespmem:$0x10100] =	vst v63  }
0x16a: {  	s20 =	simm.s32 $0xB900  }
0x16b: {  	[tilespmem:s20], [sflag:$0x2] =	stream.indirect_vreg.gather [hbm4b:s3+s2], $0x80, v3, vm0, $0xb8;
	[tilespmem:$0x10100] =	vst v63  }
0x16c: {  	v3 =	vld [tilespmem:$0xC0];
	_ =	sdelay $0x4  }
0x16d: {  	v28 =	vshll.u32 v3, $0x1  }
0x16e: {  	v3 =	vand.u32 $0x7, v3;
	v4 =	vand.u32 $0xFFFFFFF0, v28  }
0x16f: {  	v3 =	vor.u32 v3, v4  }
0x170: {  	v4 =	vperm.xlane v3, v0;
	_ =	sdelay $0x1  }
0x171: {  	v3 =	vperm.xlane v3, v2;
	v4 =	vadd.s32 v1, v4;
	_ =	sdelay $0x1  }
0x172: {  	v3 =	vadd.s32 v1, v3;
	_ =	sdelay $0x1  }
0x173: {  	s20 =	simm.s32 $0xC100  }
0x174: {  	[tilespmem:s20], [sflag:$0x2] =	stream.indirect_vreg.gather [hbm4b:s3+s2], $0x80, v4, vm0, $0xb8;
	[tilespmem:$0x10100] =	vst v63  }
0x175: {  	s21 =	simm.s32 $0xC900  }
0x176: {  	[tilespmem:s21], [sflag:$0x2] =	stream.indirect_vreg.gather [hbm4b:s3+s2], $0x80, v3, vm0, $0xb8;
	[tilespmem:$0x10100] =	vst v63  }
0x177: {  	v3 =	vld [tilespmem:$0xD0];
	_ =	sdelay $0x4  }
0x178: {  	v29 =	vshll.u32 v3, $0x1  }
0x179: {  	v3 =	vand.u32 $0x7, v3;
	v4 =	vand.u32 $0xFFFFFFF0, v29  }
0x17a: {  	v3 =	vor.u32 v3, v4  }
0x17b: {  	v4 =	vperm.xlane v3, v0;
	_ =	sdelay $0x1  }
0x17c: {  	v3 =	vperm.xlane v3, v2;
	v4 =	vadd.s32 v1, v4;
	_ =	sdelay $0x1  }
0x17d: {  	v3 =	vadd.s32 v1, v3;
	_ =	sdelay $0x1  }
0x17e: {  	s21 =	simm.s32 $0xD100  }
0x17f: {  	[tilespmem:s21], [sflag:$0x2] =	stream.indirect_vreg.gather [hbm4b:s3+s2], $0x80, v4, vm0, $0xb8;
	[tilespmem:$0x10100] =	vst v63  }
0x180: {  	s24 =	simm.s32 $0xD900  }
0x181: {  	[tilespmem:s24], [sflag:$0x2] =	stream.indirect_vreg.gather [hbm4b:s3+s2], $0x80, v3, vm0, $0xb8;
	[tilespmem:$0x10100] =	vst v63  }
0x182: {  	v3 =	vld [tilespmem:$0xE0];
	_ =	sdelay $0x4  }
0x183: {  	v30 =	vshll.u32 v3, $0x1  }
0x184: {  	v3 =	vand.u32 $0x7, v3;
	v4 =	vand.u32 $0xFFFFFFF0, v30  }
0x185: {  	v3 =	vor.u32 v3, v4  }
0x186: {  	v4 =	vperm.xlane v3, v0;
	_ =	sdelay $0x1  }
0x187: {  	v3 =	vperm.xlane v3, v2;
	v4 =	vadd.s32 v1, v4;
	_ =	sdelay $0x1  }
0x188: {  	v3 =	vadd.s32 v1, v3;
	_ =	sdelay $0x1  }
0x189: {  	s24 =	simm.s32 $0xE100  }
0x18a: {  	[tilespmem:s24], [sflag:$0x2] =	stream.indirect_vreg.gather [hbm4b:s3+s2], $0x80, v4, vm0, $0xb8;
	[tilespmem:$0x10100] =	vst v63  }
0x18b: {  	s25 =	simm.s32 $0xE900  }
0x18c: {  	[tilespmem:s25], [sflag:$0x2] =	stream.indirect_vreg.gather [hbm4b:s3+s2], $0x80, v3, vm0, $0xb8;
	[tilespmem:$0x10100] =	vst v63  }
0x18d: {  	v3 =	vld [tilespmem:$0xF0];
	_ =	sdelay $0x4  }
0x18e: {  	v31 =	vshll.u32 v3, $0x1  }
0x18f: {  	v3 =	vand.u32 $0x7, v3;
	v4 =	vand.u32 $0xFFFFFFF0, v31  }
0x190: {  	v3 =	vor.u32 v3, v4  }
0x191: {  	v4 =	vperm.xlane v3, v0;
	_ =	sdelay $0x1  }
0x192: {  	v3 =	vperm.xlane v3, v2;
	v4 =	vadd.s32 v1, v4;
	_ =	sdelay $0x1  }
0x193: {  	v3 =	vadd.s32 v1, v3;
	_ =	sdelay $0x1  }
0x194: {  	s20 =	simm.s32 $0xF100  }
0x195: {  	[tilespmem:s20], [sflag:$0x2] =	stream.indirect_vreg.gather [hbm4b:s3+s2], $0x80, v4, vm0, $0xb8;
	[tilespmem:$0x10100] =	vst v63  }
0x196: {  	s18 =	simm.s32 $0xF900  }
0x197: {  	[tilespmem:s18], [sflag:$0x2] =	stream.indirect_vreg.gather [hbm4b:s3+s2], $0x80, v3, vm0, $0xb8;
	[tilespmem:$0x10100] =	vst v63  }
0x198: {  	_ =	swait.ge [sflag:s13], $0x8000  }
0x199: {  	[sflag:s13] =	ssyncset.done $0x0  }
0x19a: {  	s25 =	rddreg [dreg:$0x9];
	[sflag:s13] =	ssyncadd.s32 $0xFFFF8000  }
0x19b: {  	[hbm4b:s25+s2] =	stream.linear.scatter [tilespmem:s29], [sflag:$0x3], $0x8000, $0x38;
	[tilespmem:$0x10100] =	vst v63  }
0x19c: {  	_ =	swait.ge [sflag:s5], $0x8000  }
0x19d: {  	[sflag:s5] =	ssyncset.done $0x0  }
0x19e: {  	s18 =	rddreg [dreg:$0xa];
	[sflag:s5] =	ssyncadd.s32 $0xFFFF8000  }
0x19f: {  	[tilespmem:s2], [sflag:$0x3] =	stream.linear.gather [hbm4b:s18+s2], $0x80, $0x38;
	[tilespmem:$0x10100] =	vst v63  }
0x1a0: {  	_ =	swait.ge [sflag:s5], $0x80  }
0x1a1: {  	[sflag:s5] =	ssyncset.done $0x0  }
0x1a2: {  	[sflag:s5] =	ssyncadd.s32 $0xFFFFFF80  }
0x1a3: {  	v3 =	vld [tilespmem:$0x0];
	_ =	sdelay $0x4  }
0x1a4: {  	v32 =	vshll.u32 v3, $0x1  }
0x1a5: {  	v3 =	vand.u32 $0x7, v3;
	v4 =	vand.u32 $0xFFFFFFF0, v32  }
0x1a6: {  	v3 =	vor.u32 v3, v4  }
0x1a7: {  	v4 =	vperm.xlane v3, v0;
	_ =	sdelay $0x1  }
0x1a8: {  	v3 =	vperm.xlane v3, v2;
	v4 =	vadd.s32 v1, v4;
	_ =	sdelay $0x1  }
0x1a9: {  	v3 =	vadd.s32 v1, v3;
	_ =	sdelay $0x2  }
0x1aa: {  	[tilespmem:s29], [sflag:$0x1] =	stream.indirect_vreg.gather [hbm4b:s3+s2], $0x80, v4, vm0, $0xb8;
	[tilespmem:$0x10100] =	vst v63  }
0x1ab: {  	s20 =	simm.s32 $0x900  }
0x1ac: {  	[tilespmem:s20], [sflag:$0x1] =	stream.indirect_vreg.gather [hbm4b:s3+s2], $0x80, v3, vm0, $0xb8;
	[tilespmem:$0x10100] =	vst v63  }
0x1ad: {  	v3 =	vld [tilespmem:$0x10];
	_ =	sdelay $0x4  }
0x1ae: {  	v33 =	vshll.u32 v3, $0x1  }
0x1af: {  	v3 =	vand.u32 $0x7, v3;
	v4 =	vand.u32 $0xFFFFFFF0, v33  }
0x1b0: {  	v3 =	vor.u32 v3, v4  }
0x1b1: {  	v4 =	vperm.xlane v3, v0;
	_ =	sdelay $0x1  }
0x1b2: {  	v3 =	vperm.xlane v3, v2;
	v4 =	vadd.s32 v1, v4;
	_ =	sdelay $0x1  }
0x1b3: {  	v3 =	vadd.s32 v1, v3;
	_ =	sdelay $0x1  }
0x1b4: {  	s25 =	simm.s32 $0x1100  }
0x1b5: {  	[tilespmem:s25], [sflag:$0x1] =	stream.indirect_vreg.gather [hbm4b:s3+s2], $0x80, v4, vm0, $0xb8;
	[tilespmem:$0x10100] =	vst v63  }
0x1b6: {  	_ = 	snop  }
0x1b7: {  	[tilespmem:s22], [sflag:$0x1] =	stream.indirect_vreg.gather [hbm4b:s3+s2], $0x80, v3, vm0, $0xb8;
	[tilespmem:$0x10100] =	vst v63  }
0x1b8: {  	v3 =	vld [tilespmem:$0x20];
	_ =	sdelay $0x4  }
0x1b9: {  	v34 =	vshll.u32 v3, $0x1  }
0x1ba: {  	v3 =	vand.u32 $0x7, v3;
	v4 =	vand.u32 $0xFFFFFFF0, v34  }
0x1bb: {  	v3 =	vor.u32 v3, v4  }
0x1bc: {  	v4 =	vperm.xlane v3, v0;
	_ =	sdelay $0x1  }
0x1bd: {  	v3 =	vperm.xlane v3, v2;
	v4 =	vadd.s32 v1, v4;
	_ =	sdelay $0x1  }
0x1be: {  	v3 =	vadd.s32 v1, v3;
	_ =	sdelay $0x1  }
0x1bf: {  	s18 =	simm.s32 $0x2100  }
0x1c0: {  	[tilespmem:s18], [sflag:$0x1] =	stream.indirect_vreg.gather [hbm4b:s3+s2], $0x80, v4, vm0, $0xb8;
	[tilespmem:$0x10100] =	vst v63  }
0x1c1: {  	s22 =	simm.s32 $0x2900  }
0x1c2: {  	[tilespmem:s22], [sflag:$0x1] =	stream.indirect_vreg.gather [hbm4b:s3+s2], $0x80, v3, vm0, $0xb8;
	[tilespmem:$0x10100] =	vst v63  }
0x1c3: {  	v3 =	vld [tilespmem:$0x30];
	_ =	sdelay $0x4  }
0x1c4: {  	v35 =	vshll.u32 v3, $0x1  }
0x1c5: {  	v3 =	vand.u32 $0x7, v3;
	v4 =	vand.u32 $0xFFFFFFF0, v35  }
0x1c6: {  	v3 =	vor.u32 v3, v4  }
0x1c7: {  	v4 =	vperm.xlane v3, v0;
	_ =	sdelay $0x1  }
0x1c8: {  	v3 =	vperm.xlane v3, v2;
	v4 =	vadd.s32 v1, v4;
	_ =	sdelay $0x1  }
0x1c9: {  	v3 =	vadd.s32 v1, v3;
	_ =	sdelay $0x1  }
0x1ca: {  	s25 =	simm.s32 $0x3100  }
0x1cb: {  	[tilespmem:s25], [sflag:$0x1] =	stream.indirect_vreg.gather [hbm4b:s3+s2], $0x80, v4, vm0, $0xb8;
	[tilespmem:$0x10100] =	vst v63  }
0x1cc: {  	_ = 	snop  }
0x1cd: {  	[tilespmem:s26], [sflag:$0x1] =	stream.indirect_vreg.gather [hbm4b:s3+s2], $0x80, v3, vm0, $0xb8;
	[tilespmem:$0x10100] =	vst v63  }
0x1ce: {  	v3 =	vld [tilespmem:$0x40];
	_ =	sdelay $0x4  }
0x1cf: {  	v36 =	vshll.u32 v3, $0x1  }
0x1d0: {  	v3 =	vand.u32 $0x7, v3;
	v4 =	vand.u32 $0xFFFFFFF0, v36  }
0x1d1: {  	v3 =	vor.u32 v3, v4  }
0x1d2: {  	v4 =	vperm.xlane v3, v0;
	_ =	sdelay $0x1  }
0x1d3: {  	v3 =	vperm.xlane v3, v2;
	v4 =	vadd.s32 v1, v4;
	_ =	sdelay $0x1  }
0x1d4: {  	v3 =	vadd.s32 v1, v3;
	_ =	sdelay $0x2  }
0x1d5: {  	[tilespmem:s8], [sflag:$0x1] =	stream.indirect_vreg.gather [hbm4b:s3+s2], $0x80, v4, vm0, $0xb8;
	[tilespmem:$0x10100] =	vst v63  }
0x1d6: {  	s18 =	simm.s32 $0x4900  }
0x1d7: {  	[tilespmem:s18], [sflag:$0x1] =	stream.indirect_vreg.gather [hbm4b:s3+s2], $0x80, v3, vm0, $0xb8;
	[tilespmem:$0x10100] =	vst v63  }
0x1d8: {  	v3 =	vld [tilespmem:$0x50];
	_ =	sdelay $0x4  }
0x1d9: {  	v37 =	vshll.u32 v3, $0x1  }
0x1da: {  	v3 =	vand.u32 $0x7, v3;
	v4 =	vand.u32 $0xFFFFFFF0, v37  }
0x1db: {  	v3 =	vor.u32 v3, v4  }
0x1dc: {  	v4 =	vperm.xlane v3, v0;
	_ =	sdelay $0x1  }
0x1dd: {  	v3 =	vperm.xlane v3, v2;
	v4 =	vadd.s32 v1, v4;
	_ =	sdelay $0x1  }
0x1de: {  	v3 =	vadd.s32 v1, v3;
	_ =	sdelay $0x2  }
0x1df: {  	[tilespmem:s9], [sflag:$0x1] =	stream.indirect_vreg.gather [hbm4b:s3+s2], $0x80, v4, vm0, $0xb8;
	[tilespmem:$0x10100] =	vst v63  }
0x1e0: {  	_ = 	snop  }
0x1e1: {  	[tilespmem:s11], [sflag:$0x1] =	stream.indirect_vreg.gather [hbm4b:s3+s2], $0x80, v3, vm0, $0xb8;
	[tilespmem:$0x10100] =	vst v63  }
0x1e2: {  	v3 =	vld [tilespmem:$0x60];
	_ =	sdelay $0x4  }
0x1e3: {  	v38 =	vshll.u32 v3, $0x1  }
0x1e4: {  	v3 =	vand.u32 $0x7, v3;
	v4 =	vand.u32 $0xFFFFFFF0, v38  }
0x1e5: {  	v3 =	vor.u32 v3, v4  }
0x1e6: {  	v4 =	vperm.xlane v3, v0;
	_ =	sdelay $0x1  }
0x1e7: {  	v3 =	vperm.xlane v3, v2;
	v4 =	vadd.s32 v1, v4;
	_ =	sdelay $0x1  }
0x1e8: {  	v3 =	vadd.s32 v1, v3;
	_ =	sdelay $0x2  }
0x1e9: {  	[tilespmem:s10], [sflag:$0x1] =	stream.indirect_vreg.gather [hbm4b:s3+s2], $0x80, v4, vm0, $0xb8;
	[tilespmem:$0x10100] =	vst v63  }
0x1ea: {  	_ = 	snop  }
0x1eb: {  	[tilespmem:s12], [sflag:$0x1] =	stream.indirect_vreg.gather [hbm4b:s3+s2], $0x80, v3, vm0, $0xb8;
	[tilespmem:$0x10100] =	vst v63  }
0x1ec: {  	v3 =	vld [tilespmem:$0x70];
	_ =	sdelay $0x4  }
0x1ed: {  	v39 =	vshll.u32 v3, $0x1  }
0x1ee: {  	v3 =	vand.u32 $0x7, v3;
	v4 =	vand.u32 $0xFFFFFFF0, v39  }
0x1ef: {  	v3 =	vor.u32 v3, v4  }
0x1f0: {  	v4 =	vperm.xlane v3, v0;
	_ =	sdelay $0x1  }
0x1f1: {  	v3 =	vperm.xlane v3, v2;
	v4 =	vadd.s32 v1, v4;
	_ =	sdelay $0x1  }
0x1f2: {  	v3 =	vadd.s32 v1, v3;
	_ =	sdelay $0x2  }
0x1f3: {  	[tilespmem:s16], [sflag:$0x1] =	stream.indirect_vreg.gather [hbm4b:s3+s2], $0x80, v4, vm0, $0xb8;
	[tilespmem:$0x10100] =	vst v63  }
0x1f4: {  	_ = 	snop  }
0x1f5: {  	[tilespmem:s17], [sflag:$0x1] =	stream.indirect_vreg.gather [hbm4b:s3+s2], $0x80, v3, vm0, $0xb8;
	[tilespmem:$0x10100] =	vst v63  }
0x1f6: {  	_ =	swait.ge [sflag:s14], $0x8000  }
0x1f7: {  	[sflag:s14] =	ssyncset.done $0x0  }
0x1f8: {  	s25 =	rddreg [dreg:$0xb];
	[sflag:s14] =	ssyncadd.s32 $0xFFFF8000  }
0x1f9: {  	[hbm4b:s25+s2] =	stream.linear.scatter [tilespmem:s23], [sflag:$0x3], $0x8000, $0x38;
	[tilespmem:$0x10100] =	vst v63  }
0x1fa: {  	_ =	swait.ge [sflag:s5], $0x8000  }
0x1fb: {  	[sflag:s5] =	ssyncset.done $0x0  }
0x1fc: {  	s26 =	rddreg [dreg:$0xc];
	[sflag:s5] =	ssyncadd.s32 $0xFFFF8000  }
0x1fd: {  	[tilespmem:s1], [sflag:$0x3] =	stream.linear.gather [hbm4b:s26+s2], $0x80, $0x38;
	[tilespmem:$0x10100] =	vst v63  }
0x1fe: {  	_ =	swait.ge [sflag:s5], $0x80  }
0x1ff: {  	[sflag:s5] =	ssyncset.done $0x0  }
0x200: {  	[sflag:s5] =	ssyncadd.s32 $0xFFFFFF80  }
0x201: {  	v3 =	vld [tilespmem:$0x80];
	_ =	sdelay $0x4  }
0x202: {  	v40 =	vshll.u32 v3, $0x1  }
0x203: {  	v3 =	vand.u32 $0x7, v3;
	v4 =	vand.u32 $0xFFFFFFF0, v40  }
0x204: {  	v3 =	vor.u32 v3, v4  }
0x205: {  	v4 =	vperm.xlane v3, v0;
	_ =	sdelay $0x1  }
0x206: {  	v3 =	vperm.xlane v3, v2;
	v4 =	vadd.s32 v1, v4;
	_ =	sdelay $0x1  }
0x207: {  	v3 =	vadd.s32 v1, v3;
	_ =	sdelay $0x2  }
0x208: {  	[tilespmem:s23], [sflag:$0x2] =	stream.indirect_vreg.gather [hbm4b:s3+s2], $0x80, v4, vm0, $0xb8;
	[tilespmem:$0x10100] =	vst v63  }
0x209: {  	_ = 	snop  }
0x20a: {  	[tilespmem:s6], [sflag:$0x2] =	stream.indirect_vreg.gather [hbm4b:s3+s2], $0x80, v3, vm0, $0xb8;
	[tilespmem:$0x10100] =	vst v63  }
0x20b: {  	v3 =	vld [tilespmem:$0x90];
	_ =	sdelay $0x4  }
0x20c: {  	v41 =	vshll.u32 v3, $0x1  }
0x20d: {  	v3 =	vand.u32 $0x7, v3;
	v4 =	vand.u32 $0xFFFFFFF0, v41  }
0x20e: {  	v3 =	vor.u32 v3, v4  }
0x20f: {  	v4 =	vperm.xlane v3, v0;
	_ =	sdelay $0x1  }
0x210: {  	v3 =	vperm.xlane v3, v2;
	v4 =	vadd.s32 v1, v4;
	_ =	sdelay $0x1  }
0x211: {  	v3 =	vadd.s32 v1, v3;
	_ =	sdelay $0x2  }
0x212: {  	[tilespmem:s0], [sflag:$0x2] =	stream.indirect_vreg.gather [hbm4b:s3+s2], $0x80, v4, vm0, $0xb8;
	[tilespmem:$0x10100] =	vst v63  }
0x213: {  	_ = 	snop  }
0x214: {  	[tilespmem:s7], [sflag:$0x2] =	stream.indirect_vreg.gather [hbm4b:s3+s2], $0x80, v3, vm0, $0xb8;
	[tilespmem:$0x10100] =	vst v63  }
0x215: {  	v3 =	vld [tilespmem:$0xA0];
	_ =	sdelay $0x4  }
0x216: {  	v42 =	vshll.u32 v3, $0x1  }
0x217: {  	v3 =	vand.u32 $0x7, v3;
	v4 =	vand.u32 $0xFFFFFFF0, v42  }
0x218: {  	v3 =	vor.u32 v3, v4  }
0x219: {  	v4 =	vperm.xlane v3, v0;
	_ =	sdelay $0x1  }
0x21a: {  	v3 =	vperm.xlane v3, v2;
	v4 =	vadd.s32 v1, v4;
	_ =	sdelay $0x1  }
0x21b: {  	v3 =	vadd.s32 v1, v3;
	_ =	sdelay $0x1  }
0x21c: {  	s28 =	simm.s32 $0xA100  }
0x21d: {  	[tilespmem:s28], [sflag:$0x2] =	stream.indirect_vreg.gather [hbm4b:s3+s2], $0x80, v4, vm0, $0xb8;
	[tilespmem:$0x10100] =	vst v63  }
0x21e: {  	_ = 	snop  }
0x21f: {  	[tilespmem:s19], [sflag:$0x2] =	stream.indirect_vreg.gather [hbm4b:s3+s2], $0x80, v3, vm0, $0xb8;
	[tilespmem:$0x10100] =	vst v63  }
0x220: {  	v3 =	vld [tilespmem:$0xB0];
	_ =	sdelay $0x4  }
0x221: {  	v43 =	vshll.u32 v3, $0x1  }
0x222: {  	v3 =	vand.u32 $0x7, v3;
	v4 =	vand.u32 $0xFFFFFFF0, v43  }
0x223: {  	v3 =	vor.u32 v3, v4  }
0x224: {  	v4 =	vperm.xlane v3, v0;
	_ =	sdelay $0x1  }
0x225: {  	v3 =	vperm.xlane v3, v2;
	v4 =	vadd.s32 v1, v4;
	_ =	sdelay $0x1  }
0x226: {  	v3 =	vadd.s32 v1, v3;
	_ =	sdelay $0x1  }
0x227: {  	s31 =	simm.s32 $0xB100  }
0x228: {  	[tilespmem:s31], [sflag:$0x2] =	stream.indirect_vreg.gather [hbm4b:s3+s2], $0x80, v4, vm0, $0xb8;
	[tilespmem:$0x10100] =	vst v63  }
0x229: {  	s30 =	simm.s32 $0xB900  }
0x22a: {  	[tilespmem:s30], [sflag:$0x2] =	stream.indirect_vreg.gather [hbm4b:s3+s2], $0x80, v3, vm0, $0xb8;
	[tilespmem:$0x10100] =	vst v63  }
0x22b: {  	v3 =	vld [tilespmem:$0xC0];
	_ =	sdelay $0x4  }
0x22c: {  	v44 =	vshll.u32 v3, $0x1  }
0x22d: {  	v3 =	vand.u32 $0x7, v3;
	v4 =	vand.u32 $0xFFFFFFF0, v44  }
0x22e: {  	v3 =	vor.u32 v3, v4  }
0x22f: {  	v4 =	vperm.xlane v3, v0;
	_ =	sdelay $0x1  }
0x230: {  	v3 =	vperm.xlane v3, v2;
	v4 =	vadd.s32 v1, v4;
	_ =	sdelay $0x1  }
0x231: {  	v3 =	vadd.s32 v1, v3;
	_ =	sdelay $0x1  }
0x232: {  	s31 =	simm.s32 $0xC100  }
0x233: {  	[tilespmem:s31], [sflag:$0x2] =	stream.indirect_vreg.gather [hbm4b:s3+s2], $0x80, v4, vm0, $0xb8;
	[tilespmem:$0x10100] =	vst v63  }
0x234: {  	s19 =	simm.s32 $0xC900  }
0x235: {  	[tilespmem:s19], [sflag:$0x2] =	stream.indirect_vreg.gather [hbm4b:s3+s2], $0x80, v3, vm0, $0xb8;
	[tilespmem:$0x10100] =	vst v63  }
0x236: {  	v3 =	vld [tilespmem:$0xD0];
	_ =	sdelay $0x4  }
0x237: {  	v45 =	vshll.u32 v3, $0x1  }
0x238: {  	v3 =	vand.u32 $0x7, v3;
	v4 =	vand.u32 $0xFFFFFFF0, v45  }
0x239: {  	v3 =	vor.u32 v3, v4  }
0x23a: {  	v4 =	vperm.xlane v3, v0;
	_ =	sdelay $0x1  }
0x23b: {  	v3 =	vperm.xlane v3, v2;
	v4 =	vadd.s32 v1, v4;
	_ =	sdelay $0x1  }
0x23c: {  	v3 =	vadd.s32 v1, v3;
	_ =	sdelay $0x1  }
0x23d: {  	s21 =	simm.s32 $0xD100  }
0x23e: {  	[tilespmem:s21], [sflag:$0x2] =	stream.indirect_vreg.gather [hbm4b:s3+s2], $0x80, v4, vm0, $0xb8;
	[tilespmem:$0x10100] =	vst v63  }
0x23f: {  	s21 =	simm.s32 $0xD900  }
0x240: {  	[tilespmem:s21], [sflag:$0x2] =	stream.indirect_vreg.gather [hbm4b:s3+s2], $0x80, v3, vm0, $0xb8;
	[tilespmem:$0x10100] =	vst v63  }
0x241: {  	v3 =	vld [tilespmem:$0xE0];
	_ =	sdelay $0x4  }
0x242: {  	v46 =	vshll.u32 v3, $0x1  }
0x243: {  	v3 =	vand.u32 $0x7, v3;
	v4 =	vand.u32 $0xFFFFFFF0, v46  }
0x244: {  	v3 =	vor.u32 v3, v4  }
0x245: {  	v4 =	vperm.xlane v3, v0;
	_ =	sdelay $0x1  }
0x246: {  	v3 =	vperm.xlane v3, v2;
	v4 =	vadd.s32 v1, v4;
	_ =	sdelay $0x1  }
0x247: {  	v3 =	vadd.s32 v1, v3;
	_ =	sdelay $0x1  }
0x248: {  	s24 =	simm.s32 $0xE100  }
0x249: {  	[tilespmem:s24], [sflag:$0x2] =	stream.indirect_vreg.gather [hbm4b:s3+s2], $0x80, v4, vm0, $0xb8;
	[tilespmem:$0x10100] =	vst v63  }
0x24a: {  	s24 =	simm.s32 $0xE900  }
0x24b: {  	[tilespmem:s24], [sflag:$0x2] =	stream.indirect_vreg.gather [hbm4b:s3+s2], $0x80, v3, vm0, $0xb8;
	[tilespmem:$0x10100] =	vst v63  }
0x24c: {  	v3 =	vld [tilespmem:$0xF0];
	_ =	sdelay $0x4  }
0x24d: {  	v47 =	vshll.u32 v3, $0x1  }
0x24e: {  	v3 =	vand.u32 $0x7, v3;
	v4 =	vand.u32 $0xFFFFFFF0, v47  }
0x24f: {  	v3 =	vor.u32 v3, v4  }
0x250: {  	v4 =	vperm.xlane v3, v0;
	_ =	sdelay $0x1  }
0x251: {  	v3 =	vperm.xlane v3, v2;
	v4 =	vadd.s32 v1, v4;
	_ =	sdelay $0x1  }
0x252: {  	v3 =	vadd.s32 v1, v3;
	_ =	sdelay $0x1  }
0x253: {  	s24 =	simm.s32 $0xF100  }
0x254: {  	[tilespmem:s24], [sflag:$0x2] =	stream.indirect_vreg.gather [hbm4b:s3+s2], $0x80, v4, vm0, $0xb8;
	[tilespmem:$0x10100] =	vst v63  }
0x255: {  	s15 =	simm.s32 $0xF900  }
0x256: {  	[tilespmem:s15], [sflag:$0x2] =	stream.indirect_vreg.gather [hbm4b:s3+s2], $0x80, v3, vm0, $0xb8;
	[tilespmem:$0x10100] =	vst v63  }
0x257: {  	_ =	swait.ge [sflag:s13], $0x8000  }
0x258: {  	[sflag:s13] =	ssyncset.done $0x0  }
0x259: {  	s15 =	rddreg [dreg:$0xd];
	[sflag:s13] =	ssyncadd.s32 $0xFFFF8000  }
0x25a: {  	[hbm4b:s15+s2] =	stream.linear.scatter [tilespmem:s29], [sflag:$0x3], $0x8000, $0x38;
	[tilespmem:$0x10100] =	vst v63  }
0x25b: {  	_ =	swait.ge [sflag:s5], $0x8000  }
0x25c: {  	[sflag:s5] =	ssyncset.done $0x0  }
0x25d: {  	s15 =	rddreg [dreg:$0xe];
	[sflag:s5] =	ssyncadd.s32 $0xFFFF8000  }
0x25e: {  	[tilespmem:s2], [sflag:$0x3] =	stream.linear.gather [hbm4b:s15+s2], $0x80, $0x38;
	[tilespmem:$0x10100] =	vst v63  }
0x25f: {  	_ =	swait.ge [sflag:s5], $0x80  }
0x260: {  	[sflag:s5] =	ssyncset.done $0x0  }
0x261: {  	[sflag:s5] =	ssyncadd.s32 $0xFFFFFF80  }
0x262: {  	v3 =	vld [tilespmem:$0x0];
	_ =	sdelay $0x4  }
0x263: {  	v48 =	vshll.u32 v3, $0x1  }
0x264: {  	v3 =	vand.u32 $0x7, v3;
	v4 =	vand.u32 $0xFFFFFFF0, v48  }
0x265: {  	v3 =	vor.u32 v3, v4  }
0x266: {  	v4 =	vperm.xlane v3, v0;
	_ =	sdelay $0x1  }
0x267: {  	v3 =	vperm.xlane v3, v2;
	v4 =	vadd.s32 v1, v4;
	_ =	sdelay $0x1  }
0x268: {  	v3 =	vadd.s32 v1, v3;
	_ =	sdelay $0x2  }
0x269: {  	[tilespmem:s29], [sflag:$0x1] =	stream.indirect_vreg.gather [hbm4b:s3+s2], $0x80, v4, vm0, $0xb8;
	[tilespmem:$0x10100] =	vst v63  }
0x26a: {  	s15 =	simm.s32 $0x900  }
0x26b: {  	[tilespmem:s15], [sflag:$0x1] =	stream.indirect_vreg.gather [hbm4b:s3+s2], $0x80, v3, vm0, $0xb8;
	[tilespmem:$0x10100] =	vst v63  }
0x26c: {  	v3 =	vld [tilespmem:$0x10];
	_ =	sdelay $0x4  }
0x26d: {  	v49 =	vshll.u32 v3, $0x1  }
0x26e: {  	v3 =	vand.u32 $0x7, v3;
	v4 =	vand.u32 $0xFFFFFFF0, v49  }
0x26f: {  	v3 =	vor.u32 v3, v4  }
0x270: {  	v4 =	vperm.xlane v3, v0;
	_ =	sdelay $0x1  }
0x271: {  	v3 =	vperm.xlane v3, v2;
	v4 =	vadd.s32 v1, v4;
	_ =	sdelay $0x1  }
0x272: {  	v3 =	vadd.s32 v1, v3;
	_ =	sdelay $0x1  }
0x273: {  	s15 =	simm.s32 $0x1100  }
0x274: {  	[tilespmem:s15], [sflag:$0x1] =	stream.indirect_vreg.gather [hbm4b:s3+s2], $0x80, v4, vm0, $0xb8;
	[tilespmem:$0x10100] =	vst v63  }
0x275: {  	s20 =	simm.s32 $0x1900  }
0x276: {  	[tilespmem:s20], [sflag:$0x1] =	stream.indirect_vreg.gather [hbm4b:s3+s2], $0x80, v3, vm0, $0xb8;
	[tilespmem:$0x10100] =	vst v63  }
0x277: {  	v3 =	vld [tilespmem:$0x20];
	_ =	sdelay $0x4  }
0x278: {  	v50 =	vshll.u32 v3, $0x1  }
0x279: {  	v3 =	vand.u32 $0x7, v3;
	v4 =	vand.u32 $0xFFFFFFF0, v50  }
0x27a: {  	v3 =	vor.u32 v3, v4  }
0x27b: {  	v4 =	vperm.xlane v3, v0;
	_ =	sdelay $0x1  }
0x27c: {  	v3 =	vperm.xlane v3, v2;
	v4 =	vadd.s32 v1, v4;
	_ =	sdelay $0x1  }
0x27d: {  	v3 =	vadd.s32 v1, v3;
	_ =	sdelay $0x1  }
0x27e: {  	s20 =	simm.s32 $0x2100  }
0x27f: {  	[tilespmem:s20], [sflag:$0x1] =	stream.indirect_vreg.gather [hbm4b:s3+s2], $0x80, v4, vm0, $0xb8;
	[tilespmem:$0x10100] =	vst v63  }
0x280: {  	s20 =	simm.s32 $0x2900  }
0x281: {  	[tilespmem:s20], [sflag:$0x1] =	stream.indirect_vreg.gather [hbm4b:s3+s2], $0x80, v3, vm0, $0xb8;
	[tilespmem:$0x10100] =	vst v63  }
0x282: {  	v3 =	vld [tilespmem:$0x30];
	_ =	sdelay $0x4  }
0x283: {  	v51 =	vshll.u32 v3, $0x1  }
0x284: {  	v3 =	vand.u32 $0x7, v3;
	v4 =	vand.u32 $0xFFFFFFF0, v51  }
0x285: {  	v3 =	vor.u32 v3, v4  }
0x286: {  	v4 =	vperm.xlane v3, v0;
	_ =	sdelay $0x1  }
0x287: {  	v3 =	vperm.xlane v3, v2;
	v4 =	vadd.s32 v1, v4;
	_ =	sdelay $0x1  }
0x288: {  	v3 =	vadd.s32 v1, v3;
	_ =	sdelay $0x1  }
0x289: {  	s20 =	simm.s32 $0x3100  }
0x28a: {  	[tilespmem:s20], [sflag:$0x1] =	stream.indirect_vreg.gather [hbm4b:s3+s2], $0x80, v4, vm0, $0xb8;
	[tilespmem:$0x10100] =	vst v63  }
0x28b: {  	s22 =	simm.s32 $0x3900  }
0x28c: {  	[tilespmem:s22], [sflag:$0x1] =	stream.indirect_vreg.gather [hbm4b:s3+s2], $0x80, v3, vm0, $0xb8;
	[tilespmem:$0x10100] =	vst v63  }
0x28d: {  	v3 =	vld [tilespmem:$0x40];
	_ =	sdelay $0x4  }
0x28e: {  	v52 =	vshll.u32 v3, $0x1  }
0x28f: {  	v3 =	vand.u32 $0x7, v3;
	v4 =	vand.u32 $0xFFFFFFF0, v52  }
0x290: {  	v3 =	vor.u32 v3, v4  }
0x291: {  	v4 =	vperm.xlane v3, v0;
	_ =	sdelay $0x1  }
0x292: {  	v3 =	vperm.xlane v3, v2;
	v4 =	vadd.s32 v1, v4;
	_ =	sdelay $0x1  }
0x293: {  	v3 =	vadd.s32 v1, v3;
	_ =	sdelay $0x1  }
0x294: {  	s8 =	simm.s32 $0x4100  }
0x295: {  	[tilespmem:s8], [sflag:$0x1] =	stream.indirect_vreg.gather [hbm4b:s3+s2], $0x80, v4, vm0, $0xb8;
	[tilespmem:$0x10100] =	vst v63  }
0x296: {  	s15 =	simm.s32 $0x4900  }
0x297: {  	[tilespmem:s15], [sflag:$0x1] =	stream.indirect_vreg.gather [hbm4b:s3+s2], $0x80, v3, vm0, $0xb8;
	[tilespmem:$0x10100] =	vst v63  }
0x298: {  	v3 =	vld [tilespmem:$0x50];
	_ =	sdelay $0x4  }
0x299: {  	v53 =	vshll.u32 v3, $0x1  }
0x29a: {  	v3 =	vand.u32 $0x7, v3;
	v4 =	vand.u32 $0xFFFFFFF0, v53  }
0x29b: {  	v3 =	vor.u32 v3, v4  }
0x29c: {  	v4 =	vperm.xlane v3, v0;
	_ =	sdelay $0x1  }
0x29d: {  	v3 =	vperm.xlane v3, v2;
	v4 =	vadd.s32 v1, v4;
	_ =	sdelay $0x1  }
0x29e: {  	v3 =	vadd.s32 v1, v3;
	_ =	sdelay $0x1  }
0x29f: {  	s9 =	simm.s32 $0x5100  }
0x2a0: {  	[tilespmem:s9], [sflag:$0x1] =	stream.indirect_vreg.gather [hbm4b:s3+s2], $0x80, v4, vm0, $0xb8;
	[tilespmem:$0x10100] =	vst v63  }
0x2a1: {  	s11 =	simm.s32 $0x5900  }
0x2a2: {  	[tilespmem:s11], [sflag:$0x1] =	stream.indirect_vreg.gather [hbm4b:s3+s2], $0x80, v3, vm0, $0xb8;
	[tilespmem:$0x10100] =	vst v63  }
0x2a3: {  	v3 =	vld [tilespmem:$0x60];
	_ =	sdelay $0x4  }
0x2a4: {  	v54 =	vshll.u32 v3, $0x1  }
0x2a5: {  	v3 =	vand.u32 $0x7, v3;
	v4 =	vand.u32 $0xFFFFFFF0, v54  }
0x2a6: {  	v3 =	vor.u32 v3, v4  }
0x2a7: {  	v4 =	vperm.xlane v3, v0;
	_ =	sdelay $0x1  }
0x2a8: {  	v3 =	vperm.xlane v3, v2;
	v4 =	vadd.s32 v1, v4;
	_ =	sdelay $0x1  }
0x2a9: {  	v3 =	vadd.s32 v1, v3;
	_ =	sdelay $0x1  }
0x2aa: {  	s18 =	simm.s32 $0x6100  }
0x2ab: {  	[tilespmem:s18], [sflag:$0x1] =	stream.indirect_vreg.gather [hbm4b:s3+s2], $0x80, v4, vm0, $0xb8;
	[tilespmem:$0x10100] =	vst v63  }
0x2ac: {  	s12 =	simm.s32 $0x6900  }
0x2ad: {  	[tilespmem:s12], [sflag:$0x1] =	stream.indirect_vreg.gather [hbm4b:s3+s2], $0x80, v3, vm0, $0xb8;
	[tilespmem:$0x10100] =	vst v63  }
0x2ae: {  	v3 =	vld [tilespmem:$0x70];
	_ =	sdelay $0x4  }
0x2af: {  	v55 =	vshll.u32 v3, $0x1  }
0x2b0: {  	v3 =	vand.u32 $0x7, v3;
	v4 =	vand.u32 $0xFFFFFFF0, v55  }
0x2b1: {  	v3 =	vor.u32 v3, v4  }
0x2b2: {  	v4 =	vperm.xlane v3, v0;
	_ =	sdelay $0x1  }
0x2b3: {  	v3 =	vperm.xlane v3, v2;
	v4 =	vadd.s32 v1, v4;
	_ =	sdelay $0x1  }
0x2b4: {  	v3 =	vadd.s32 v1, v3;
	_ =	sdelay $0x1  }
0x2b5: {  	s16 =	simm.s32 $0x7100  }
0x2b6: {  	[tilespmem:s16], [sflag:$0x1] =	stream.indirect_vreg.gather [hbm4b:s3+s2], $0x80, v4, vm0, $0xb8;
	[tilespmem:$0x10100] =	vst v63  }
0x2b7: {  	s17 =	simm.s32 $0x7900  }
0x2b8: {  	[tilespmem:s17], [sflag:$0x1] =	stream.indirect_vreg.gather [hbm4b:s3+s2], $0x80, v3, vm0, $0xb8;
	[tilespmem:$0x10100] =	vst v63  }
0x2b9: {  	_ =	swait.ge [sflag:s14], $0x8000  }
0x2ba: {  	[sflag:s14] =	ssyncset.done $0x0  }
0x2bb: {  	s20 =	rddreg [dreg:$0xf];
	[sflag:s14] =	ssyncadd.s32 $0xFFFF8000  }
0x2bc: {  	[hbm4b:s20+s2] =	stream.linear.scatter [tilespmem:s23], [sflag:$0x3], $0x8000, $0x38;
	[tilespmem:$0x10100] =	vst v63  }
0x2bd: {  	_ =	swait.ge [sflag:s5], $0x8000  }
0x2be: {  	[sflag:s5] =	ssyncset.done $0x0  }
0x2bf: {  	s1 =	simm.s32 $0x80;
	s22 =	rddreg [dreg:$0x10];
	[sflag:s5] =	ssyncadd.s32 $0xFFFF8000  }
0x2c0: {  	[tilespmem:s1], [sflag:$0x3] =	stream.linear.gather [hbm4b:s22+s2], $0x80, $0x38;
	[tilespmem:$0x10100] =	vst v63  }
0x2c1: {  	_ =	swait.ge [sflag:s5], $0x80  }
0x2c2: {  	[sflag:s5] =	ssyncset.done $0x0  }
0x2c3: {  	[sflag:s5] =	ssyncadd.s32 $0xFFFFFF80  }
0x2c4: {  	v3 =	vld [tilespmem:$0x80];
	_ =	sdelay $0x4  }
0x2c5: {  	v56 =	vshll.u32 v3, $0x1  }
0x2c6: {  	v3 =	vand.u32 $0x7, v3;
	v4 =	vand.u32 $0xFFFFFFF0, v56  }
0x2c7: {  	v3 =	vor.u32 v3, v4  }
0x2c8: {  	v4 =	vperm.xlane v3, v0;
	_ =	sdelay $0x1  }
0x2c9: {  	v3 =	vperm.xlane v3, v2;
	v4 =	vadd.s32 v1, v4;
	_ =	sdelay $0x1  }
0x2ca: {  	v3 =	vadd.s32 v1, v3;
	_ =	sdelay $0x2  }
0x2cb: {  	[tilespmem:s23], [sflag:$0x2] =	stream.indirect_vreg.gather [hbm4b:s3+s2], $0x80, v4, vm0, $0xb8;
	[tilespmem:$0x10100] =	vst v63  }
0x2cc: {  	s6 =	simm.s32 $0x8900  }
0x2cd: {  	[tilespmem:s6], [sflag:$0x2] =	stream.indirect_vreg.gather [hbm4b:s3+s2], $0x80, v3, vm0, $0xb8;
	[tilespmem:$0x10100] =	vst v63  }
0x2ce: {  	v3 =	vld [tilespmem:$0x90];
	_ =	sdelay $0x4  }
0x2cf: {  	v57 =	vshll.u32 v3, $0x1  }
0x2d0: {  	v3 =	vand.u32 $0x7, v3;
	v4 =	vand.u32 $0xFFFFFFF0, v57  }
0x2d1: {  	v3 =	vor.u32 v3, v4  }
0x2d2: {  	v4 =	vperm.xlane v3, v0;
	_ =	sdelay $0x1  }
0x2d3: {  	v3 =	vperm.xlane v3, v2;
	v4 =	vadd.s32 v1, v4;
	_ =	sdelay $0x1  }
0x2d4: {  	v3 =	vadd.s32 v1, v3;
	_ =	sdelay $0x1  }
0x2d5: {  	s0 =	simm.s32 $0x9100  }
0x2d6: {  	[tilespmem:s0], [sflag:$0x2] =	stream.indirect_vreg.gather [hbm4b:s3+s2], $0x80, v4, vm0, $0xb8;
	[tilespmem:$0x10100] =	vst v63  }
0x2d7: {  	s7 =	simm.s32 $0x9900  }
0x2d8: {  	[tilespmem:s7], [sflag:$0x2] =	stream.indirect_vreg.gather [hbm4b:s3+s2], $0x80, v3, vm0, $0xb8;
	[tilespmem:$0x10100] =	vst v63  }
0x2d9: {  	v3 =	vld [tilespmem:$0xA0];
	_ =	sdelay $0x4  }
0x2da: {  	v58 =	vshll.u32 v3, $0x1  }
0x2db: {  	v3 =	vand.u32 $0x7, v3;
	v4 =	vand.u32 $0xFFFFFFF0, v58  }
0x2dc: {  	v3 =	vor.u32 v3, v4  }
0x2dd: {  	v4 =	vperm.xlane v3, v0;
	_ =	sdelay $0x1  }
0x2de: {  	v3 =	vperm.xlane v3, v2;
	v4 =	vadd.s32 v1, v4;
	_ =	sdelay $0x1  }
0x2df: {  	v3 =	vadd.s32 v1, v3;
	_ =	sdelay $0x1  }
0x2e0: {  	s26 =	simm.s32 $0xA100  }
0x2e1: {  	[tilespmem:s26], [sflag:$0x2] =	stream.indirect_vreg.gather [hbm4b:s3+s2], $0x80, v4, vm0, $0xb8;
	[tilespmem:$0x10100] =	vst v63  }
0x2e2: {  	s10 =	simm.s32 $0xA900  }
0x2e3: {  	[tilespmem:s10], [sflag:$0x2] =	stream.indirect_vreg.gather [hbm4b:s3+s2], $0x80, v3, vm0, $0xb8;
	[tilespmem:$0x10100] =	vst v63  }
0x2e4: {  	v3 =	vld [tilespmem:$0xB0];
	_ =	sdelay $0x4  }
0x2e5: {  	v59 =	vshll.u32 v3, $0x1  }
0x2e6: {  	v3 =	vand.u32 $0x7, v3;
	v4 =	vand.u32 $0xFFFFFFF0, v59  }
0x2e7: {  	v3 =	vor.u32 v3, v4  }
0x2e8: {  	v4 =	vperm.xlane v3, v0;
	_ =	sdelay $0x1  }
0x2e9: {  	v3 =	vperm.xlane v3, v2;
	v4 =	vadd.s32 v1, v4;
	_ =	sdelay $0x1  }
0x2ea: {  	v3 =	vadd.s32 v1, v3;
	_ =	sdelay $0x1  }
0x2eb: {  	s25 =	simm.s32 $0xB100  }
0x2ec: {  	[tilespmem:s25], [sflag:$0x2] =	stream.indirect_vreg.gather [hbm4b:s3+s2], $0x80, v4, vm0, $0xb8;
	[tilespmem:$0x10100] =	vst v63  }
0x2ed: {  	s28 =	simm.s32 $0xB900  }
0x2ee: {  	[tilespmem:s28], [sflag:$0x2] =	stream.indirect_vreg.gather [hbm4b:s3+s2], $0x80, v3, vm0, $0xb8;
	[tilespmem:$0x10100] =	vst v63  }
0x2ef: {  	v3 =	vld [tilespmem:$0xC0];
	_ =	sdelay $0x4  }
0x2f0: {  	v60 =	vshll.u32 v3, $0x1  }
0x2f1: {  	v3 =	vand.u32 $0x7, v3;
	v4 =	vand.u32 $0xFFFFFFF0, v60  }
0x2f2: {  	v3 =	vor.u32 v3, v4  }
0x2f3: {  	v4 =	vperm.xlane v3, v0;
	_ =	sdelay $0x1  }
0x2f4: {  	v3 =	vperm.xlane v3, v2;
	v4 =	vadd.s32 v1, v4;
	_ =	sdelay $0x1  }
0x2f5: {  	v3 =	vadd.s32 v1, v3;
	_ =	sdelay $0x1  }
0x2f6: {  	s30 =	simm.s32 $0xC100  }
0x2f7: {  	[tilespmem:s30], [sflag:$0x2] =	stream.indirect_vreg.gather [hbm4b:s3+s2], $0x80, v4, vm0, $0xb8;
	[tilespmem:$0x10100] =	vst v63  }
0x2f8: {  	s31 =	simm.s32 $0xC900  }
0x2f9: {  	[tilespmem:s31], [sflag:$0x2] =	stream.indirect_vreg.gather [hbm4b:s3+s2], $0x80, v3, vm0, $0xb8;
	[tilespmem:$0x10100] =	vst v63  }
0x2fa: {  	v3 =	vld [tilespmem:$0xD0];
	_ =	sdelay $0x4  }
0x2fb: {  	v61 =	vshll.u32 v3, $0x1  }
0x2fc: {  	v3 =	vand.u32 $0x7, v3;
	v4 =	vand.u32 $0xFFFFFFF0, v61  }
0x2fd: {  	v3 =	vor.u32 v3, v4  }
0x2fe: {  	v4 =	vperm.xlane v3, v0;
	_ =	sdelay $0x1  }
0x2ff: {  	v3 =	vperm.xlane v3, v2;
	v4 =	vadd.s32 v1, v4;
	_ =	sdelay $0x1  }
0x300: {  	v3 =	vadd.s32 v1, v3;
	_ =	sdelay $0x1  }
0x301: {  	s19 =	simm.s32 $0xD100  }
0x302: {  	[tilespmem:s19], [sflag:$0x2] =	stream.indirect_vreg.gather [hbm4b:s3+s2], $0x80, v4, vm0, $0xb8;
	[tilespmem:$0x10100] =	vst v63  }
0x303: {  	s25 =	simm.s32 $0xD900  }
0x304: {  	[tilespmem:s25], [sflag:$0x2] =	stream.indirect_vreg.gather [hbm4b:s3+s2], $0x80, v3, vm0, $0xb8;
	[tilespmem:$0x10100] =	vst v63  }
0x305: {  	v3 =	vld [tilespmem:$0xE0];
	_ =	sdelay $0x4  }
0x306: {  	v62 =	vshll.u32 v3, $0x1  }
0x307: {  	v3 =	vand.u32 $0x7, v3;
	v4 =	vand.u32 $0xFFFFFFF0, v62  }
0x308: {  	v3 =	vor.u32 v3, v4  }
0x309: {  	v4 =	vperm.xlane v3, v0;
	_ =	sdelay $0x1  }
0x30a: {  	v3 =	vperm.xlane v3, v2;
	v4 =	vadd.s32 v1, v4;
	_ =	sdelay $0x1  }
0x30b: {  	v3 =	vadd.s32 v1, v3;
	_ =	sdelay $0x1  }
0x30c: {  	s21 =	simm.s32 $0xE100  }
0x30d: {  	[tilespmem:s21], [sflag:$0x2] =	stream.indirect_vreg.gather [hbm4b:s3+s2], $0x80, v4, vm0, $0xb8;
	[tilespmem:$0x10100] =	vst v63  }
0x30e: {  	s26 =	simm.s32 $0xE900  }
0x30f: {  	[tilespmem:s26], [sflag:$0x2] =	stream.indirect_vreg.gather [hbm4b:s3+s2], $0x80, v3, vm0, $0xb8;
	[tilespmem:$0x10100] =	vst v63  }
0x310: {  	v3 =	vld [tilespmem:$0xF0];
	_ =	sdelay $0x4  }
0x311: {  	v63 =	vshll.u32 v3, $0x1  }
0x312: {  	v3 =	vand.u32 $0x7, v3;
	v4 =	vand.u32 $0xFFFFFFF0, v63  }
0x313: {  	v3 =	vor.u32 v3, v4  }
0x314: {  	v4 =	vperm.xlane v3, v0;
	_ =	sdelay $0x1  }
0x315: {  	v3 =	vperm.xlane v3, v2;
	v4 =	vadd.s32 v1, v4;
	_ =	sdelay $0x1  }
0x316: {  	v3 =	vadd.s32 v1, v3;
	_ =	sdelay $0x1  }
0x317: {  	s24 =	simm.s32 $0xF100  }
0x318: {  	[tilespmem:s24], [sflag:$0x2] =	stream.indirect_vreg.gather [hbm4b:s3+s2], $0x80, v4, vm0, $0xb8;
	[tilespmem:$0x10100] =	vst v63  }
0x319: {  	s28 =	simm.s32 $0xF900  }
0x31a: {  	[tilespmem:s28], [sflag:$0x2] =	stream.indirect_vreg.gather [hbm4b:s3+s2], $0x80, v3, vm0, $0xb8;
	[tilespmem:$0x10100] =	vst v63  }
0x31b: {  	_ =	swait.ge [sflag:s13], $0x8000  }
0x31c: {  	[sflag:s13] =	ssyncset.done $0x0  }
0x31d: {  	s30 =	rddreg [dreg:$0x11];
	[sflag:s13] =	ssyncadd.s32 $0xFFFF8000  }
0x31e: {  	[hbm4b:s30+s2] =	stream.linear.scatter [tilespmem:s29], [sflag:$0x3], $0x8000, $0x38;
	[tilespmem:$0x10100] =	vst v63  }
0x31f: {  	_ =	swait.ge [sflag:s5], $0x8000  }
0x320: {  	[sflag:s5] =	ssyncset.done $0x0  }
0x321: {  	[sflag:s5] =	ssyncadd.s32 $0xFFFF8000  }
0x322: {  	_ =	swait.ge [sflag:s14], $0x8000  }
0x323: {  	p0 =	sne.s32 s4, $0x1;
	[sflag:s14] =	ssyncset.done $0x0  }
.Ltmp0:
0x324: {  	s31 =	rddreg [dreg:$0x12];
	[sflag:s14] =	ssyncadd.s32 $0xFFFF8000;
	(pc) =	sbr.rel @p0 .LBB2_1-.Ltmp0, $4  }
0x325: {  	[hbm4b:s31+s2] =	stream.linear.scatter [tilespmem:s23], [sflag:$0x3], $0x8000, $0x38;
	[tilespmem:$0x10100] =	vst v63  }
0x326: {  	_ =	swait.ge [sflag:s5], $0x8000  }
0x327: {  	[sflag:s5] =	ssyncset.done $0x0  }
0x328: {  	s4 =	sadd.s32 $0xFFFFFFFF, s4;
	[sflag:s5] =	ssyncadd.s32 $0xFFFF8000  }
0x329: {  	_ =	sfence.sel $0x180000  }
0x32a: {  	[bflag:$0x0] =	sbarrier.arrive $0xFFFF  }
0x32b: {  	_ =	strace $0x90000047  }
0x32c: {  	s0 =	stileid.u32;
	[bflag:$0x2] =	sbarrier.arrive $0xFFFF  }
0x32d: {  	p0 =	sne.s32 s0, $0x0;
	s0 =	rddreg [dreg:$0x2]  }
0x32e: {  	s0 =	sadd.s32 @!p0 $0x100000, s0  }
0x32f: {  	[sflag:s0] =	ssyncadd.tile.s32 @!p0 $0x1;
	_ =	shalt  }
.Lfunc_end2:
_tile_overlayer_lowered:
.L_overlay_start_2:
0x330: {  	(tag) =	ssettag $0x2  }
0x331: {  	s0 =	rddreg [dreg:$0x0];
	s2 =	stileid.u32  }
0x332: {  	s1 =	rddreg [dreg:$0x1];
	p0 =	sne.s32 s2, $0x0  }
0x333: {  	s3 =	rddreg [dreg:$0x2];
	[bflag:$0x3] =	sbarrier.arrive $0xFFFF;
	s2 =	simm.s32 @!p0 $0x1C03  }
0x334: {  	[timem:s3], [sflag:s2] =	dma.local @!p0 [hbm:s0], s1  }
0x335: {  	s0 =	simm.s32 @!p0 $0x3  }
0x336: {  	_ =	swait.ge @!p0 [sflag:s0], s1  }
0x337: {  	s1 =	ssub.s32 @!p0 $0x0, s1;
	[sflag:s0] =	ssyncset.done @!p0 $0x0  }
0x338: {  	[sflag:s0] =	ssyncadd.s32 @!p0 s1  }
0x339: {  	[bflag:$0x3] =	sbarrier.arrive $0xFFFF  }
0x33a: {  	_ =	shalt  }

</sc_bundles>
